<compile_context>
chip_gen: v7x
topology: tpu7x:2x2x1
jax: 0.10.2.dev20260603
libtpu: 0.0.44.dev20260713+nightly
codegen_flags: <defaults>
</compile_context>

<pallas_src>
import functools

import jax
import jax.numpy as jnp
from jax.experimental import pallas as pl
from jax.experimental.pallas import tpu as pltpu
from jax.experimental.pallas import tpu_sc as plsc

B = 4
N = 16384
NPT = 1024
RAD2 = (0.25, 1.0)
NS = (16, 32)


def _fps_body(x_ref, y_ref, z_ref, ox_ref, oy_ref, oz_ref, d_ref):
    x = x_ref[...]
    y = y_ref[...]
    z = z_ref[...]
    lin = (jax.lax.broadcasted_iota(jnp.int32, (1, 128, 128), 1) * 128
           + jax.lax.broadcasted_iota(jnp.int32, (1, 128, 128), 2))
    ii = jax.lax.broadcasted_iota(jnp.int32, (B, NPT), 1)
    d_ref[...] = jnp.full((B, 128, 128), 1e10, jnp.float32)

    xyzcat = jnp.concatenate([x, y, z], axis=0)

    def step(i, far):
        sel = lin == far
        selcat = jnp.concatenate([sel, sel, sel], axis=0)
        csum = jnp.sum(jnp.where(selcat, xyzcat, 0.0),
                       axis=(1, 2), keepdims=True)
        cx = csum[0:B]
        cy = csum[B:2 * B]
        cz = csum[2 * B:3 * B]
        hit = ii == i
        ox_ref[...] = jnp.where(hit, cx[:, :, 0], ox_ref[...])
        oy_ref[...] = jnp.where(hit, cy[:, :, 0], oy_ref[...])
        oz_ref[...] = jnp.where(hit, cz[:, :, 0], oz_ref[...])
        d = (x - cx) ** 2 + (y - cy) ** 2 + (z - cz) ** 2
        dn = jnp.minimum(d_ref[...], d)
        d_ref[...] = dn
        m = jnp.max(dn, axis=(1, 2), keepdims=True)
        return jnp.min(jnp.where(dn == m, lin, jnp.int32(N)),
                       axis=(1, 2), keepdims=True)

    jax.lax.fori_loop(0, NPT, step, jnp.zeros((B, 1, 1), jnp.int32))


def _fps(xs, ys, zs):
    out = jax.ShapeDtypeStruct((B, NPT), jnp.float32)
    return pl.pallas_call(
        _fps_body,
        out_shape=[out, out, out],
        scratch_shapes=[pltpu.VMEM((B, 128, 128), jnp.float32)],
    )(xs, ys, zs)



_CB = 256
_JC = 2048
_NJ = N // _JC
_KB = 8


def _cumsum_lanes(m):
    x = m
    k = 1
    while k < _JC:
        x = x + jnp.concatenate(
            [jnp.zeros((_CB, k), jnp.int32), x[:, :-k]], axis=1)
        k *= 2
    return x


def _select_body(x_ref, c_ref, o1_ref, o2_ref, car1, car2):
    j = pl.program_id(2)

    @pl.when(j == 0)
    def _():
        car1[...] = jnp.zeros((_CB, 1), jnp.int32)
        car2[...] = jnp.zeros((_CB, 1), jnp.int32)
        o1_ref[...] = jnp.zeros((1, _CB, NS[0]), jnp.int32)
        o2_ref[...] = jnp.zeros((1, _CB, NS[1]), jnp.int32)

    act1 = jnp.min(car1[...]) < NS[0]
    act2 = jnp.min(car2[...]) < NS[1]

    def scale_work(d2, r2, ns, o_ref, car):
        mask = d2 <= r2
        pos = car[...] + _cumsum_lanes(mask.astype(jnp.int32))
        cols = [jnp.sum(pos <= k, axis=1, keepdims=True, dtype=jnp.int32)
                for k in range(ns)]
        o_ref[0] = o_ref[0] + jnp.concatenate(cols, axis=1)
        car[...] = pos[:, _JC - 1:_JC]

    @pl.when(jnp.logical_or(act1, act2))
    def _():
        cx = c_ref[0, :, 0:1]
        cy = c_ref[0, :, 1:2]
        cz = c_ref[0, :, 2:3]
        xj = x_ref[0, 0:1, :]
        yj = x_ref[0, 1:2, :]
        zj = x_ref[0, 2:3, :]
        d2 = (cx - xj) ** 2 + (cy - yj) ** 2 + (cz - zj) ** 2
        pl.when(act1)(
            lambda: scale_work(d2, RAD2[0], NS[0], o1_ref, car1))
        pl.when(act2)(
            lambda: scale_work(d2, RAD2[1], NS[1], o2_ref, car2))

    @pl.when(j == _NJ - 1)
    def _():
        for o_ref in (o1_ref, o2_ref):
            v = o_ref[0]
            first = v[:, 0:1]
            o_ref[0] = jnp.where(v == N, first, v)


def _select(xyz_t, cents):
    return pl.pallas_call(
        _select_body,
        grid=(B, NPT // _CB, _NJ),
        in_specs=[
            pl.BlockSpec((1, 3, _JC), lambda b, c, j: (b, 0, j)),
            pl.BlockSpec((1, _CB, 3), lambda b, c, j: (b, c, 0)),
        ],
        out_specs=[
            pl.BlockSpec((1, _CB, NS[0]), lambda b, c, j: (b, c, 0)),
            pl.BlockSpec((1, _CB, NS[1]), lambda b, c, j: (b, c, 0)),
        ],
        out_shape=[
            jax.ShapeDtypeStruct((B, NPT, NS[0]), jnp.int32),
            jax.ShapeDtypeStruct((B, NPT, NS[1]), jnp.int32),
        ],
        scratch_shapes=[pltpu.VMEM((_CB, 1), jnp.int32),
                        pltpu.VMEM((_CB, 1), jnp.int32)],
    )(xyz_t, cents)



def _mm_bias_body(x_ref, w_ref, b_ref, o_ref):
    o_ref[...] = jnp.dot(x_ref[...], w_ref[...],
                         preferred_element_type=jnp.float32) + b_ref[...]


def _mm_bias(x, w, b2d, blk):
    rows, kdim = x.shape
    odim = w.shape[1]
    return pl.pallas_call(
        _mm_bias_body,
        grid=(rows // blk,),
        in_specs=[
            pl.BlockSpec((blk, kdim), lambda i: (i, 0)),
            pl.BlockSpec((kdim, odim), lambda i: (0, 0)),
            pl.BlockSpec((1, odim), lambda i: (0, 0)),
        ],
        out_specs=pl.BlockSpec((blk, odim), lambda i: (i, 0)),
        out_shape=jax.ShapeDtypeStruct((rows, odim), jnp.float32),
    )(x, w, b2d)



def _sc_gather(table, gidx, num):
    mesh = plsc.VectorSubcoreMesh(core_axis_name="c", subcore_axis_name="s")

    @functools.partial(
        pl.kernel,
        out_type=jax.ShapeDtypeStruct((num, 128), jnp.float32),
        mesh=mesh,
    )
    def _k(x_hbm, i_hbm, o_hbm):
        def body(i_vmem, o_vmem):
            pltpu.sync_copy(x_hbm.at[i_vmem.at[0]], o_vmem)

        pltpu.emit_pipeline(
            body,
            grid=(num // 128,),
            in_specs=[pl.BlockSpec((1, 128), lambda i: (0, i))],
            out_specs=[pl.BlockSpec((128, 128), lambda i: (i, 0))],
            core_axis_name=("c", "s"),
            dimension_semantics=(pltpu.PARALLEL,),
        )(i_hbm, o_hbm)

    return _k(table, gidx)



_CB5 = 128


def _tail_body(ns, g_ref, q_ref, w1_ref, b1_ref, w2_ref, b2_ref, o_ref):
    qb = q_ref[...]
    d1 = qb.shape[1]
    qrep = jnp.concatenate([qb] * ns, axis=0)
    h1 = jnp.maximum(g_ref[:, 0:d1] - qrep, 0.0)
    h2 = jnp.maximum(
        jnp.dot(h1, w1_ref[...], preferred_element_type=jnp.float32)
        + b1_ref[...], 0.0)
    h3 = jnp.maximum(
        jnp.dot(h2, w2_ref[...], preferred_element_type=jnp.float32)
        + b2_ref[...], 0.0)
    m = h3[0:_CB5]
    for k in range(1, ns):
        m = jnp.maximum(m, h3[k * _CB5:(k + 1) * _CB5])
    o_ref[...] = m


def _tail(g, q, w1, b1_2d, w2, b2_2d, ns):
    d1 = w1.shape[0]
    dm = w1.shape[1]
    do = w2.shape[1]
    nrows = _CB5 * ns
    return pl.pallas_call(
        functools.partial(_tail_body, ns),
        grid=(B * NPT // _CB5,),
        in_specs=[
            pl.BlockSpec((nrows, 128), lambda i: (i, 0)),
            pl.BlockSpec((_CB5, d1), lambda i: (i, 0)),
            pl.BlockSpec((d1, dm), lambda i: (0, 0)),
            pl.BlockSpec((1, dm), lambda i: (0, 0)),
            pl.BlockSpec((dm, do), lambda i: (0, 0)),
            pl.BlockSpec((1, do), lambda i: (0, 0)),
        ],
        out_specs=pl.BlockSpec((_CB5, do), lambda i: (i, 0)),
        out_shape=jax.ShapeDtypeStruct((B * NPT, do), jnp.float32),
    )(g, q, w1, b1_2d, w2, b2_2d)



def kernel(pointcloud, w1_0, b1_0, w1_1, b1_1, w1_2, b1_2,
           w2_0, b2_0, w2_1, b2_1, w2_2, b2_2):
    pc_t = jnp.transpose(pointcloud, (0, 2, 1))
    xyz_t = pc_t[:, :3, :]

    xyz_sq = xyz_t.reshape(B, 3, 128, 128)
    cxs, cys, czs = _fps(xyz_sq[:, 0], xyz_sq[:, 1], xyz_sq[:, 2])
    cents = jnp.stack([cxs, cys, czs], axis=-1)

    idx1, idx2 = _select(xyz_t, cents)

    pc_flat = pointcloud.reshape(B * N, 6)
    c_flat = cents.reshape(B * NPT, 3)
    boff = (jnp.arange(B, dtype=jnp.int32) * N)[:, None, None]

    outs = []
    params = ((w1_0, b1_0, w1_1, b1_1, w1_2, b1_2, idx1, NS[0]),
              (w2_0, b2_0, w2_1, b2_1, w2_2, b2_2, idx2, NS[1]))
    for w0, b0, w1, b1, w2, b2, idx, ns in params:
        w0p = jnp.pad(w0, ((0, 0), (0, 128 - w0.shape[1])))
        b0p = jnp.pad(b0.reshape(1, -1), ((0, 0), (0, 128 - w0.shape[1])))
        p_tab = _mm_bias(pc_flat, w0p, b0p, 1024)
        q_tab = _mm_bias(c_flat, w0[:3], jnp.zeros((1, w0.shape[1]),
                                                   jnp.float32), B * NPT)
        num = B * NPT * ns
        gidx = ((idx + boff).reshape(B * NPT, ns)
                .reshape(B * NPT // _CB5, _CB5, ns)
                .transpose(0, 2, 1).reshape(1, num))
        g = _sc_gather(p_tab, gidx, num)
        o = _tail(g, q_tab, w1, b1.reshape(1, -1),
                  w2, b2.reshape(1, -1), ns)
        outs.append(o.reshape(B, NPT, -1))

    return jnp.concatenate(outs, axis=-1)

# --- scband reference (transcript-rebuilt; emitter-appended) ---
"""Pipeline reference for scband-pointnet2-msg-12678743458428 (READ-ONLY COPY).

The authoritative reference and input builder live on the scoring server;
editing this copy changes nothing except your own understanding.
"""

import jax, jax.numpy as jnp
import numpy as np

NPOINT = 1024
RADII = (0.5, 1.0)
NSAMPLES = (16, 32)
DIMS1 = (6, 64, 64, 128)
DIMS2 = (6, 64, 96, 128)


def fps(xyz, npoint):
    B, N, _ = xyz.shape
    def body(i, state):
        idxs, dists, farthest = state
        idxs = idxs.at[:, i].set(farthest)
        centroid = xyz[jnp.arange(B), farthest][:, None, :]
        d = jnp.sum((xyz - centroid) ** 2, axis=-1)
        dists = jnp.minimum(dists, d)
        farthest = jnp.argmax(dists, axis=-1).astype(jnp.int32)
        return (idxs, dists, farthest)
    idxs = jnp.zeros((B, npoint), jnp.int32)
    dists = jnp.full((B, N), 1e10, jnp.float32)
    farthest = jnp.zeros((B,), jnp.int32)
    idxs, _, _ = jax.lax.fori_loop(0, npoint, body, (idxs, dists, farthest))
    return idxs


def gather_points(x, idx):
    return jax.vmap(lambda a, i: a[i])(x, idx)


def ball_query(xyz, new_xyz, radius, nsample):
    N = xyz.shape[1]
    d2 = jnp.sum((new_xyz[:, :, None, :] - xyz[:, None, :, :]) ** 2, axis=-1)
    ar = jnp.arange(N, dtype=jnp.int32)
    idx = jnp.where(d2 <= radius * radius, ar[None, None, :], N).astype(jnp.int32)
    idx = jnp.sort(idx, axis=-1)[:, :, :nsample]
    first = idx[:, :, :1]
    first = jnp.where(first == N, 0, first)
    idx = jnp.where(idx == N, first, idx)
    return idx


def setup_inputs(seed: int = 0):
    key = jax.random.key(seed)
    keys = jax.random.split(key, 16)
    inp = {}
    inp['pointcloud'] = jax.random.normal(keys[0], (4, 16384, 6), jnp.float32)
    k = 1
    for s, dims in ((1, DIMS1), (2, DIMS2)):
        for i in range(3):
            inp['w%d_%d' % (s, i)] = jax.random.normal(keys[k], (dims[i], dims[i + 1]), jnp.float32) / np.sqrt(dims[i])
            inp['b%d_%d' % (s, i)] = jnp.zeros((dims[i + 1],), jnp.float32)
            k += 1
    return inp


def reference(pointcloud, w1_0, b1_0, w1_1, b1_1, w1_2, b1_2, w2_0, b2_0, w2_1, b2_1, w2_2, b2_2):
    xyz = pointcloud[..., :3]
    feats = pointcloud[..., 3:]
    fidx = fps(xyz, NPOINT)
    new_xyz = gather_points(xyz, fidx)
    params = (((w1_0, b1_0), (w1_1, b1_1), (w1_2, b1_2)),
              ((w2_0, b2_0), (w2_1, b2_1), (w2_2, b2_2)))
    outs = []
    for radius, nsample, ps in zip(RADII, NSAMPLES, params):
        idx = ball_query(xyz, new_xyz, radius, nsample)
        g_xyz = gather_points(xyz, idx) - new_xyz[:, :, None, :]
        g_feat = gather_points(feats, idx)
        h = jnp.concatenate([g_xyz, g_feat], axis=-1)
        for W, b in ps:
            h = jax.nn.relu(h @ W + b)
        outs.append(jnp.max(h, axis=2))
    return jnp.concatenate(outs, axis=-1)

if __name__ == "__main__":
    import jax
    _d = setup_inputs()
    print(jax.jit(kernel)(*tuple(_d.values())))

</pallas_src>

<mosaic_0001>
#map = affine_map<(d0, d1) -> (0, 0)>
module attributes {stable_mosaic.version = 14 : i64} {
  func.func @_k(%arg0: i32, %arg1: i32, %arg2: memref<65536x128xf32, #tpu.memory_space<hbm>>, %arg3: memref<1x131072xi32, #tpu.memory_space<hbm>>, %arg4: memref<131072x128xf32, #tpu.memory_space<hbm>>) attributes {dimension_semantics = [#tpu.dimension_semantics<core_parallel>, #tpu.dimension_semantics<subcore_parallel>], iteration_bounds = array<i64: 2, 16>, scalar_prefetch = 0 : i64, scratch_operands = 0 : i64, tpu.core_type = #tpu.core_type<sc_vector_subcore>, window_params = [{transform_indices = #map}, {transform_indices = #map}, {transform_indices = #map}]} {
    %mul3A = arith.constant 1 : i32
    %mul3A_0 = arith.muli %arg1, %mul3A : i32
    %add3A = arith.constant 0 : i32
    %add3A_1 = arith.addi %add3A, %mul3A_0 : i32
    %mul3A_2 = arith.constant 16 : i32
    %mul3A_3 = arith.muli %arg0, %mul3A_2 : i32
    %add3A_4 = arith.addi %add3A_1, %mul3A_3 : i32
    %mul3A_5 = arith.constant 32 : i32
    %mul3A_6 = arith.muli %add3A_4, %mul3A_5 : i32
    "tpu.region"() ({
      %run_scoped3A = memref.alloca() : memref<2x1x128xi32, #tpu.memory_space<vmem>>
      %run_scoped3A_7 = tpu.sem_alloc : memref<2x!tpu.dma_semaphore, #tpu.memory_space<semaphore_mem>>
      %run_scoped3A_8 = memref.alloca() : memref<2x128x128xf32, #tpu.memory_space<vmem>>
      %run_scoped3A_9 = tpu.sem_alloc : memref<2x!tpu.dma_semaphore, #tpu.memory_space<semaphore_mem>>
      %add3A_10 = arith.constant 0 : i32
      %add3A_11 = arith.addi %add3A_10, %mul3A_6 : i32
      %select_n3A = arith.constant true
      %select_n3A_12 = arith.constant 0 : i32
      %select_n3A_13 = arith.constant -1 : i32
      %select_n3A_14 = arith.select %select_n3A, %select_n3A_13, %select_n3A_12 : i32
      %eq3A = arith.constant -1 : i32
      %eq3A_15 = arith.cmpi eq, %select_n3A_14, %eq3A : i32
      %select_n3A_16 = arith.constant 31 : i32
      %select_n3A_17 = arith.select %eq3A_15, %select_n3A_16, %select_n3A_14 : i32
      %add3A_18 = arith.addi %select_n3A_17, %mul3A_6 : i32
      %select_n3A_19 = arith.constant true
      %select_n3A_20 = arith.constant 0 : i32
      %select_n3A_21 = arith.constant 1 : i32
      %select_n3A_22 = arith.select %select_n3A_19, %select_n3A_21, %select_n3A_20 : i32
      %eq3A_23 = arith.constant 32 : i32
      %eq3A_24 = arith.cmpi eq, %select_n3A_22, %eq3A_23 : i32
      %select_n3A_25 = arith.constant 0 : i32
      %select_n3A_26 = arith.select %eq3A_24, %select_n3A_25, %select_n3A_22 : i32
      %add3A_27 = arith.addi %select_n3A_26, %mul3A_6 : i32
      %add3A_28 = arith.constant 1 : i32
      %add3A_29 = arith.addi %select_n3A_26, %add3A_28 : i32
      %select_n3A_30 = arith.constant true
      %select_n3A_31 = arith.select %select_n3A_30, %add3A_29, %select_n3A_26 : i32
      %eq3A_32 = arith.constant 32 : i32
      %eq3A_33 = arith.cmpi eq, %select_n3A_31, %eq3A_32 : i32
      %select_n3A_34 = arith.constant 0 : i32
      %select_n3A_35 = arith.select %eq3A_33, %select_n3A_34, %select_n3A_31 : i32
      %add3A_36 = arith.addi %select_n3A_35, %mul3A_6 : i32
      "tpu.trace_start"() <{level = 10 : i32, message = "ep_initialize_0"}> : () -> ()
      %rem3A = arith.constant 0 : i32
      %rem3A_37 = arith.constant 2 : i32
      %rem3A_38 = arith.remui %rem3A, %rem3A_37 : i32
      %mul3A_39 = arith.constant 128 : i32
      %mul3A_40 = arith.muli %mul3A_39, %add3A_11 : i32
      %dma_start3A = arith.constant 0 : i32
      %dma_start3A_41 = arith.constant 0 : i32
      %dma_start3A_42 = tpu.memref_slice %run_scoped3A[%rem3A_38, %dma_start3A, %dma_start3A_41] : memref<2x1x128xi32, #tpu.memory_space<vmem>> -> memref<1x1x128xi32, #tpu.memory_space<vmem>>
      %dma_start3A_43 = tpu.memref_squeeze %dma_start3A_42 : memref<1x1x128xi32, #tpu.memory_space<vmem>> -> memref<1x128xi32, #tpu.memory_space<vmem>>
      %dma_start3A_44 = arith.constant 0 : i32
      %dma_start3A_45 = tpu.memref_slice %arg3[%dma_start3A_44, %mul3A_40] : memref<1x131072xi32, #tpu.memory_space<hbm>> -> memref<1x128xi32, #tpu.memory_space<hbm>>
      %dma_start3A_46 = tpu.memref_slice %run_scoped3A_7[%rem3A_38] : memref<2x!tpu.dma_semaphore, #tpu.memory_space<semaphore_mem>> -> memref<1x!tpu.dma_semaphore, #tpu.memory_space<semaphore_mem>>
      %dma_start3A_47 = tpu.memref_squeeze %dma_start3A_46 : memref<1x!tpu.dma_semaphore, #tpu.memory_space<semaphore_mem>> -> memref<!tpu.dma_semaphore, #tpu.memory_space<semaphore_mem>>
      %dma_start3A_48 = arith.constant 0 : i32
      %dma_start3A_49 = arith.constant 0 : i32
      %dma_start3A_50 = tpu.memref_slice %run_scoped3A[%rem3A_38, %dma_start3A_48, %dma_start3A_49] : memref<2x1x128xi32, #tpu.memory_space<vmem>> -> memref<1x1x128xi32, #tpu.memory_space<vmem>>
      %dma_start3A_51 = tpu.memref_squeeze %dma_start3A_50 : memref<1x1x128xi32, #tpu.memory_space<vmem>> -> memref<1x128xi32, #tpu.memory_space<vmem>>
      %dma_start3A_52 = arith.constant 0 : i32
      %dma_start3A_53 = tpu.memref_slice %arg3[%dma_start3A_52, %mul3A_40] : memref<1x131072xi32, #tpu.memory_space<hbm>> -> memref<1x128xi32, #tpu.memory_space<hbm>>
      tpu.enqueue_dma source(%dma_start3A_53 : memref<1x128xi32, #tpu.memory_space<hbm>>) target(%dma_start3A_51 : memref<1x128xi32, #tpu.memory_space<vmem>>) target_semaphore(%dma_start3A_47 : memref<!tpu.dma_semaphore, #tpu.memory_space<semaphore_mem>>)
      %add3A_54 = arith.constant 0 : i32
      %add3A_55 = arith.constant 1 : i32
      %add3A_56 = arith.addi %add3A_54, %add3A_55 : i32
      %select_n3A_57 = arith.constant true
      %select_n3A_58 = arith.constant 0 : i32
      %select_n3A_59 = arith.select %select_n3A_57, %add3A_56, %select_n3A_58 : i32
      "tpu.trace_stop"() : () -> ()
      %scan3A = arith.constant 0 : i32
      %scan3A_60 = arith.constant 0 : i32
      %scan3A_61 = arith.constant 0 : i32
      %scan3A_62 = arith.constant 0 : i32
      %scan3A_63 = arith.constant 0 : i32
      %scan3A_64 = arith.constant 32 : i32
      %scan3A_65 = arith.addi %scan3A_63, %scan3A_64 : i32
      %scan3A_66 = arith.constant 1 : i32
      %scan3A_67:5 = scf.for %scan3A_121 = %scan3A_63 to %scan3A_65 step %scan3A_66 iter_args(%scan3A_122 = %select_n3A_59, %scan3A_123 = %scan3A, %scan3A_124 = %scan3A_60, %scan3A_125 = %scan3A_61, %scan3A_126 = %scan3A_62) -> (i32, i32, i32, i32, i32)  : i32 {
        %eq3A_127 = arith.constant 0 : i32
        %eq3A_128 = arith.cmpi eq, %scan3A_121, %eq3A_127 : i32
        %eq3A_129 = arith.constant 31 : i32
        %eq3A_130 = arith.cmpi eq, %scan3A_121, %eq3A_129 : i32
        %add3A_131 = arith.addi %scan3A_126, %mul3A_6 : i32
        %sub3A_132 = arith.constant 1 : i32
        %sub3A_133 = arith.subi %scan3A_126, %sub3A_132 : i32
        %select_n3A_134 = arith.constant true
        %select_n3A_135 = arith.select %select_n3A_134, %sub3A_133, %scan3A_126 : i32
        %eq3A_136 = arith.constant -1 : i32
        %eq3A_137 = arith.cmpi eq, %select_n3A_135, %eq3A_136 : i32
        %select_n3A_138 = arith.constant 31 : i32
        %select_n3A_139 = arith.select %eq3A_137, %select_n3A_138, %select_n3A_135 : i32
        %add3A_140 = arith.addi %select_n3A_139, %mul3A_6 : i32
        %add3A_141 = arith.constant 1 : i32
        %add3A_142 = arith.addi %scan3A_126, %add3A_141 : i32
        %select_n3A_143 = arith.constant true
        %select_n3A_144 = arith.select %select_n3A_143, %add3A_142, %scan3A_126 : i32
        %eq3A_145 = arith.constant 32 : i32
        %eq3A_146 = arith.cmpi eq, %select_n3A_144, %eq3A_145 : i32
        %select_n3A_147 = arith.constant 0 : i32
        %select_n3A_148 = arith.select %eq3A_146, %select_n3A_147, %select_n3A_144 : i32
        %add3A_149 = arith.addi %select_n3A_148, %mul3A_6 : i32
        %add3A_150 = arith.constant 1 : i32
        %add3A_151 = arith.addi %select_n3A_148, %add3A_150 : i32
        %select_n3A_152 = arith.constant true
        %select_n3A_153 = arith.select %select_n3A_152, %add3A_151, %select_n3A_148 : i32
        %eq3A_154 = arith.constant 32 : i32
        %eq3A_155 = arith.cmpi eq, %select_n3A_153, %eq3A_154 : i32
        %select_n3A_156 = arith.constant 0 : i32
        %select_n3A_157 = arith.select %eq3A_155, %select_n3A_156, %select_n3A_153 : i32
        %add3A_158 = arith.addi %select_n3A_157, %mul3A_6 : i32
        %ne3A = arith.cmpi ne, %add3A_131, %add3A_149 : i32
        %or3A = arith.constant false
        %or3A_159 = arith.ori %or3A, %ne3A : i1
        %ge3A = arith.constant 31 : i32
        %ge3A_160 = arith.cmpi sge, %scan3A_121, %ge3A : i32
        %not3A = arith.constant true
        %not3A_161 = arith.xori %ge3A_160, %not3A : i1
        %and3A = arith.andi %or3A_159, %not3A_161 : i1
        %convert_element_type3A = arith.extui %and3A : i1 to i32
        %cond3A = arith.constant 0 : i32
        %cond3A_162 = arith.cmpi ne, %convert_element_type3A, %cond3A : i32
        scf.if %cond3A_162 {
          "tpu.trace_start"() <{level = 10 : i32, message = "ep_copy_in"}> : () -> ()
          %rem3A_264 = arith.constant 2 : i32
          %rem3A_265 = arith.remui %scan3A_122, %rem3A_264 : i32
          %mul3A_266 = arith.constant 128 : i32
          %mul3A_267 = arith.muli %mul3A_266, %add3A_149 : i32
          %dma_start3A_268 = arith.constant 0 : i32
          %dma_start3A_269 = arith.constant 0 : i32
          %dma_start3A_270 = tpu.memref_slice %run_scoped3A[%rem3A_265, %dma_start3A_268, %dma_start3A_269] : memref<2x1x128xi32, #tpu.memory_space<vmem>> -> memref<1x1x128xi32, #tpu.memory_space<vmem>>
          %dma_start3A_271 = tpu.memref_squeeze %dma_start3A_270 : memref<1x1x128xi32, #tpu.memory_space<vmem>> -> memref<1x128xi32, #tpu.memory_space<vmem>>
          %dma_start3A_272 = arith.constant 0 : i32
          %dma_start3A_273 = tpu.memref_slice %arg3[%dma_start3A_272, %mul3A_267] : memref<1x131072xi32, #tpu.memory_space<hbm>> -> memref<1x128xi32, #tpu.memory_space<hbm>>
          %dma_start3A_274 = tpu.memref_slice %run_scoped3A_7[%rem3A_265] : memref<2x!tpu.dma_semaphore, #tpu.memory_space<semaphore_mem>> -> memref<1x!tpu.dma_semaphore, #tpu.memory_space<semaphore_mem>>
          %dma_start3A_275 = tpu.memref_squeeze %dma_start3A_274 : memref<1x!tpu.dma_semaphore, #tpu.memory_space<semaphore_mem>> -> memref<!tpu.dma_semaphore, #tpu.memory_space<semaphore_mem>>
          %dma_start3A_276 = arith.constant 0 : i32
          %dma_start3A_277 = arith.constant 0 : i32
          %dma_start3A_278 = tpu.memref_slice %run_scoped3A[%rem3A_265, %dma_start3A_276, %dma_start3A_277] : memref<2x1x128xi32, #tpu.memory_space<vmem>> -> memref<1x1x128xi32, #tpu.memory_space<vmem>>
          %dma_start3A_279 = tpu.memref_squeeze %dma_start3A_278 : memref<1x1x128xi32, #tpu.memory_space<vmem>> -> memref<1x128xi32, #tpu.memory_space<vmem>>
          %dma_start3A_280 = arith.constant 0 : i32
          %dma_start3A_281 = tpu.memref_slice %arg3[%dma_start3A_280, %mul3A_267] : memref<1x131072xi32, #tpu.memory_space<hbm>> -> memref<1x128xi32, #tpu.memory_space<hbm>>
          tpu.enqueue_dma source(%dma_start3A_281 : memref<1x128xi32, #tpu.memory_space<hbm>>) target(%dma_start3A_279 : memref<1x128xi32, #tpu.memory_space<vmem>>) target_semaphore(%dma_start3A_275 : memref<!tpu.dma_semaphore, #tpu.memory_space<semaphore_mem>>)
          "tpu.trace_stop"() : () -> ()
        } else {
        }
        %and3A_163 = arith.constant true
        %and3A_164 = arith.andi %and3A, %and3A_163 : i1
        %add3A_165 = arith.constant 1 : i32
        %add3A_166 = arith.addi %scan3A_122, %add3A_165 : i32
        %select_n3A_167 = arith.select %and3A_164, %add3A_166, %scan3A_122 : i32
        %ne3A_168 = arith.cmpi ne, %add3A_131, %add3A_149 : i32
        %or3A_169 = arith.constant false
        %or3A_170 = arith.ori %or3A_169, %ne3A_168 : i1
        %or3A_171 = arith.constant false
        %or3A_172 = arith.ori %or3A_170, %or3A_171 : i1
        %ge3A_173 = arith.constant 31 : i32
        %ge3A_174 = arith.cmpi sge, %scan3A_121, %ge3A_173 : i32
        %not3A_175 = arith.constant true
        %not3A_176 = arith.xori %ge3A_174, %not3A_175 : i1
        %and3A_177 = arith.andi %or3A_172, %not3A_176 : i1
        %ne3A_178 = arith.cmpi ne, %add3A_131, %add3A_140 : i32
        %or3A_179 = arith.constant false
        %or3A_180 = arith.ori %or3A_179, %ne3A_178 : i1
        %or3A_181 = arith.ori %or3A_180, %eq3A_128 : i1
        %convert_element_type3A_182 = arith.extui %or3A_181 : i1 to i32
        %cond3A_183 = arith.constant 0 : i32
        %cond3A_184 = arith.cmpi ne, %convert_element_type3A_182, %cond3A_183 : i32
        scf.if %cond3A_184 {
          "tpu.trace_start"() <{level = 10 : i32, message = "ep_wait_in"}> : () -> ()
          %mul3A_264 = arith.constant 128 : i32
          %mul3A_265 = arith.muli %mul3A_264, %add3A_131 : i32
          %rem3A_266 = arith.constant 2 : i32
          %rem3A_267 = arith.remui %scan3A_123, %rem3A_266 : i32
          %dma_wait3A_268 = arith.constant 0 : i32
          %dma_wait3A_269 = arith.constant 0 : i32
          %dma_wait3A_270 = tpu.memref_slice %run_scoped3A[%rem3A_267, %dma_wait3A_268, %dma_wait3A_269] : memref<2x1x128xi32, #tpu.memory_space<vmem>> -> memref<1x1x128xi32, #tpu.memory_space<vmem>>
          %dma_wait3A_271 = tpu.memref_squeeze %dma_wait3A_270 : memref<1x1x128xi32, #tpu.memory_space<vmem>> -> memref<1x128xi32, #tpu.memory_space<vmem>>
          %dma_wait3A_272 = arith.constant 0 : i32
          %dma_wait3A_273 = tpu.memref_slice %arg3[%dma_wait3A_272, %mul3A_265] : memref<1x131072xi32, #tpu.memory_space<hbm>> -> memref<1x128xi32, #tpu.memory_space<hbm>>
          %dma_wait3A_274 = tpu.memref_slice %run_scoped3A_7[%rem3A_267] : memref<2x!tpu.dma_semaphore, #tpu.memory_space<semaphore_mem>> -> memref<1x!tpu.dma_semaphore, #tpu.memory_space<semaphore_mem>>
          %dma_wait3A_275 = tpu.memref_squeeze %dma_wait3A_274 : memref<1x!tpu.dma_semaphore, #tpu.memory_space<semaphore_mem>> -> memref<!tpu.dma_semaphore, #tpu.memory_space<semaphore_mem>>
          %dma_wait3A_276 = arith.constant 0 : i32
          %dma_wait3A_277 = arith.constant 0 : i32
          %dma_wait3A_278 = tpu.memref_slice %run_scoped3A[%rem3A_267, %dma_wait3A_276, %dma_wait3A_277] : memref<2x1x128xi32, #tpu.memory_space<vmem>> -> memref<1x1x128xi32, #tpu.memory_space<vmem>>
          %dma_wait3A_279 = tpu.memref_squeeze %dma_wait3A_278 : memref<1x1x128xi32, #tpu.memory_space<vmem>> -> memref<1x128xi32, #tpu.memory_space<vmem>>
          %dma_wait3A_280 = arith.constant 0 : i32
          %dma_wait3A_281 = tpu.memref_slice %arg3[%dma_wait3A_280, %mul3A_265] : memref<1x131072xi32, #tpu.memory_space<hbm>> -> memref<1x128xi32, #tpu.memory_space<hbm>>
          tpu.wait_dma2 semaphore(%dma_wait3A_275 : memref<!tpu.dma_semaphore, #tpu.memory_space<semaphore_mem>>) src(%dma_wait3A_281 : memref<1x128xi32, #tpu.memory_space<hbm>>) dst(%dma_wait3A_279 : memref<1x128xi32, #tpu.memory_space<vmem>>)
          "tpu.trace_stop"() : () -> ()
        } else {
        }
        %ne3A_185 = arith.cmpi ne, %add3A_131, %add3A_140 : i32
        %or3A_186 = arith.constant false
        %or3A_187 = arith.ori %or3A_186, %ne3A_185 : i1
        %or3A_188 = arith.constant false
        %or3A_189 = arith.ori %or3A_187, %or3A_188 : i1
        %or3A_190 = arith.ori %or3A_189, %eq3A_128 : i1
        %convert_element_type3A_191 = arith.extui %or3A_190 : i1 to i32
        %cond3A_192 = arith.constant 0 : i32
        %cond3A_193 = arith.cmpi ne, %convert_element_type3A_191, %cond3A_192 : i32
        scf.if %cond3A_193 {
        } else {
        }
        %rem3A_194 = arith.constant 2 : i32
        %rem3A_195 = arith.remui %scan3A_123, %rem3A_194 : i32
        %rem3A_196 = arith.constant 2 : i32
        %rem3A_197 = arith.remui %scan3A_124, %rem3A_196 : i32
        %run_scoped3A_198 = arith.constant 0 : i32
        "tpu.trace_start"() <{level = 10 : i32, message = "ep_run_kernel"}> : () -> ()
        "tpu.region"() ({
          %run_scoped3A_264 = tpu.sem_alloc : memref<!tpu.dma_semaphore, #tpu.memory_space<semaphore_mem>>
          %dma_start3A_265 = arith.constant 0 : i32
          %dma_start3A_266 = arith.constant 0 : i32
          %dma_start3A_267 = tpu.memref_slice %run_scoped3A_8[%rem3A_197, %dma_start3A_265, %dma_start3A_266] : memref<2x128x128xf32, #tpu.memory_space<vmem>> -> memref<1x128x128xf32, #tpu.memory_space<vmem>>
          %dma_start3A_268 = tpu.memref_squeeze %dma_start3A_267 : memref<1x128x128xf32, #tpu.memory_space<vmem>> -> memref<128x128xf32, #tpu.memory_space<vmem>>
          %dma_start3A_269 = arith.constant 0 : i32
          %dma_start3A_270 = arith.constant 0 : i32
          %dma_start3A_271 = tpu.memref_slice %run_scoped3A[%rem3A_195, %dma_start3A_269, %dma_start3A_270] : memref<2x1x128xi32, #tpu.memory_space<vmem>> -> memref<1x1x128xi32, #tpu.memory_space<vmem>>
          %dma_start3A_272 = tpu.memref_squeeze %dma_start3A_271 : memref<1x1x128xi32, #tpu.memory_space<vmem>> -> memref<1x128xi32, #tpu.memory_space<vmem>>
          %dma_start3A_273 = arith.constant 0 : i32
          %dma_start3A_274 = tpu.memref_slice %dma_start3A_272[%run_scoped3A_198, %dma_start3A_273] : memref<1x128xi32, #tpu.memory_space<vmem>> -> memref<1x128xi32, #tpu.memory_space<vmem>>
          %dma_start3A_275 = tpu.memref_squeeze %dma_start3A_274 : memref<1x128xi32, #tpu.memory_space<vmem>> -> memref<128xi32, #tpu.memory_space<vmem>>
          %dma_start3A_276 = arith.constant 0 : i32
          %dma_start3A_277 = arith.constant 0 : i32
          %dma_start3A_278 = tpu.memref_slice %arg2[%dma_start3A_276, %dma_start3A_277] : memref<65536x128xf32, #tpu.memory_space<hbm>> -> memref<65536x128xf32, #tpu.memory_space<hbm>>
          tpu.enqueue_indirect_dma source(%dma_start3A_278 : memref<65536x128xf32, #tpu.memory_space<hbm>>) target(%dma_start3A_268 : memref<128x128xf32, #tpu.memory_space<vmem>>) offsets(%dma_start3A_275 : memref<128xi32, #tpu.memory_space<vmem>>) semaphore(%run_scoped3A_264 : memref<!tpu.dma_semaphore, #tpu.memory_space<semaphore_mem>>)
          %dma_wait3A_279 = arith.constant 0 : i32
          %dma_wait3A_280 = arith.constant 0 : i32
          %dma_wait3A_281 = tpu.memref_slice %run_scoped3A_8[%rem3A_197, %dma_wait3A_279, %dma_wait3A_280] : memref<2x128x128xf32, #tpu.memory_space<vmem>> -> memref<1x128x128xf32, #tpu.memory_space<vmem>>
          %dma_wait3A_282 = tpu.memref_squeeze %dma_wait3A_281 : memref<1x128x128xf32, #tpu.memory_space<vmem>> -> memref<128x128xf32, #tpu.memory_space<vmem>>
          %dma_wait3A_283 = arith.constant 0 : i32
          %dma_wait3A_284 = arith.constant 0 : i32
          %dma_wait3A_285 = tpu.memref_slice %run_scoped3A[%rem3A_195, %dma_wait3A_283, %dma_wait3A_284] : memref<2x1x128xi32, #tpu.memory_space<vmem>> -> memref<1x1x128xi32, #tpu.memory_space<vmem>>
          %dma_wait3A_286 = tpu.memref_squeeze %dma_wait3A_285 : memref<1x1x128xi32, #tpu.memory_space<vmem>> -> memref<1x128xi32, #tpu.memory_space<vmem>>
          %dma_wait3A_287 = arith.constant 0 : i32
          %dma_wait3A_288 = tpu.memref_slice %dma_wait3A_286[%run_scoped3A_198, %dma_wait3A_287] : memref<1x128xi32, #tpu.memory_space<vmem>> -> memref<1x128xi32, #tpu.memory_space<vmem>>
          %dma_wait3A_289 = tpu.memref_squeeze %dma_wait3A_288 : memref<1x128xi32, #tpu.memory_space<vmem>> -> memref<128xi32, #tpu.memory_space<vmem>>
          %dma_wait3A_290 = arith.constant 0 : i32
          %dma_wait3A_291 = arith.constant 0 : i32
          %dma_wait3A_292 = tpu.memref_slice %arg2[%dma_wait3A_290, %dma_wait3A_291] : memref<65536x128xf32, #tpu.memory_space<hbm>> -> memref<65536x128xf32, #tpu.memory_space<hbm>>
          tpu.wait_indirect_dma semaphore(%run_scoped3A_264 : memref<!tpu.dma_semaphore, #tpu.memory_space<semaphore_mem>>) src(%dma_wait3A_292 : memref<65536x128xf32, #tpu.memory_space<hbm>>) dst(%dma_wait3A_282 : memref<128x128xf32, #tpu.memory_space<vmem>>)
          tpu.yield
        }) : () -> ()
        "tpu.trace_stop"() : () -> ()
        %ne3A_199 = arith.cmpi ne, %add3A_131, %add3A_149 : i32
        %or3A_200 = arith.constant false
        %or3A_201 = arith.ori %or3A_200, %ne3A_199 : i1
        %or3A_202 = arith.ori %or3A_201, %eq3A_130 : i1
        %convert_element_type3A_203 = arith.extui %or3A_202 : i1 to i32
        %cond3A_204 = arith.constant 0 : i32
        %cond3A_205 = arith.cmpi ne, %convert_element_type3A_203, %cond3A_204 : i32
        scf.if %cond3A_205 {
        } else {
        }
        %and3A_206 = arith.constant false
        %and3A_207 = arith.andi %or3A_202, %and3A_206 : i1
        %ne3A_208 = arith.cmpi ne, %add3A_131, %add3A_149 : i32
        %or3A_209 = arith.constant false
        %or3A_210 = arith.ori %or3A_209, %ne3A_208 : i1
        %or3A_211 = arith.constant false
        %or3A_212 = arith.ori %or3A_210, %or3A_211 : i1
        %or3A_213 = arith.ori %or3A_212, %eq3A_130 : i1
        %convert_element_type3A_214 = arith.extui %or3A_213 : i1 to i32
        %cond3A_215 = arith.constant 0 : i32
        %cond3A_216 = arith.cmpi ne, %convert_element_type3A_214, %cond3A_215 : i32
        scf.if %cond3A_216 {
          "tpu.trace_start"() <{level = 10 : i32, message = "ep_copy_out"}> : () -> ()
          %rem3A_264 = arith.constant 2 : i32
          %rem3A_265 = arith.remui %scan3A_124, %rem3A_264 : i32
          %mul3A_266 = arith.constant 128 : i32
          %mul3A_267 = arith.muli %mul3A_266, %add3A_131 : i32
          %dma_start3A_268 = arith.constant 0 : i32
          %dma_start3A_269 = arith.constant 0 : i32
          %dma_start3A_270 = tpu.memref_slice %run_scoped3A_8[%rem3A_265, %dma_start3A_268, %dma_start3A_269] : memref<2x128x128xf32, #tpu.memory_space<vmem>> -> memref<1x128x128xf32, #tpu.memory_space<vmem>>
          %dma_start3A_271 = tpu.memref_squeeze %dma_start3A_270 : memref<1x128x128xf32, #tpu.memory_space<vmem>> -> memref<128x128xf32, #tpu.memory_space<vmem>>
          %dma_start3A_272 = arith.constant 0 : i32
          %dma_start3A_273 = tpu.memref_slice %arg4[%mul3A_267, %dma_start3A_272] : memref<131072x128xf32, #tpu.memory_space<hbm>> -> memref<128x128xf32, #tpu.memory_space<hbm>>
          %dma_start3A_274 = tpu.memref_slice %run_scoped3A_9[%rem3A_265] : memref<2x!tpu.dma_semaphore, #tpu.memory_space<semaphore_mem>> -> memref<1x!tpu.dma_semaphore, #tpu.memory_space<semaphore_mem>>
          %dma_start3A_275 = tpu.memref_squeeze %dma_start3A_274 : memref<1x!tpu.dma_semaphore, #tpu.memory_space<semaphore_mem>> -> memref<!tpu.dma_semaphore, #tpu.memory_space<semaphore_mem>>
          %dma_start3A_276 = arith.constant 0 : i32
          %dma_start3A_277 = tpu.memref_slice %arg4[%mul3A_267, %dma_start3A_276] : memref<131072x128xf32, #tpu.memory_space<hbm>> -> memref<128x128xf32, #tpu.memory_space<hbm>>
          %dma_start3A_278 = arith.constant 0 : i32
          %dma_start3A_279 = arith.constant 0 : i32
          %dma_start3A_280 = tpu.memref_slice %run_scoped3A_8[%rem3A_265, %dma_start3A_278, %dma_start3A_279] : memref<2x128x128xf32, #tpu.memory_space<vmem>> -> memref<1x128x128xf32, #tpu.memory_space<vmem>>
          %dma_start3A_281 = tpu.memref_squeeze %dma_start3A_280 : memref<1x128x128xf32, #tpu.memory_space<vmem>> -> memref<128x128xf32, #tpu.memory_space<vmem>>
          tpu.enqueue_dma source(%dma_start3A_281 : memref<128x128xf32, #tpu.memory_space<vmem>>) target(%dma_start3A_277 : memref<128x128xf32, #tpu.memory_space<hbm>>) target_semaphore(%dma_start3A_275 : memref<!tpu.dma_semaphore, #tpu.memory_space<semaphore_mem>>)
          "tpu.trace_stop"() : () -> ()
        } else {
        }
        %and3A_217 = arith.constant true
        %and3A_218 = arith.andi %or3A_213, %and3A_217 : i1
        %add3A_219 = arith.constant 1 : i32
        %add3A_220 = arith.addi %scan3A_124, %add3A_219 : i32
        %select_n3A_221 = arith.select %and3A_218, %add3A_220, %scan3A_124 : i32
        %ne3A_222 = arith.cmpi ne, %add3A_131, %add3A_140 : i32
        %or3A_223 = arith.constant false
        %or3A_224 = arith.ori %or3A_223, %ne3A_222 : i1
        %not3A_225 = arith.constant true
        %not3A_226 = arith.xori %eq3A_128, %not3A_225 : i1
        %and3A_227 = arith.andi %or3A_224, %not3A_226 : i1
        %convert_element_type3A_228 = arith.extui %and3A_227 : i1 to i32
        %cond3A_229 = arith.constant 0 : i32
        %cond3A_230 = arith.cmpi ne, %convert_element_type3A_228, %cond3A_229 : i32
        scf.if %cond3A_230 {
        } else {
        }
        %and3A_231 = arith.constant false
        %and3A_232 = arith.andi %and3A_227, %and3A_231 : i1
        %ne3A_233 = arith.cmpi ne, %add3A_131, %add3A_140 : i32
        %or3A_234 = arith.constant false
        %or3A_235 = arith.ori %or3A_234, %ne3A_233 : i1
        %or3A_236 = arith.constant false
        %or3A_237 = arith.ori %or3A_235, %or3A_236 : i1
        %not3A_238 = arith.constant true
        %not3A_239 = arith.xori %eq3A_128, %not3A_238 : i1
        %and3A_240 = arith.andi %or3A_237, %not3A_239 : i1
        %convert_element_type3A_241 = arith.extui %and3A_240 : i1 to i32
        %cond3A_242 = arith.constant 0 : i32
        %cond3A_243 = arith.cmpi ne, %convert_element_type3A_241, %cond3A_242 : i32
        scf.if %cond3A_243 {
          "tpu.trace_start"() <{level = 10 : i32, message = "ep_wait_out"}> : () -> ()
          %rem3A_264 = arith.constant 2 : i32
          %rem3A_265 = arith.remui %scan3A_125, %rem3A_264 : i32
          %mul3A_266 = arith.constant 128 : i32
          %mul3A_267 = arith.muli %mul3A_266, %add3A_140 : i32
          %dma_wait3A_268 = arith.constant 0 : i32
          %dma_wait3A_269 = arith.constant 0 : i32
          %dma_wait3A_270 = tpu.memref_slice %run_scoped3A_8[%rem3A_265, %dma_wait3A_268, %dma_wait3A_269] : memref<2x128x128xf32, #tpu.memory_space<vmem>> -> memref<1x128x128xf32, #tpu.memory_space<vmem>>
          %dma_wait3A_271 = tpu.memref_squeeze %dma_wait3A_270 : memref<1x128x128xf32, #tpu.memory_space<vmem>> -> memref<128x128xf32, #tpu.memory_space<vmem>>
          %dma_wait3A_272 = arith.constant 0 : i32
          %dma_wait3A_273 = tpu.memref_slice %arg4[%mul3A_267, %dma_wait3A_272] : memref<131072x128xf32, #tpu.memory_space<hbm>> -> memref<128x128xf32, #tpu.memory_space<hbm>>
          %dma_wait3A_274 = tpu.memref_slice %run_scoped3A_9[%rem3A_265] : memref<2x!tpu.dma_semaphore, #tpu.memory_space<semaphore_mem>> -> memref<1x!tpu.dma_semaphore, #tpu.memory_space<semaphore_mem>>
          %dma_wait3A_275 = tpu.memref_squeeze %dma_wait3A_274 : memref<1x!tpu.dma_semaphore, #tpu.memory_space<semaphore_mem>> -> memref<!tpu.dma_semaphore, #tpu.memory_space<semaphore_mem>>
          %dma_wait3A_276 = arith.constant 0 : i32
          %dma_wait3A_277 = tpu.memref_slice %arg4[%mul3A_267, %dma_wait3A_276] : memref<131072x128xf32, #tpu.memory_space<hbm>> -> memref<128x128xf32, #tpu.memory_space<hbm>>
          %dma_wait3A_278 = arith.constant 0 : i32
          %dma_wait3A_279 = arith.constant 0 : i32
          %dma_wait3A_280 = tpu.memref_slice %run_scoped3A_8[%rem3A_265, %dma_wait3A_278, %dma_wait3A_279] : memref<2x128x128xf32, #tpu.memory_space<vmem>> -> memref<1x128x128xf32, #tpu.memory_space<vmem>>
          %dma_wait3A_281 = tpu.memref_squeeze %dma_wait3A_280 : memref<1x128x128xf32, #tpu.memory_space<vmem>> -> memref<128x128xf32, #tpu.memory_space<vmem>>
          tpu.wait_dma2 semaphore(%dma_wait3A_275 : memref<!tpu.dma_semaphore, #tpu.memory_space<semaphore_mem>>) src(%dma_wait3A_281 : memref<128x128xf32, #tpu.memory_space<vmem>>) dst(%dma_wait3A_277 : memref<128x128xf32, #tpu.memory_space<hbm>>)
          "tpu.trace_stop"() : () -> ()
        } else {
        }
        %and3A_244 = arith.constant true
        %and3A_245 = arith.andi %and3A_240, %and3A_244 : i1
        %add3A_246 = arith.constant 1 : i32
        %add3A_247 = arith.addi %scan3A_125, %add3A_246 : i32
        %select_n3A_248 = arith.select %and3A_245, %add3A_247, %scan3A_125 : i32
        %ne3A_249 = arith.cmpi ne, %add3A_131, %add3A_149 : i32
        %or3A_250 = arith.constant false
        %or3A_251 = arith.ori %or3A_250, %ne3A_249 : i1
        %or3A_252 = arith.ori %or3A_251, %eq3A_130 : i1
        %add3A_253 = arith.constant 1 : i32
        %add3A_254 = arith.addi %scan3A_123, %add3A_253 : i32
        %select_n3A_255 = arith.select %or3A_252, %add3A_254, %scan3A_123 : i32
        %add3A_256 = arith.constant 1 : i32
        %add3A_257 = arith.addi %scan3A_126, %add3A_256 : i32
        %select_n3A_258 = arith.constant true
        %select_n3A_259 = arith.select %select_n3A_258, %add3A_257, %scan3A_126 : i32
        %eq3A_260 = arith.constant 32 : i32
        %eq3A_261 = arith.cmpi eq, %select_n3A_259, %eq3A_260 : i32
        %select_n3A_262 = arith.constant 0 : i32
        %select_n3A_263 = arith.select %eq3A_261, %select_n3A_262, %select_n3A_259 : i32
        scf.yield %select_n3A_167, %select_n3A_255, %select_n3A_221, %select_n3A_248, %select_n3A_263 : i32, i32, i32, i32, i32
      }
      %scan3A_68 = arith.constant 32 : i32
      %sub3A = arith.constant 1 : i32
      %sub3A_69 = arith.subi %scan3A_67#4, %sub3A : i32
      %select_n3A_70 = arith.constant true
      %select_n3A_71 = arith.select %select_n3A_70, %sub3A_69, %scan3A_67#4 : i32
      %eq3A_72 = arith.constant -1 : i32
      %eq3A_73 = arith.cmpi eq, %select_n3A_71, %eq3A_72 : i32
      %select_n3A_74 = arith.constant 31 : i32
      %select_n3A_75 = arith.select %eq3A_73, %select_n3A_74, %select_n3A_71 : i32
      %add3A_76 = arith.addi %select_n3A_75, %mul3A_6 : i32
      %sub3A_77 = arith.constant 1 : i32
      %sub3A_78 = arith.subi %select_n3A_75, %sub3A_77 : i32
      %select_n3A_79 = arith.constant true
      %select_n3A_80 = arith.select %select_n3A_79, %sub3A_78, %select_n3A_75 : i32
      %eq3A_81 = arith.constant -1 : i32
      %eq3A_82 = arith.cmpi eq, %select_n3A_80, %eq3A_81 : i32
      %select_n3A_83 = arith.constant 31 : i32
      %select_n3A_84 = arith.select %eq3A_82, %select_n3A_83, %select_n3A_80 : i32
      %add3A_85 = arith.addi %select_n3A_84, %mul3A_6 : i32
      %add3A_86 = arith.constant 1 : i32
      %add3A_87 = arith.addi %select_n3A_75, %add3A_86 : i32
      %select_n3A_88 = arith.constant true
      %select_n3A_89 = arith.select %select_n3A_88, %add3A_87, %select_n3A_75 : i32
      %eq3A_90 = arith.constant 32 : i32
      %eq3A_91 = arith.cmpi eq, %select_n3A_89, %eq3A_90 : i32
      %select_n3A_92 = arith.constant 0 : i32
      %select_n3A_93 = arith.select %eq3A_91, %select_n3A_92, %select_n3A_89 : i32
      %add3A_94 = arith.addi %select_n3A_93, %mul3A_6 : i32
      %add3A_95 = arith.constant 1 : i32
      %add3A_96 = arith.addi %select_n3A_93, %add3A_95 : i32
      %select_n3A_97 = arith.constant true
      %select_n3A_98 = arith.select %select_n3A_97, %add3A_96, %select_n3A_93 : i32
      %eq3A_99 = arith.constant 32 : i32
      %eq3A_100 = arith.cmpi eq, %select_n3A_98, %eq3A_99 : i32
      %select_n3A_101 = arith.constant 0 : i32
      %select_n3A_102 = arith.select %eq3A_100, %select_n3A_101, %select_n3A_98 : i32
      %add3A_103 = arith.addi %select_n3A_102, %mul3A_6 : i32
      "tpu.trace_start"() <{level = 10 : i32, message = "ep_finalize"}> : () -> ()
      %rem3A_104 = arith.constant 2 : i32
      %rem3A_105 = arith.remui %scan3A_67#3, %rem3A_104 : i32
      %mul3A_106 = arith.constant 128 : i32
      %mul3A_107 = arith.muli %mul3A_106, %add3A_76 : i32
      %dma_wait3A = arith.constant 0 : i32
      %dma_wait3A_108 = arith.constant 0 : i32
      %dma_wait3A_109 = tpu.memref_slice %run_scoped3A_8[%rem3A_105, %dma_wait3A, %dma_wait3A_108] : memref<2x128x128xf32, #tpu.memory_space<vmem>> -> memref<1x128x128xf32, #tpu.memory_space<vmem>>
      %dma_wait3A_110 = tpu.memref_squeeze %dma_wait3A_109 : memref<1x128x128xf32, #tpu.memory_space<vmem>> -> memref<128x128xf32, #tpu.memory_space<vmem>>
      %dma_wait3A_111 = arith.constant 0 : i32
      %dma_wait3A_112 = tpu.memref_slice %arg4[%mul3A_107, %dma_wait3A_111] : memref<131072x128xf32, #tpu.memory_space<hbm>> -> memref<128x128xf32, #tpu.memory_space<hbm>>
      %dma_wait3A_113 = tpu.memref_slice %run_scoped3A_9[%rem3A_105] : memref<2x!tpu.dma_semaphore, #tpu.memory_space<semaphore_mem>> -> memref<1x!tpu.dma_semaphore, #tpu.memory_space<semaphore_mem>>
      %dma_wait3A_114 = tpu.memref_squeeze %dma_wait3A_113 : memref<1x!tpu.dma_semaphore, #tpu.memory_space<semaphore_mem>> -> memref<!tpu.dma_semaphore, #tpu.memory_space<semaphore_mem>>
      %dma_wait3A_115 = arith.constant 0 : i32
      %dma_wait3A_116 = tpu.memref_slice %arg4[%mul3A_107, %dma_wait3A_115] : memref<131072x128xf32, #tpu.memory_space<hbm>> -> memref<128x128xf32, #tpu.memory_space<hbm>>
      %dma_wait3A_117 = arith.constant 0 : i32
      %dma_wait3A_118 = arith.constant 0 : i32
      %dma_wait3A_119 = tpu.memref_slice %run_scoped3A_8[%rem3A_105, %dma_wait3A_117, %dma_wait3A_118] : memref<2x128x128xf32, #tpu.memory_space<vmem>> -> memref<1x128x128xf32, #tpu.memory_space<vmem>>
      %dma_wait3A_120 = tpu.memref_squeeze %dma_wait3A_119 : memref<1x128x128xf32, #tpu.memory_space<vmem>> -> memref<128x128xf32, #tpu.memory_space<vmem>>
      tpu.wait_dma2 semaphore(%dma_wait3A_114 : memref<!tpu.dma_semaphore, #tpu.memory_space<semaphore_mem>>) src(%dma_wait3A_120 : memref<128x128xf32, #tpu.memory_space<vmem>>) dst(%dma_wait3A_116 : memref<128x128xf32, #tpu.memory_space<hbm>>)
      "tpu.trace_stop"() : () -> ()
      tpu.yield
    }) : () -> ()
    return
  }
}

#map = affine_map<(d0, d1) -> (0, 0)>
module attributes {stable_mosaic.version = 14 : i64} {
  func.func @_k(%arg0: i32, %arg1: i32, %arg2: memref<65536x128xf32, #tpu.memory_space<hbm>>, %arg3: memref<1x65536xi32, #tpu.memory_space<hbm>>, %arg4: memref<65536x128xf32, #tpu.memory_space<hbm>>) attributes {dimension_semantics = [#tpu.dimension_semantics<core_parallel>, #tpu.dimension_semantics<subcore_parallel>], iteration_bounds = array<i64: 2, 16>, scalar_prefetch = 0 : i64, scratch_operands = 0 : i64, tpu.core_type = #tpu.core_type<sc_vector_subcore>, window_params = [{transform_indices = #map}, {transform_indices = #map}, {transform_indices = #map}]} {
    %mul3A = arith.constant 1 : i32
    %mul3A_0 = arith.muli %arg1, %mul3A : i32
    %add3A = arith.constant 0 : i32
    %add3A_1 = arith.addi %add3A, %mul3A_0 : i32
    %mul3A_2 = arith.constant 16 : i32
    %mul3A_3 = arith.muli %arg0, %mul3A_2 : i32
    %add3A_4 = arith.addi %add3A_1, %mul3A_3 : i32
    %mul3A_5 = arith.constant 16 : i32
    %mul3A_6 = arith.muli %add3A_4, %mul3A_5 : i32
    "tpu.region"() ({
      %run_scoped3A = memref.alloca() : memref<2x1x128xi32, #tpu.memory_space<vmem>>
      %run_scoped3A_7 = tpu.sem_alloc : memref<2x!tpu.dma_semaphore, #tpu.memory_space<semaphore_mem>>
      %run_scoped3A_8 = memref.alloca() : memref<2x128x128xf32, #tpu.memory_space<vmem>>
      %run_scoped3A_9 = tpu.sem_alloc : memref<2x!tpu.dma_semaphore, #tpu.memory_space<semaphore_mem>>
      %add3A_10 = arith.constant 0 : i32
      %add3A_11 = arith.addi %add3A_10, %mul3A_6 : i32
      %select_n3A = arith.constant true
      %select_n3A_12 = arith.constant 0 : i32
      %select_n3A_13 = arith.constant -1 : i32
      %select_n3A_14 = arith.select %select_n3A, %select_n3A_13, %select_n3A_12 : i32
      %eq3A = arith.constant -1 : i32
      %eq3A_15 = arith.cmpi eq, %select_n3A_14, %eq3A : i32
      %select_n3A_16 = arith.constant 15 : i32
      %select_n3A_17 = arith.select %eq3A_15, %select_n3A_16, %select_n3A_14 : i32
      %add3A_18 = arith.addi %select_n3A_17, %mul3A_6 : i32
      %select_n3A_19 = arith.constant true
      %select_n3A_20 = arith.constant 0 : i32
      %select_n3A_21 = arith.constant 1 : i32
      %select_n3A_22 = arith.select %select_n3A_19, %select_n3A_21, %select_n3A_20 : i32
      %eq3A_23 = arith.constant 16 : i32
      %eq3A_24 = arith.cmpi eq, %select_n3A_22, %eq3A_23 : i32
      %select_n3A_25 = arith.constant 0 : i32
      %select_n3A_26 = arith.select %eq3A_24, %select_n3A_25, %select_n3A_22 : i32
      %add3A_27 = arith.addi %select_n3A_26, %mul3A_6 : i32
      %add3A_28 = arith.constant 1 : i32
      %add3A_29 = arith.addi %select_n3A_26, %add3A_28 : i32
      %select_n3A_30 = arith.constant true
      %select_n3A_31 = arith.select %select_n3A_30, %add3A_29, %select_n3A_26 : i32
      %eq3A_32 = arith.constant 16 : i32
      %eq3A_33 = arith.cmpi eq, %select_n3A_31, %eq3A_32 : i32
      %select_n3A_34 = arith.constant 0 : i32
      %select_n3A_35 = arith.select %eq3A_33, %select_n3A_34, %select_n3A_31 : i32
      %add3A_36 = arith.addi %select_n3A_35, %mul3A_6 : i32
      "tpu.trace_start"() <{level = 10 : i32, message = "ep_initialize_0"}> : () -> ()
      %rem3A = arith.constant 0 : i32
      %rem3A_37 = arith.constant 2 : i32
      %rem3A_38 = arith.remui %rem3A, %rem3A_37 : i32
      %mul3A_39 = arith.constant 128 : i32
      %mul3A_40 = arith.muli %mul3A_39, %add3A_11 : i32
      %dma_start3A = arith.constant 0 : i32
      %dma_start3A_41 = arith.constant 0 : i32
      %dma_start3A_42 = tpu.memref_slice %run_scoped3A[%rem3A_38, %dma_start3A, %dma_start3A_41] : memref<2x1x128xi32, #tpu.memory_space<vmem>> -> memref<1x1x128xi32, #tpu.memory_space<vmem>>
      %dma_start3A_43 = tpu.memref_squeeze %dma_start3A_42 : memref<1x1x128xi32, #tpu.memory_space<vmem>> -> memref<1x128xi32, #tpu.memory_space<vmem>>
      %dma_start3A_44 = arith.constant 0 : i32
      %dma_start3A_45 = tpu.memref_slice %arg3[%dma_start3A_44, %mul3A_40] : memref<1x65536xi32, #tpu.memory_space<hbm>> -> memref<1x128xi32, #tpu.memory_space<hbm>>
      %dma_start3A_46 = tpu.memref_slice %run_scoped3A_7[%rem3A_38] : memref<2x!tpu.dma_semaphore, #tpu.memory_space<semaphore_mem>> -> memref<1x!tpu.dma_semaphore, #tpu.memory_space<semaphore_mem>>
      %dma_start3A_47 = tpu.memref_squeeze %dma_start3A_46 : memref<1x!tpu.dma_semaphore, #tpu.memory_space<semaphore_mem>> -> memref<!tpu.dma_semaphore, #tpu.memory_space<semaphore_mem>>
      %dma_start3A_48 = arith.constant 0 : i32
      %dma_start3A_49 = arith.constant 0 : i32
      %dma_start3A_50 = tpu.memref_slice %run_scoped3A[%rem3A_38, %dma_start3A_48, %dma_start3A_49] : memref<2x1x128xi32, #tpu.memory_space<vmem>> -> memref<1x1x128xi32, #tpu.memory_space<vmem>>
      %dma_start3A_51 = tpu.memref_squeeze %dma_start3A_50 : memref<1x1x128xi32, #tpu.memory_space<vmem>> -> memref<1x128xi32, #tpu.memory_space<vmem>>
      %dma_start3A_52 = arith.constant 0 : i32
      %dma_start3A_53 = tpu.memref_slice %arg3[%dma_start3A_52, %mul3A_40] : memref<1x65536xi32, #tpu.memory_space<hbm>> -> memref<1x128xi32, #tpu.memory_space<hbm>>
      tpu.enqueue_dma source(%dma_start3A_53 : memref<1x128xi32, #tpu.memory_space<hbm>>) target(%dma_start3A_51 : memref<1x128xi32, #tpu.memory_space<vmem>>) target_semaphore(%dma_start3A_47 : memref<!tpu.dma_semaphore, #tpu.memory_space<semaphore_mem>>)
      %add3A_54 = arith.constant 0 : i32
      %add3A_55 = arith.constant 1 : i32
      %add3A_56 = arith.addi %add3A_54, %add3A_55 : i32
      %select_n3A_57 = arith.constant true
      %select_n3A_58 = arith.constant 0 : i32
      %select_n3A_59 = arith.select %select_n3A_57, %add3A_56, %select_n3A_58 : i32
      "tpu.trace_stop"() : () -> ()
      %scan3A = arith.constant 0 : i32
      %scan3A_60 = arith.constant 0 : i32
      %scan3A_61 = arith.constant 0 : i32
      %scan3A_62 = arith.constant 0 : i32
      %scan3A_63 = arith.constant 0 : i32
      %scan3A_64 = arith.constant 16 : i32
      %scan3A_65 = arith.addi %scan3A_63, %scan3A_64 : i32
      %scan3A_66 = arith.constant 1 : i32
      %scan3A_67:5 = scf.for %scan3A_121 = %scan3A_63 to %scan3A_65 step %scan3A_66 iter_args(%scan3A_122 = %select_n3A_59, %scan3A_123 = %scan3A, %scan3A_124 = %scan3A_60, %scan3A_125 = %scan3A_61, %scan3A_126 = %scan3A_62) -> (i32, i32, i32, i32, i32)  : i32 {
        %eq3A_127 = arith.constant 0 : i32
        %eq3A_128 = arith.cmpi eq, %scan3A_121, %eq3A_127 : i32
        %eq3A_129 = arith.constant 15 : i32
        %eq3A_130 = arith.cmpi eq, %scan3A_121, %eq3A_129 : i32
        %add3A_131 = arith.addi %scan3A_126, %mul3A_6 : i32
        %sub3A_132 = arith.constant 1 : i32
        %sub3A_133 = arith.subi %scan3A_126, %sub3A_132 : i32
        %select_n3A_134 = arith.constant true
        %select_n3A_135 = arith.select %select_n3A_134, %sub3A_133, %scan3A_126 : i32
        %eq3A_136 = arith.constant -1 : i32
        %eq3A_137 = arith.cmpi eq, %select_n3A_135, %eq3A_136 : i32
        %select_n3A_138 = arith.constant 15 : i32
        %select_n3A_139 = arith.select %eq3A_137, %select_n3A_138, %select_n3A_135 : i32
        %add3A_140 = arith.addi %select_n3A_139, %mul3A_6 : i32
        %add3A_141 = arith.constant 1 : i32
        %add3A_142 = arith.addi %scan3A_126, %add3A_141 : i32
        %select_n3A_143 = arith.constant true
        %select_n3A_144 = arith.select %select_n3A_143, %add3A_142, %scan3A_126 : i32
        %eq3A_145 = arith.constant 16 : i32
        %eq3A_146 = arith.cmpi eq, %select_n3A_144, %eq3A_145 : i32
        %select_n3A_147 = arith.constant 0 : i32
        %select_n3A_148 = arith.select %eq3A_146, %select_n3A_147, %select_n3A_144 : i32
        %add3A_149 = arith.addi %select_n3A_148, %mul3A_6 : i32
        %add3A_150 = arith.constant 1 : i32
        %add3A_151 = arith.addi %select_n3A_148, %add3A_150 : i32
        %select_n3A_152 = arith.constant true
        %select_n3A_153 = arith.select %select_n3A_152, %add3A_151, %select_n3A_148 : i32
        %eq3A_154 = arith.constant 16 : i32
        %eq3A_155 = arith.cmpi eq, %select_n3A_153, %eq3A_154 : i32
        %select_n3A_156 = arith.constant 0 : i32
        %select_n3A_157 = arith.select %eq3A_155, %select_n3A_156, %select_n3A_153 : i32
        %add3A_158 = arith.addi %select_n3A_157, %mul3A_6 : i32
        %ne3A = arith.cmpi ne, %add3A_131, %add3A_149 : i32
        %or3A = arith.constant false
        %or3A_159 = arith.ori %or3A, %ne3A : i1
        %ge3A = arith.constant 15 : i32
        %ge3A_160 = arith.cmpi sge, %scan3A_121, %ge3A : i32
        %not3A = arith.constant true
        %not3A_161 = arith.xori %ge3A_160, %not3A : i1
        %and3A = arith.andi %or3A_159, %not3A_161 : i1
        %convert_element_type3A = arith.extui %and3A : i1 to i32
        %cond3A = arith.constant 0 : i32
        %cond3A_162 = arith.cmpi ne, %convert_element_type3A, %cond3A : i32
        scf.if %cond3A_162 {
          "tpu.trace_start"() <{level = 10 : i32, message = "ep_copy_in"}> : () -> ()
          %rem3A_264 = arith.constant 2 : i32
          %rem3A_265 = arith.remui %scan3A_122, %rem3A_264 : i32
          %mul3A_266 = arith.constant 128 : i32
          %mul3A_267 = arith.muli %mul3A_266, %add3A_149 : i32
          %dma_start3A_268 = arith.constant 0 : i32
          %dma_start3A_269 = arith.constant 0 : i32
          %dma_start3A_270 = tpu.memref_slice %run_scoped3A[%rem3A_265, %dma_start3A_268, %dma_start3A_269] : memref<2x1x128xi32, #tpu.memory_space<vmem>> -> memref<1x1x128xi32, #tpu.memory_space<vmem>>
          %dma_start3A_271 = tpu.memref_squeeze %dma_start3A_270 : memref<1x1x128xi32, #tpu.memory_space<vmem>> -> memref<1x128xi32, #tpu.memory_space<vmem>>
          %dma_start3A_272 = arith.constant 0 : i32
          %dma_start3A_273 = tpu.memref_slice %arg3[%dma_start3A_272, %mul3A_267] : memref<1x65536xi32, #tpu.memory_space<hbm>> -> memref<1x128xi32, #tpu.memory_space<hbm>>
          %dma_start3A_274 = tpu.memref_slice %run_scoped3A_7[%rem3A_265] : memref<2x!tpu.dma_semaphore, #tpu.memory_space<semaphore_mem>> -> memref<1x!tpu.dma_semaphore, #tpu.memory_space<semaphore_mem>>
          %dma_start3A_275 = tpu.memref_squeeze %dma_start3A_274 : memref<1x!tpu.dma_semaphore, #tpu.memory_space<semaphore_mem>> -> memref<!tpu.dma_semaphore, #tpu.memory_space<semaphore_mem>>
          %dma_start3A_276 = arith.constant 0 : i32
          %dma_start3A_277 = arith.constant 0 : i32
          %dma_start3A_278 = tpu.memref_slice %run_scoped3A[%rem3A_265, %dma_start3A_276, %dma_start3A_277] : memref<2x1x128xi32, #tpu.memory_space<vmem>> -> memref<1x1x128xi32, #tpu.memory_space<vmem>>
          %dma_start3A_279 = tpu.memref_squeeze %dma_start3A_278 : memref<1x1x128xi32, #tpu.memory_space<vmem>> -> memref<1x128xi32, #tpu.memory_space<vmem>>
          %dma_start3A_280 = arith.constant 0 : i32
          %dma_start3A_281 = tpu.memref_slice %arg3[%dma_start3A_280, %mul3A_267] : memref<1x65536xi32, #tpu.memory_space<hbm>> -> memref<1x128xi32, #tpu.memory_space<hbm>>
          tpu.enqueue_dma source(%dma_start3A_281 : memref<1x128xi32, #tpu.memory_space<hbm>>) target(%dma_start3A_279 : memref<1x128xi32, #tpu.memory_space<vmem>>) target_semaphore(%dma_start3A_275 : memref<!tpu.dma_semaphore, #tpu.memory_space<semaphore_mem>>)
          "tpu.trace_stop"() : () -> ()
        } else {
        }
        %and3A_163 = arith.constant true
        %and3A_164 = arith.andi %and3A, %and3A_163 : i1
        %add3A_165 = arith.constant 1 : i32
        %add3A_166 = arith.addi %scan3A_122, %add3A_165 : i32
        %select_n3A_167 = arith.select %and3A_164, %add3A_166, %scan3A_122 : i32
        %ne3A_168 = arith.cmpi ne, %add3A_131, %add3A_149 : i32
        %or3A_169 = arith.constant false
        %or3A_170 = arith.ori %or3A_169, %ne3A_168 : i1
        %or3A_171 = arith.constant false
        %or3A_172 = arith.ori %or3A_170, %or3A_171 : i1
        %ge3A_173 = arith.constant 15 : i32
        %ge3A_174 = arith.cmpi sge, %scan3A_121, %ge3A_173 : i32
        %not3A_175 = arith.constant true
        %not3A_176 = arith.xori %ge3A_174, %not3A_175 : i1
        %and3A_177 = arith.andi %or3A_172, %not3A_176 : i1
        %ne3A_178 = arith.cmpi ne, %add3A_131, %add3A_140 : i32
        %or3A_179 = arith.constant false
        %or3A_180 = arith.ori %or3A_179, %ne3A_178 : i1
        %or3A_181 = arith.ori %or3A_180, %eq3A_128 : i1
        %convert_element_type3A_182 = arith.extui %or3A_181 : i1 to i32
        %cond3A_183 = arith.constant 0 : i32
        %cond3A_184 = arith.cmpi ne, %convert_element_type3A_182, %cond3A_183 : i32
        scf.if %cond3A_184 {
          "tpu.trace_start"() <{level = 10 : i32, message = "ep_wait_in"}> : () -> ()
          %mul3A_264 = arith.constant 128 : i32
          %mul3A_265 = arith.muli %mul3A_264, %add3A_131 : i32
          %rem3A_266 = arith.constant 2 : i32
          %rem3A_267 = arith.remui %scan3A_123, %rem3A_266 : i32
          %dma_wait3A_268 = arith.constant 0 : i32
          %dma_wait3A_269 = arith.constant 0 : i32
          %dma_wait3A_270 = tpu.memref_slice %run_scoped3A[%rem3A_267, %dma_wait3A_268, %dma_wait3A_269] : memref<2x1x128xi32, #tpu.memory_space<vmem>> -> memref<1x1x128xi32, #tpu.memory_space<vmem>>
          %dma_wait3A_271 = tpu.memref_squeeze %dma_wait3A_270 : memref<1x1x128xi32, #tpu.memory_space<vmem>> -> memref<1x128xi32, #tpu.memory_space<vmem>>
          %dma_wait3A_272 = arith.constant 0 : i32
          %dma_wait3A_273 = tpu.memref_slice %arg3[%dma_wait3A_272, %mul3A_265] : memref<1x65536xi32, #tpu.memory_space<hbm>> -> memref<1x128xi32, #tpu.memory_space<hbm>>
          %dma_wait3A_274 = tpu.memref_slice %run_scoped3A_7[%rem3A_267] : memref<2x!tpu.dma_semaphore, #tpu.memory_space<semaphore_mem>> -> memref<1x!tpu.dma_semaphore, #tpu.memory_space<semaphore_mem>>
          %dma_wait3A_275 = tpu.memref_squeeze %dma_wait3A_274 : memref<1x!tpu.dma_semaphore, #tpu.memory_space<semaphore_mem>> -> memref<!tpu.dma_semaphore, #tpu.memory_space<semaphore_mem>>
          %dma_wait3A_276 = arith.constant 0 : i32
          %dma_wait3A_277 = arith.constant 0 : i32
          %dma_wait3A_278 = tpu.memref_slice %run_scoped3A[%rem3A_267, %dma_wait3A_276, %dma_wait3A_277] : memref<2x1x128xi32, #tpu.memory_space<vmem>> -> memref<1x1x128xi32, #tpu.memory_space<vmem>>
          %dma_wait3A_279 = tpu.memref_squeeze %dma_wait3A_278 : memref<1x1x128xi32, #tpu.memory_space<vmem>> -> memref<1x128xi32, #tpu.memory_space<vmem>>
          %dma_wait3A_280 = arith.constant 0 : i32
          %dma_wait3A_281 = tpu.memref_slice %arg3[%dma_wait3A_280, %mul3A_265] : memref<1x65536xi32, #tpu.memory_space<hbm>> -> memref<1x128xi32, #tpu.memory_space<hbm>>
          tpu.wait_dma2 semaphore(%dma_wait3A_275 : memref<!tpu.dma_semaphore, #tpu.memory_space<semaphore_mem>>) src(%dma_wait3A_281 : memref<1x128xi32, #tpu.memory_space<hbm>>) dst(%dma_wait3A_279 : memref<1x128xi32, #tpu.memory_space<vmem>>)
          "tpu.trace_stop"() : () -> ()
        } else {
        }
        %ne3A_185 = arith.cmpi ne, %add3A_131, %add3A_140 : i32
        %or3A_186 = arith.constant false
        %or3A_187 = arith.ori %or3A_186, %ne3A_185 : i1
        %or3A_188 = arith.constant false
        %or3A_189 = arith.ori %or3A_187, %or3A_188 : i1
        %or3A_190 = arith.ori %or3A_189, %eq3A_128 : i1
        %convert_element_type3A_191 = arith.extui %or3A_190 : i1 to i32
        %cond3A_192 = arith.constant 0 : i32
        %cond3A_193 = arith.cmpi ne, %convert_element_type3A_191, %cond3A_192 : i32
        scf.if %cond3A_193 {
        } else {
        }
        %rem3A_194 = arith.constant 2 : i32
        %rem3A_195 = arith.remui %scan3A_123, %rem3A_194 : i32
        %rem3A_196 = arith.constant 2 : i32
        %rem3A_197 = arith.remui %scan3A_124, %rem3A_196 : i32
        %run_scoped3A_198 = arith.constant 0 : i32
        "tpu.trace_start"() <{level = 10 : i32, message = "ep_run_kernel"}> : () -> ()
        "tpu.region"() ({
          %run_scoped3A_264 = tpu.sem_alloc : memref<!tpu.dma_semaphore, #tpu.memory_space<semaphore_mem>>
          %dma_start3A_265 = arith.constant 0 : i32
          %dma_start3A_266 = arith.constant 0 : i32
          %dma_start3A_267 = tpu.memref_slice %run_scoped3A_8[%rem3A_197, %dma_start3A_265, %dma_start3A_266] : memref<2x128x128xf32, #tpu.memory_space<vmem>> -> memref<1x128x128xf32, #tpu.memory_space<vmem>>
          %dma_start3A_268 = tpu.memref_squeeze %dma_start3A_267 : memref<1x128x128xf32, #tpu.memory_space<vmem>> -> memref<128x128xf32, #tpu.memory_space<vmem>>
          %dma_start3A_269 = arith.constant 0 : i32
          %dma_start3A_270 = arith.constant 0 : i32
          %dma_start3A_271 = tpu.memref_slice %run_scoped3A[%rem3A_195, %dma_start3A_269, %dma_start3A_270] : memref<2x1x128xi32, #tpu.memory_space<vmem>> -> memref<1x1x128xi32, #tpu.memory_space<vmem>>
          %dma_start3A_272 = tpu.memref_squeeze %dma_start3A_271 : memref<1x1x128xi32, #tpu.memory_space<vmem>> -> memref<1x128xi32, #tpu.memory_space<vmem>>
          %dma_start3A_273 = arith.constant 0 : i32
          %dma_start3A_274 = tpu.memref_slice %dma_start3A_272[%run_scoped3A_198, %dma_start3A_273] : memref<1x128xi32, #tpu.memory_space<vmem>> -> memref<1x128xi32, #tpu.memory_space<vmem>>
          %dma_start3A_275 = tpu.memref_squeeze %dma_start3A_274 : memref<1x128xi32, #tpu.memory_space<vmem>> -> memref<128xi32, #tpu.memory_space<vmem>>
          %dma_start3A_276 = arith.constant 0 : i32
          %dma_start3A_277 = arith.constant 0 : i32
          %dma_start3A_278 = tpu.memref_slice %arg2[%dma_start3A_276, %dma_start3A_277] : memref<65536x128xf32, #tpu.memory_space<hbm>> -> memref<65536x128xf32, #tpu.memory_space<hbm>>
          tpu.enqueue_indirect_dma source(%dma_start3A_278 : memref<65536x128xf32, #tpu.memory_space<hbm>>) target(%dma_start3A_268 : memref<128x128xf32, #tpu.memory_space<vmem>>) offsets(%dma_start3A_275 : memref<128xi32, #tpu.memory_space<vmem>>) semaphore(%run_scoped3A_264 : memref<!tpu.dma_semaphore, #tpu.memory_space<semaphore_mem>>)
          %dma_wait3A_279 = arith.constant 0 : i32
          %dma_wait3A_280 = arith.constant 0 : i32
          %dma_wait3A_281 = tpu.memref_slice %run_scoped3A_8[%rem3A_197, %dma_wait3A_279, %dma_wait3A_280] : memref<2x128x128xf32, #tpu.memory_space<vmem>> -> memref<1x128x128xf32, #tpu.memory_space<vmem>>
          %dma_wait3A_282 = tpu.memref_squeeze %dma_wait3A_281 : memref<1x128x128xf32, #tpu.memory_space<vmem>> -> memref<128x128xf32, #tpu.memory_space<vmem>>
          %dma_wait3A_283 = arith.constant 0 : i32
          %dma_wait3A_284 = arith.constant 0 : i32
          %dma_wait3A_285 = tpu.memref_slice %run_scoped3A[%rem3A_195, %dma_wait3A_283, %dma_wait3A_284] : memref<2x1x128xi32, #tpu.memory_space<vmem>> -> memref<1x1x128xi32, #tpu.memory_space<vmem>>
          %dma_wait3A_286 = tpu.memref_squeeze %dma_wait3A_285 : memref<1x1x128xi32, #tpu.memory_space<vmem>> -> memref<1x128xi32, #tpu.memory_space<vmem>>
          %dma_wait3A_287 = arith.constant 0 : i32
          %dma_wait3A_288 = tpu.memref_slice %dma_wait3A_286[%run_scoped3A_198, %dma_wait3A_287] : memref<1x128xi32, #tpu.memory_space<vmem>> -> memref<1x128xi32, #tpu.memory_space<vmem>>
          %dma_wait3A_289 = tpu.memref_squeeze %dma_wait3A_288 : memref<1x128xi32, #tpu.memory_space<vmem>> -> memref<128xi32, #tpu.memory_space<vmem>>
          %dma_wait3A_290 = arith.constant 0 : i32
          %dma_wait3A_291 = arith.constant 0 : i32
          %dma_wait3A_292 = tpu.memref_slice %arg2[%dma_wait3A_290, %dma_wait3A_291] : memref<65536x128xf32, #tpu.memory_space<hbm>> -> memref<65536x128xf32, #tpu.memory_space<hbm>>
          tpu.wait_indirect_dma semaphore(%run_scoped3A_264 : memref<!tpu.dma_semaphore, #tpu.memory_space<semaphore_mem>>) src(%dma_wait3A_292 : memref<65536x128xf32, #tpu.memory_space<hbm>>) dst(%dma_wait3A_282 : memref<128x128xf32, #tpu.memory_space<vmem>>)
          tpu.yield
        }) : () -> ()
        "tpu.trace_stop"() : () -> ()
        %ne3A_199 = arith.cmpi ne, %add3A_131, %add3A_149 : i32
        %or3A_200 = arith.constant false
        %or3A_201 = arith.ori %or3A_200, %ne3A_199 : i1
        %or3A_202 = arith.ori %or3A_201, %eq3A_130 : i1
        %convert_element_type3A_203 = arith.extui %or3A_202 : i1 to i32
        %cond3A_204 = arith.constant 0 : i32
        %cond3A_205 = arith.cmpi ne, %convert_element_type3A_203, %cond3A_204 : i32
        scf.if %cond3A_205 {
        } else {
        }
        %and3A_206 = arith.constant false
        %and3A_207 = arith.andi %or3A_202, %and3A_206 : i1
        %ne3A_208 = arith.cmpi ne, %add3A_131, %add3A_149 : i32
        %or3A_209 = arith.constant false
        %or3A_210 = arith.ori %or3A_209, %ne3A_208 : i1
        %or3A_211 = arith.constant false
        %or3A_212 = arith.ori %or3A_210, %or3A_211 : i1
        %or3A_213 = arith.ori %or3A_212, %eq3A_130 : i1
        %convert_element_type3A_214 = arith.extui %or3A_213 : i1 to i32
        %cond3A_215 = arith.constant 0 : i32
        %cond3A_216 = arith.cmpi ne, %convert_element_type3A_214, %cond3A_215 : i32
        scf.if %cond3A_216 {
          "tpu.trace_start"() <{level = 10 : i32, message = "ep_copy_out"}> : () -> ()
          %rem3A_264 = arith.constant 2 : i32
          %rem3A_265 = arith.remui %scan3A_124, %rem3A_264 : i32
          %mul3A_266 = arith.constant 128 : i32
          %mul3A_267 = arith.muli %mul3A_266, %add3A_131 : i32
          %dma_start3A_268 = arith.constant 0 : i32
          %dma_start3A_269 = arith.constant 0 : i32
          %dma_start3A_270 = tpu.memref_slice %run_scoped3A_8[%rem3A_265, %dma_start3A_268, %dma_start3A_269] : memref<2x128x128xf32, #tpu.memory_space<vmem>> -> memref<1x128x128xf32, #tpu.memory_space<vmem>>
          %dma_start3A_271 = tpu.memref_squeeze %dma_start3A_270 : memref<1x128x128xf32, #tpu.memory_space<vmem>> -> memref<128x128xf32, #tpu.memory_space<vmem>>
          %dma_start3A_272 = arith.constant 0 : i32
          %dma_start3A_273 = tpu.memref_slice %arg4[%mul3A_267, %dma_start3A_272] : memref<65536x128xf32, #tpu.memory_space<hbm>> -> memref<128x128xf32, #tpu.memory_space<hbm>>
          %dma_start3A_274 = tpu.memref_slice %run_scoped3A_9[%rem3A_265] : memref<2x!tpu.dma_semaphore, #tpu.memory_space<semaphore_mem>> -> memref<1x!tpu.dma_semaphore, #tpu.memory_space<semaphore_mem>>
          %dma_start3A_275 = tpu.memref_squeeze %dma_start3A_274 : memref<1x!tpu.dma_semaphore, #tpu.memory_space<semaphore_mem>> -> memref<!tpu.dma_semaphore, #tpu.memory_space<semaphore_mem>>
          %dma_start3A_276 = arith.constant 0 : i32
          %dma_start3A_277 = tpu.memref_slice %arg4[%mul3A_267, %dma_start3A_276] : memref<65536x128xf32, #tpu.memory_space<hbm>> -> memref<128x128xf32, #tpu.memory_space<hbm>>
          %dma_start3A_278 = arith.constant 0 : i32
          %dma_start3A_279 = arith.constant 0 : i32
          %dma_start3A_280 = tpu.memref_slice %run_scoped3A_8[%rem3A_265, %dma_start3A_278, %dma_start3A_279] : memref<2x128x128xf32, #tpu.memory_space<vmem>> -> memref<1x128x128xf32, #tpu.memory_space<vmem>>
          %dma_start3A_281 = tpu.memref_squeeze %dma_start3A_280 : memref<1x128x128xf32, #tpu.memory_space<vmem>> -> memref<128x128xf32, #tpu.memory_space<vmem>>
          tpu.enqueue_dma source(%dma_start3A_281 : memref<128x128xf32, #tpu.memory_space<vmem>>) target(%dma_start3A_277 : memref<128x128xf32, #tpu.memory_space<hbm>>) target_semaphore(%dma_start3A_275 : memref<!tpu.dma_semaphore, #tpu.memory_space<semaphore_mem>>)
          "tpu.trace_stop"() : () -> ()
        } else {
        }
        %and3A_217 = arith.constant true
        %and3A_218 = arith.andi %or3A_213, %and3A_217 : i1
        %add3A_219 = arith.constant 1 : i32
        %add3A_220 = arith.addi %scan3A_124, %add3A_219 : i32
        %select_n3A_221 = arith.select %and3A_218, %add3A_220, %scan3A_124 : i32
        %ne3A_222 = arith.cmpi ne, %add3A_131, %add3A_140 : i32
        %or3A_223 = arith.constant false
        %or3A_224 = arith.ori %or3A_223, %ne3A_222 : i1
        %not3A_225 = arith.constant true
        %not3A_226 = arith.xori %eq3A_128, %not3A_225 : i1
        %and3A_227 = arith.andi %or3A_224, %not3A_226 : i1
        %convert_element_type3A_228 = arith.extui %and3A_227 : i1 to i32
        %cond3A_229 = arith.constant 0 : i32
        %cond3A_230 = arith.cmpi ne, %convert_element_type3A_228, %cond3A_229 : i32
        scf.if %cond3A_230 {
        } else {
        }
        %and3A_231 = arith.constant false
        %and3A_232 = arith.andi %and3A_227, %and3A_231 : i1
        %ne3A_233 = arith.cmpi ne, %add3A_131, %add3A_140 : i32
        %or3A_234 = arith.constant false
        %or3A_235 = arith.ori %or3A_234, %ne3A_233 : i1
        %or3A_236 = arith.constant false
        %or3A_237 = arith.ori %or3A_235, %or3A_236 : i1
        %not3A_238 = arith.constant true
        %not3A_239 = arith.xori %eq3A_128, %not3A_238 : i1
        %and3A_240 = arith.andi %or3A_237, %not3A_239 : i1
        %convert_element_type3A_241 = arith.extui %and3A_240 : i1 to i32
        %cond3A_242 = arith.constant 0 : i32
        %cond3A_243 = arith.cmpi ne, %convert_element_type3A_241, %cond3A_242 : i32
        scf.if %cond3A_243 {
          "tpu.trace_start"() <{level = 10 : i32, message = "ep_wait_out"}> : () -> ()
          %rem3A_264 = arith.constant 2 : i32
          %rem3A_265 = arith.remui %scan3A_125, %rem3A_264 : i32
          %mul3A_266 = arith.constant 128 : i32
          %mul3A_267 = arith.muli %mul3A_266, %add3A_140 : i32
          %dma_wait3A_268 = arith.constant 0 : i32
          %dma_wait3A_269 = arith.constant 0 : i32
          %dma_wait3A_270 = tpu.memref_slice %run_scoped3A_8[%rem3A_265, %dma_wait3A_268, %dma_wait3A_269] : memref<2x128x128xf32, #tpu.memory_space<vmem>> -> memref<1x128x128xf32, #tpu.memory_space<vmem>>
          %dma_wait3A_271 = tpu.memref_squeeze %dma_wait3A_270 : memref<1x128x128xf32, #tpu.memory_space<vmem>> -> memref<128x128xf32, #tpu.memory_space<vmem>>
          %dma_wait3A_272 = arith.constant 0 : i32
          %dma_wait3A_273 = tpu.memref_slice %arg4[%mul3A_267, %dma_wait3A_272] : memref<65536x128xf32, #tpu.memory_space<hbm>> -> memref<128x128xf32, #tpu.memory_space<hbm>>
          %dma_wait3A_274 = tpu.memref_slice %run_scoped3A_9[%rem3A_265] : memref<2x!tpu.dma_semaphore, #tpu.memory_space<semaphore_mem>> -> memref<1x!tpu.dma_semaphore, #tpu.memory_space<semaphore_mem>>
          %dma_wait3A_275 = tpu.memref_squeeze %dma_wait3A_274 : memref<1x!tpu.dma_semaphore, #tpu.memory_space<semaphore_mem>> -> memref<!tpu.dma_semaphore, #tpu.memory_space<semaphore_mem>>
          %dma_wait3A_276 = arith.constant 0 : i32
          %dma_wait3A_277 = tpu.memref_slice %arg4[%mul3A_267, %dma_wait3A_276] : memref<65536x128xf32, #tpu.memory_space<hbm>> -> memref<128x128xf32, #tpu.memory_space<hbm>>
          %dma_wait3A_278 = arith.constant 0 : i32
          %dma_wait3A_279 = arith.constant 0 : i32
          %dma_wait3A_280 = tpu.memref_slice %run_scoped3A_8[%rem3A_265, %dma_wait3A_278, %dma_wait3A_279] : memref<2x128x128xf32, #tpu.memory_space<vmem>> -> memref<1x128x128xf32, #tpu.memory_space<vmem>>
          %dma_wait3A_281 = tpu.memref_squeeze %dma_wait3A_280 : memref<1x128x128xf32, #tpu.memory_space<vmem>> -> memref<128x128xf32, #tpu.memory_space<vmem>>
          tpu.wait_dma2 semaphore(%dma_wait3A_275 : memref<!tpu.dma_semaphore, #tpu.memory_space<semaphore_mem>>) src(%dma_wait3A_281 : memref<128x128xf32, #tpu.memory_space<vmem>>) dst(%dma_wait3A_277 : memref<128x128xf32, #tpu.memory_space<hbm>>)
          "tpu.trace_stop"() : () -> ()
        } else {
        }
        %and3A_244 = arith.constant true
        %and3A_245 = arith.andi %and3A_240, %and3A_244 : i1
        %add3A_246 = arith.constant 1 : i32
        %add3A_247 = arith.addi %scan3A_125, %add3A_246 : i32
        %select_n3A_248 = arith.select %and3A_245, %add3A_247, %scan3A_125 : i32
        %ne3A_249 = arith.cmpi ne, %add3A_131, %add3A_149 : i32
        %or3A_250 = arith.constant false
        %or3A_251 = arith.ori %or3A_250, %ne3A_249 : i1
        %or3A_252 = arith.ori %or3A_251, %eq3A_130 : i1
        %add3A_253 = arith.constant 1 : i32
        %add3A_254 = arith.addi %scan3A_123, %add3A_253 : i32
        %select_n3A_255 = arith.select %or3A_252, %add3A_254, %scan3A_123 : i32
        %add3A_256 = arith.constant 1 : i32
        %add3A_257 = arith.addi %scan3A_126, %add3A_256 : i32
        %select_n3A_258 = arith.constant true
        %select_n3A_259 = arith.select %select_n3A_258, %add3A_257, %scan3A_126 : i32
        %eq3A_260 = arith.constant 16 : i32
        %eq3A_261 = arith.cmpi eq, %select_n3A_259, %eq3A_260 : i32
        %select_n3A_262 = arith.constant 0 : i32
        %select_n3A_263 = arith.select %eq3A_261, %select_n3A_262, %select_n3A_259 : i32
        scf.yield %select_n3A_167, %select_n3A_255, %select_n3A_221, %select_n3A_248, %select_n3A_263 : i32, i32, i32, i32, i32
      }
      %scan3A_68 = arith.constant 16 : i32
      %sub3A = arith.constant 1 : i32
      %sub3A_69 = arith.subi %scan3A_67#4, %sub3A : i32
      %select_n3A_70 = arith.constant true
      %select_n3A_71 = arith.select %select_n3A_70, %sub3A_69, %scan3A_67#4 : i32
      %eq3A_72 = arith.constant -1 : i32
      %eq3A_73 = arith.cmpi eq, %select_n3A_71, %eq3A_72 : i32
      %select_n3A_74 = arith.constant 15 : i32
      %select_n3A_75 = arith.select %eq3A_73, %select_n3A_74, %select_n3A_71 : i32
      %add3A_76 = arith.addi %select_n3A_75, %mul3A_6 : i32
      %sub3A_77 = arith.constant 1 : i32
      %sub3A_78 = arith.subi %select_n3A_75, %sub3A_77 : i32
      %select_n3A_79 = arith.constant true
      %select_n3A_80 = arith.select %select_n3A_79, %sub3A_78, %select_n3A_75 : i32
      %eq3A_81 = arith.constant -1 : i32
      %eq3A_82 = arith.cmpi eq, %select_n3A_80, %eq3A_81 : i32
      %select_n3A_83 = arith.constant 15 : i32
      %select_n3A_84 = arith.select %eq3A_82, %select_n3A_83, %select_n3A_80 : i32
      %add3A_85 = arith.addi %select_n3A_84, %mul3A_6 : i32
      %add3A_86 = arith.constant 1 : i32
      %add3A_87 = arith.addi %select_n3A_75, %add3A_86 : i32
      %select_n3A_88 = arith.constant true
      %select_n3A_89 = arith.select %select_n3A_88, %add3A_87, %select_n3A_75 : i32
      %eq3A_90 = arith.constant 16 : i32
      %eq3A_91 = arith.cmpi eq, %select_n3A_89, %eq3A_90 : i32
      %select_n3A_92 = arith.constant 0 : i32
      %select_n3A_93 = arith.select %eq3A_91, %select_n3A_92, %select_n3A_89 : i32
      %add3A_94 = arith.addi %select_n3A_93, %mul3A_6 : i32
      %add3A_95 = arith.constant 1 : i32
      %add3A_96 = arith.addi %select_n3A_93, %add3A_95 : i32
      %select_n3A_97 = arith.constant true
      %select_n3A_98 = arith.select %select_n3A_97, %add3A_96, %select_n3A_93 : i32
      %eq3A_99 = arith.constant 16 : i32
      %eq3A_100 = arith.cmpi eq, %select_n3A_98, %eq3A_99 : i32
      %select_n3A_101 = arith.constant 0 : i32
      %select_n3A_102 = arith.select %eq3A_100, %select_n3A_101, %select_n3A_98 : i32
      %add3A_103 = arith.addi %select_n3A_102, %mul3A_6 : i32
      "tpu.trace_start"() <{level = 10 : i32, message = "ep_finalize"}> : () -> ()
      %rem3A_104 = arith.constant 2 : i32
      %rem3A_105 = arith.remui %scan3A_67#3, %rem3A_104 : i32
      %mul3A_106 = arith.constant 128 : i32
      %mul3A_107 = arith.muli %mul3A_106, %add3A_76 : i32
      %dma_wait3A = arith.constant 0 : i32
      %dma_wait3A_108 = arith.constant 0 : i32
      %dma_wait3A_109 = tpu.memref_slice %run_scoped3A_8[%rem3A_105, %dma_wait3A, %dma_wait3A_108] : memref<2x128x128xf32, #tpu.memory_space<vmem>> -> memref<1x128x128xf32, #tpu.memory_space<vmem>>
      %dma_wait3A_110 = tpu.memref_squeeze %dma_wait3A_109 : memref<1x128x128xf32, #tpu.memory_space<vmem>> -> memref<128x128xf32, #tpu.memory_space<vmem>>
      %dma_wait3A_111 = arith.constant 0 : i32
      %dma_wait3A_112 = tpu.memref_slice %arg4[%mul3A_107, %dma_wait3A_111] : memref<65536x128xf32, #tpu.memory_space<hbm>> -> memref<128x128xf32, #tpu.memory_space<hbm>>
      %dma_wait3A_113 = tpu.memref_slice %run_scoped3A_9[%rem3A_105] : memref<2x!tpu.dma_semaphore, #tpu.memory_space<semaphore_mem>> -> memref<1x!tpu.dma_semaphore, #tpu.memory_space<semaphore_mem>>
      %dma_wait3A_114 = tpu.memref_squeeze %dma_wait3A_113 : memref<1x!tpu.dma_semaphore, #tpu.memory_space<semaphore_mem>> -> memref<!tpu.dma_semaphore, #tpu.memory_space<semaphore_mem>>
      %dma_wait3A_115 = arith.constant 0 : i32
      %dma_wait3A_116 = tpu.memref_slice %arg4[%mul3A_107, %dma_wait3A_115] : memref<65536x128xf32, #tpu.memory_space<hbm>> -> memref<128x128xf32, #tpu.memory_space<hbm>>
      %dma_wait3A_117 = arith.constant 0 : i32
      %dma_wait3A_118 = arith.constant 0 : i32
      %dma_wait3A_119 = tpu.memref_slice %run_scoped3A_8[%rem3A_105, %dma_wait3A_117, %dma_wait3A_118] : memref<2x128x128xf32, #tpu.memory_space<vmem>> -> memref<1x128x128xf32, #tpu.memory_space<vmem>>
      %dma_wait3A_120 = tpu.memref_squeeze %dma_wait3A_119 : memref<1x128x128xf32, #tpu.memory_space<vmem>> -> memref<128x128xf32, #tpu.memory_space<vmem>>
      tpu.wait_dma2 semaphore(%dma_wait3A_114 : memref<!tpu.dma_semaphore, #tpu.memory_space<semaphore_mem>>) src(%dma_wait3A_120 : memref<128x128xf32, #tpu.memory_space<vmem>>) dst(%dma_wait3A_116 : memref<128x128xf32, #tpu.memory_space<hbm>>)
      "tpu.trace_stop"() : () -> ()
      tpu.yield
    }) : () -> ()
    return
  }
}

module attributes {stable_mosaic.version = 14 : i64} {
  func.func @_fps_body(%arg0: memref<4x128x128xf32, #tpu.memory_space<vmem>>, %arg1: memref<4x128x128xf32, #tpu.memory_space<vmem>>, %arg2: memref<4x128x128xf32, #tpu.memory_space<vmem>>, %arg3: memref<4x1024xf32, #tpu.memory_space<vmem>>, %arg4: memref<4x1024xf32, #tpu.memory_space<vmem>>, %arg5: memref<4x1024xf32, #tpu.memory_space<vmem>>, %arg6: memref<4x128x128xf32, #tpu.memory_space<vmem>>) attributes {dimension_semantics = [], scalar_prefetch = 0 : i64, scratch_operands = 1 : i64, tpu.core_type = #tpu.core_type<tc>} {
    %get3A = arith.constant 0 : index
    %get3A_0 = arith.constant 0 : index
    %get3A_1 = arith.constant 0 : index
    %get3A_2 = vector.load %arg0[%get3A, %get3A_0, %get3A_1] : memref<4x128x128xf32, #tpu.memory_space<vmem>>, vector<4x128x128xf32>
    %get3A_3 = arith.constant 0 : index
    %get3A_4 = arith.constant 0 : index
    %get3A_5 = arith.constant 0 : index
    %get3A_6 = vector.load %arg1[%get3A_3, %get3A_4, %get3A_5] : memref<4x128x128xf32, #tpu.memory_space<vmem>>, vector<4x128x128xf32>
    %get3A_7 = arith.constant 0 : index
    %get3A_8 = arith.constant 0 : index
    %get3A_9 = arith.constant 0 : index
    %get3A_10 = vector.load %arg2[%get3A_7, %get3A_8, %get3A_9] : memref<4x128x128xf32, #tpu.memory_space<vmem>>, vector<4x128x128xf32>
    %iota3A = tpu.iota {dimensions = array<i32: 1>} : vector<1x128x128xi32>
    %mul3A = arith.constant 128 : i32
    %mul3A_11 = vector.broadcast %mul3A : i32 to vector<1x128x128xi32>
    %mul3A_12 = arith.muli %iota3A, %mul3A_11 : vector<1x128x128xi32>
    %iota3A_13 = tpu.iota {dimensions = array<i32: 2>} : vector<1x128x128xi32>
    %add3A = arith.addi %mul3A_12, %iota3A_13 : vector<1x128x128xi32>
    %iota3A_14 = tpu.iota {dimensions = array<i32: 1>} : vector<4x1024xi32>
    %broadcast_in_dim3A = arith.constant 1.000000e+10 : f32
    %broadcast_in_dim3A_15 = vector.broadcast %broadcast_in_dim3A : f32 to vector<4x128x128xf32>
    %swap3A = arith.constant 0 : index
    %swap3A_16 = arith.constant 0 : index
    %swap3A_17 = arith.constant 0 : index
    %swap3A_18 = vector.load %arg6[%swap3A, %swap3A_16, %swap3A_17] : memref<4x128x128xf32, #tpu.memory_space<vmem>>, vector<4x128x128xf32>
    tpu.vector_store %arg6[%swap3A, %swap3A_16, %swap3A_17], %broadcast_in_dim3A_15 {strides = array<i32>} : memref<4x128x128xf32, #tpu.memory_space<vmem>>, vector<4x128x128xf32>,
    %concatenate3A = tpu.concatenate %get3A_2, %get3A_6, %get3A_10 in 0 : vector<4x128x128xf32>, vector<4x128x128xf32>, vector<4x128x128xf32> -> vector<12x128x128xf32>
    %broadcast_in_dim3A_19 = arith.constant 0 : i32
    %broadcast_in_dim3A_20 = vector.broadcast %broadcast_in_dim3A_19 : i32 to vector<4x1x1xi32>
    %scan3A = arith.constant 0 : i32
    %scan3A_21 = arith.constant 1024 : i32
    %scan3A_22 = arith.addi %scan3A, %scan3A_21 : i32
    %scan3A_23 = arith.constant 1 : i32
    %scan3A_24 = scf.for %scan3A_26 = %scan3A to %scan3A_22 step %scan3A_23 iter_args(%scan3A_27 = %broadcast_in_dim3A_20) -> (vector<4x1x1xi32>)  : i32 {
      %eq3A = vector.broadcast %add3A : vector<1x128x128xi32> to vector<4x128x128xi32>
      %eq3A_28 = vector.broadcast %scan3A_27 : vector<4x1x1xi32> to vector<4x128x128xi32>
      %eq3A_29 = arith.cmpi eq, %eq3A, %eq3A_28 : vector<4x128x128xi32>
      %concatenate3A_30 = tpu.concatenate %eq3A_29, %eq3A_29, %eq3A_29 in 0 : vector<4x128x128xi1>, vector<4x128x128xi1>, vector<4x128x128xi1> -> vector<12x128x128xi1>
      %jit3A = arith.constant 0.000000e+00 : f32
      %broadcast_in_dim3A_31 = vector.broadcast %jit3A : f32 to vector<12x128x128xf32>
      %select_n3A = arith.select %concatenate3A_30, %concatenate3A, %broadcast_in_dim3A_31 : vector<12x128x128xi1>, vector<12x128x128xf32>
      %reduce_sum3A = arith.constant dense<0.000000e+00> : vector<12xf32>
      %reduce_sum3A_32 = vector.multi_reduction <add>, %select_n3A, %reduce_sum3A [1, 2] : vector<12x128x128xf32> to vector<12xf32>
      %broadcast_in_dim3A_33 = vector.shape_cast %reduce_sum3A_32 : vector<12xf32> to vector<12x1x1xf32>
      %slice3A = vector.extract_strided_slice %broadcast_in_dim3A_33 {offsets = [0, 0, 0], sizes = [4, 1, 1], strides = [1, 1, 1]} : vector<12x1x1xf32> to vector<4x1x1xf32>
      %slice3A_34 = vector.extract_strided_slice %broadcast_in_dim3A_33 {offsets = [4, 0, 0], sizes = [4, 1, 1], strides = [1, 1, 1]} : vector<12x1x1xf32> to vector<4x1x1xf32>
      %slice3A_35 = vector.extract_strided_slice %broadcast_in_dim3A_33 {offsets = [8, 0, 0], sizes = [4, 1, 1], strides = [1, 1, 1]} : vector<12x1x1xf32> to vector<4x1x1xf32>
      %eq3A_36 = vector.broadcast %scan3A_26 : i32 to vector<4x1024xi32>
      %eq3A_37 = arith.cmpi eq, %iota3A_14, %eq3A_36 : vector<4x1024xi32>
      %squeeze3A = vector.shape_cast %slice3A : vector<4x1x1xf32> to vector<4x1xf32>
      %get3A_38 = arith.constant 0 : index
      %get3A_39 = arith.constant 0 : index
      %get3A_40 = vector.load %arg3[%get3A_38, %get3A_39] : memref<4x1024xf32, #tpu.memory_space<vmem>>, vector<4x1024xf32>
      %broadcast_in_dim3A_41 = vector.shape_cast %squeeze3A : vector<4x1xf32> to vector<4x1xf32>
      %broadcast_in_dim3A_42 = vector.broadcast %broadcast_in_dim3A_41 : vector<4x1xf32> to vector<4x1024xf32>
      %select_n3A_43 = arith.select %eq3A_37, %broadcast_in_dim3A_42, %get3A_40 : vector<4x1024xi1>, vector<4x1024xf32>
      %swap3A_44 = arith.constant 0 : index
      %swap3A_45 = arith.constant 0 : index
      %swap3A_46 = vector.load %arg3[%swap3A_44, %swap3A_45] : memref<4x1024xf32, #tpu.memory_space<vmem>>, vector<4x1024xf32>
      tpu.vector_store %arg3[%swap3A_44, %swap3A_45], %select_n3A_43 {strides = array<i32>} : memref<4x1024xf32, #tpu.memory_space<vmem>>, vector<4x1024xf32>,
      %squeeze3A_47 = vector.shape_cast %slice3A_34 : vector<4x1x1xf32> to vector<4x1xf32>
      %get3A_48 = arith.constant 0 : index
      %get3A_49 = arith.constant 0 : index
      %get3A_50 = vector.load %arg4[%get3A_48, %get3A_49] : memref<4x1024xf32, #tpu.memory_space<vmem>>, vector<4x1024xf32>
      %broadcast_in_dim3A_51 = vector.shape_cast %squeeze3A_47 : vector<4x1xf32> to vector<4x1xf32>
      %broadcast_in_dim3A_52 = vector.broadcast %broadcast_in_dim3A_51 : vector<4x1xf32> to vector<4x1024xf32>
      %select_n3A_53 = arith.select %eq3A_37, %broadcast_in_dim3A_52, %get3A_50 : vector<4x1024xi1>, vector<4x1024xf32>
      %swap3A_54 = arith.constant 0 : index
      %swap3A_55 = arith.constant 0 : index
      %swap3A_56 = vector.load %arg4[%swap3A_54, %swap3A_55] : memref<4x1024xf32, #tpu.memory_space<vmem>>, vector<4x1024xf32>
      tpu.vector_store %arg4[%swap3A_54, %swap3A_55], %select_n3A_53 {strides = array<i32>} : memref<4x1024xf32, #tpu.memory_space<vmem>>, vector<4x1024xf32>,
      %squeeze3A_57 = vector.shape_cast %slice3A_35 : vector<4x1x1xf32> to vector<4x1xf32>
      %get3A_58 = arith.constant 0 : index
      %get3A_59 = arith.constant 0 : index
      %get3A_60 = vector.load %arg5[%get3A_58, %get3A_59] : memref<4x1024xf32, #tpu.memory_space<vmem>>, vector<4x1024xf32>
      %broadcast_in_dim3A_61 = vector.shape_cast %squeeze3A_57 : vector<4x1xf32> to vector<4x1xf32>
      %broadcast_in_dim3A_62 = vector.broadcast %broadcast_in_dim3A_61 : vector<4x1xf32> to vector<4x1024xf32>
      %select_n3A_63 = arith.select %eq3A_37, %broadcast_in_dim3A_62, %get3A_60 : vector<4x1024xi1>, vector<4x1024xf32>
      %swap3A_64 = arith.constant 0 : index
      %swap3A_65 = arith.constant 0 : index
      %swap3A_66 = vector.load %arg5[%swap3A_64, %swap3A_65] : memref<4x1024xf32, #tpu.memory_space<vmem>>, vector<4x1024xf32>
      tpu.vector_store %arg5[%swap3A_64, %swap3A_65], %select_n3A_63 {strides = array<i32>} : memref<4x1024xf32, #tpu.memory_space<vmem>>, vector<4x1024xf32>,
      %sub3A = vector.broadcast %slice3A : vector<4x1x1xf32> to vector<4x128x128xf32>
      %sub3A_67 = arith.subf %get3A_2, %sub3A : vector<4x128x128xf32>
      %integer_pow3A = arith.mulf %sub3A_67, %sub3A_67 : vector<4x128x128xf32>
      %sub3A_68 = vector.broadcast %slice3A_34 : vector<4x1x1xf32> to vector<4x128x128xf32>
      %sub3A_69 = arith.subf %get3A_6, %sub3A_68 : vector<4x128x128xf32>
      %integer_pow3A_70 = arith.mulf %sub3A_69, %sub3A_69 : vector<4x128x128xf32>
      %add3A_71 = arith.addf %integer_pow3A, %integer_pow3A_70 : vector<4x128x128xf32>
      %sub3A_72 = vector.broadcast %slice3A_35 : vector<4x1x1xf32> to vector<4x128x128xf32>
      %sub3A_73 = arith.subf %get3A_10, %sub3A_72 : vector<4x128x128xf32>
      %integer_pow3A_74 = arith.mulf %sub3A_73, %sub3A_73 : vector<4x128x128xf32>
      %add3A_75 = arith.addf %add3A_71, %integer_pow3A_74 : vector<4x128x128xf32>
      %get3A_76 = arith.constant 0 : index
      %get3A_77 = arith.constant 0 : index
      %get3A_78 = arith.constant 0 : index
      %get3A_79 = vector.load %arg6[%get3A_76, %get3A_77, %get3A_78] : memref<4x128x128xf32, #tpu.memory_space<vmem>>, vector<4x128x128xf32>
      %min3A = arith.minimumf %get3A_79, %add3A_75 : vector<4x128x128xf32>
      %swap3A_80 = arith.constant 0 : index
      %swap3A_81 = arith.constant 0 : index
      %swap3A_82 = arith.constant 0 : index
      %swap3A_83 = vector.load %arg6[%swap3A_80, %swap3A_81, %swap3A_82] : memref<4x128x128xf32, #tpu.memory_space<vmem>>, vector<4x128x128xf32>
      tpu.vector_store %arg6[%swap3A_80, %swap3A_81, %swap3A_82], %min3A {strides = array<i32>} : memref<4x128x128xf32, #tpu.memory_space<vmem>>, vector<4x128x128xf32>,
      %reduce_max3A = arith.constant dense<0xFF800000> : vector<4xf32>
      %reduce_max3A_84 = vector.multi_reduction <maximumf>, %min3A, %reduce_max3A [1, 2] : vector<4x128x128xf32> to vector<4xf32>
      %broadcast_in_dim3A_85 = vector.shape_cast %reduce_max3A_84 : vector<4xf32> to vector<4x1x1xf32>
      %eq3A_86 = vector.broadcast %broadcast_in_dim3A_85 : vector<4x1x1xf32> to vector<4x128x128xf32>
      %eq3A_87 = arith.cmpf oeq, %min3A, %eq3A_86 : vector<4x128x128xf32>
      %jit3A_88 = arith.constant 16384 : i32
      %broadcast_in_dim3A_89 = vector.shape_cast %add3A : vector<1x128x128xi32> to vector<1x128x128xi32>
      %broadcast_in_dim3A_90 = vector.broadcast %broadcast_in_dim3A_89 : vector<1x128x128xi32> to vector<4x128x128xi32>
      %broadcast_in_dim3A_91 = vector.broadcast %jit3A_88 : i32 to vector<4x128x128xi32>
      %select_n3A_92 = arith.select %eq3A_87, %broadcast_in_dim3A_90, %broadcast_in_dim3A_91 : vector<4x128x128xi1>, vector<4x128x128xi32>
      %reduce_min3A = arith.constant dense<2147483647> : vector<4xi32>
      %reduce_min3A_93 = vector.multi_reduction <minsi>, %select_n3A_92, %reduce_min3A [1, 2] : vector<4x128x128xi32> to vector<4xi32>
      %broadcast_in_dim3A_94 = vector.shape_cast %reduce_min3A_93 : vector<4xi32> to vector<4x1x1xi32>
      scf.yield %broadcast_in_dim3A_94 : vector<4x1x1xi32>
    }
    %scan3A_25 = arith.constant 1024 : i32
    return
  }
}

module attributes {stable_mosaic.version = 14 : i64} {
  func.func @_select_body(%arg0: i32, %arg1: i32, %arg2: i32, %arg3: memref<1x3x2048xf32, #tpu.memory_space<vmem>>, %arg4: memref<1x256x3xf32, #tpu.memory_space<vmem>>, %arg5: memref<1x256x16xi32, #tpu.memory_space<vmem>>, %arg6: memref<1x256x32xi32, #tpu.memory_space<vmem>>, %arg7: memref<256x1xi32, #tpu.memory_space<vmem>>, %arg8: memref<256x1xi32, #tpu.memory_space<vmem>>) attributes {dimension_semantics = [#tpu.dimension_semantics<arbitrary>, #tpu.dimension_semantics<arbitrary>, #tpu.dimension_semantics<arbitrary>], iteration_bounds = array<i64: 4, 4, 8>, scalar_prefetch = 0 : i64, scratch_operands = 2 : i64, tpu.core_type = #tpu.core_type<tc>, window_params = [{transform_indices = @transform_0, window_bounds = array<i64: 1, 3, 2048>}, {transform_indices = @transform_1, window_bounds = array<i64: 1, 256, 3>}, {transform_indices = @transform_2, window_bounds = array<i64: 1, 256, 16>}, {transform_indices = @transform_3, window_bounds = array<i64: 1, 256, 32>}]} {
    %eq3A = arith.constant 0 : i32
    %eq3A_0 = arith.cmpi eq, %arg2, %eq3A : i32
    %convert_element_type3A = arith.extui %eq3A_0 : i1 to i32
    %cond3A = arith.constant 0 : i32
    %cond3A_1 = arith.cmpi ne, %convert_element_type3A, %cond3A : i32
    scf.if %cond3A_1 {
      %broadcast_in_dim3A = arith.constant 0 : i32
      %broadcast_in_dim3A_27 = vector.broadcast %broadcast_in_dim3A : i32 to vector<256x1xi32>
      %swap3A = arith.constant 0 : index
      %swap3A_28 = arith.constant 0 : index
      %swap3A_29 = vector.load %arg7[%swap3A, %swap3A_28] : memref<256x1xi32, #tpu.memory_space<vmem>>, vector<256x1xi32>
      tpu.vector_store %arg7[%swap3A, %swap3A_28], %broadcast_in_dim3A_27 {strides = array<i32>} : memref<256x1xi32, #tpu.memory_space<vmem>>, vector<256x1xi32>,
      %broadcast_in_dim3A_30 = arith.constant 0 : i32
      %broadcast_in_dim3A_31 = vector.broadcast %broadcast_in_dim3A_30 : i32 to vector<256x1xi32>
      %swap3A_32 = arith.constant 0 : index
      %swap3A_33 = arith.constant 0 : index
      %swap3A_34 = vector.load %arg8[%swap3A_32, %swap3A_33] : memref<256x1xi32, #tpu.memory_space<vmem>>, vector<256x1xi32>
      tpu.vector_store %arg8[%swap3A_32, %swap3A_33], %broadcast_in_dim3A_31 {strides = array<i32>} : memref<256x1xi32, #tpu.memory_space<vmem>>, vector<256x1xi32>,
      %broadcast_in_dim3A_35 = arith.constant 0 : i32
      %broadcast_in_dim3A_36 = vector.broadcast %broadcast_in_dim3A_35 : i32 to vector<1x256x16xi32>
      %swap3A_37 = arith.constant 0 : index
      %swap3A_38 = arith.constant 0 : index
      %swap3A_39 = arith.constant 0 : index
      %swap3A_40 = vector.load %arg5[%swap3A_37, %swap3A_38, %swap3A_39] : memref<1x256x16xi32, #tpu.memory_space<vmem>>, vector<1x256x16xi32>
      tpu.vector_store %arg5[%swap3A_37, %swap3A_38, %swap3A_39], %broadcast_in_dim3A_36 {strides = array<i32>} : memref<1x256x16xi32, #tpu.memory_space<vmem>>, vector<1x256x16xi32>,
      %broadcast_in_dim3A_41 = arith.constant 0 : i32
      %broadcast_in_dim3A_42 = vector.broadcast %broadcast_in_dim3A_41 : i32 to vector<1x256x32xi32>
      %swap3A_43 = arith.constant 0 : index
      %swap3A_44 = arith.constant 0 : index
      %swap3A_45 = arith.constant 0 : index
      %swap3A_46 = vector.load %arg6[%swap3A_43, %swap3A_44, %swap3A_45] : memref<1x256x32xi32, #tpu.memory_space<vmem>>, vector<1x256x32xi32>
      tpu.vector_store %arg6[%swap3A_43, %swap3A_44, %swap3A_45], %broadcast_in_dim3A_42 {strides = array<i32>} : memref<1x256x32xi32, #tpu.memory_space<vmem>>, vector<1x256x32xi32>,
    } else {
    }
    %get3A = arith.constant 0 : index
    %get3A_2 = arith.constant 0 : index
    %get3A_3 = vector.load %arg7[%get3A, %get3A_2] : memref<256x1xi32, #tpu.memory_space<vmem>>, vector<256x1xi32>
    %reduce_min3A = vector.shape_cast %get3A_3 : vector<256x1xi32> to vector<1x256x1xi32>
    %reduce_min3A_4 = arith.constant dense<2147483647> : vector<1xi32>
    %reduce_min3A_5 = vector.multi_reduction <minsi>, %reduce_min3A, %reduce_min3A_4 [1, 2] : vector<1x256x1xi32> to vector<1xi32>
    %reduce_min3A_6 = vector.shape_cast %reduce_min3A_5 : vector<1xi32> to vector<1x1x1xi32>
    %reduce_min3A_7 = vector.extract %reduce_min3A_6[0, 0, 0] : i32 from vector<1x1x1xi32>
    %lt3A = arith.constant 16 : i32
    %lt3A_8 = arith.cmpi slt, %reduce_min3A_7, %lt3A : i32
    %get3A_9 = arith.constant 0 : index
    %get3A_10 = arith.constant 0 : index
    %get3A_11 = vector.load %arg8[%get3A_9, %get3A_10] : memref<256x1xi32, #tpu.memory_space<vmem>>, vector<256x1xi32>
    %reduce_min3A_12 = vector.shape_cast %get3A_11 : vector<256x1xi32> to vector<1x256x1xi32>
    %reduce_min3A_13 = arith.constant dense<2147483647> : vector<1xi32>
    %reduce_min3A_14 = vector.multi_reduction <minsi>, %reduce_min3A_12, %reduce_min3A_13 [1, 2] : vector<1x256x1xi32> to vector<1xi32>
    %reduce_min3A_15 = vector.shape_cast %reduce_min3A_14 : vector<1xi32> to vector<1x1x1xi32>
    %reduce_min3A_16 = vector.extract %reduce_min3A_15[0, 0, 0] : i32 from vector<1x1x1xi32>
    %lt3A_17 = arith.constant 32 : i32
    %lt3A_18 = arith.cmpi slt, %reduce_min3A_16, %lt3A_17 : i32
    %or3A = arith.ori %lt3A_8, %lt3A_18 : i1
    %convert_element_type3A_19 = arith.extui %or3A : i1 to i32
    %cond3A_20 = arith.constant 0 : i32
    %cond3A_21 = arith.cmpi ne, %convert_element_type3A_19, %cond3A_20 : i32
    scf.if %cond3A_21 {
      %get3A_27 = arith.constant 0 : index
      %get3A_28 = arith.constant 0 : index
      %get3A_29 = arith.constant 0 : index
      %get3A_30 = vector.load %arg4[%get3A_27, %get3A_28, %get3A_29] : memref<1x256x3xf32, #tpu.memory_space<vmem>>, vector<1x256x1xf32>
      %get3A_31 = vector.shape_cast %get3A_30 : vector<1x256x1xf32> to vector<256x1xf32>
      %get3A_32 = arith.constant 0 : index
      %get3A_33 = arith.constant 0 : index
      %get3A_34 = arith.constant 1 : index
      %get3A_35 = vector.load %arg4[%get3A_32, %get3A_33, %get3A_34] : memref<1x256x3xf32, #tpu.memory_space<vmem>>, vector<1x256x1xf32>
      %get3A_36 = vector.shape_cast %get3A_35 : vector<1x256x1xf32> to vector<256x1xf32>
      %get3A_37 = arith.constant 0 : index
      %get3A_38 = arith.constant 0 : index
      %get3A_39 = arith.constant 2 : index
      %get3A_40 = vector.load %arg4[%get3A_37, %get3A_38, %get3A_39] : memref<1x256x3xf32, #tpu.memory_space<vmem>>, vector<1x256x1xf32>
      %get3A_41 = vector.shape_cast %get3A_40 : vector<1x256x1xf32> to vector<256x1xf32>
      %get3A_42 = arith.constant 0 : index
      %get3A_43 = arith.constant 0 : index
      %get3A_44 = arith.constant 0 : index
      %get3A_45 = vector.load %arg3[%get3A_42, %get3A_43, %get3A_44] : memref<1x3x2048xf32, #tpu.memory_space<vmem>>, vector<1x1x2048xf32>
      %get3A_46 = vector.shape_cast %get3A_45 : vector<1x1x2048xf32> to vector<1x2048xf32>
      %get3A_47 = arith.constant 0 : index
      %get3A_48 = arith.constant 1 : index
      %get3A_49 = arith.constant 0 : index
      %get3A_50 = vector.load %arg3[%get3A_47, %get3A_48, %get3A_49] : memref<1x3x2048xf32, #tpu.memory_space<vmem>>, vector<1x1x2048xf32>
      %get3A_51 = vector.shape_cast %get3A_50 : vector<1x1x2048xf32> to vector<1x2048xf32>
      %get3A_52 = arith.constant 0 : index
      %get3A_53 = arith.constant 2 : index
      %get3A_54 = arith.constant 0 : index
      %get3A_55 = vector.load %arg3[%get3A_52, %get3A_53, %get3A_54] : memref<1x3x2048xf32, #tpu.memory_space<vmem>>, vector<1x1x2048xf32>
      %get3A_56 = vector.shape_cast %get3A_55 : vector<1x1x2048xf32> to vector<1x2048xf32>
      %sub3A = vector.broadcast %get3A_31 : vector<256x1xf32> to vector<256x2048xf32>
      %sub3A_57 = vector.broadcast %get3A_46 : vector<1x2048xf32> to vector<256x2048xf32>
      %sub3A_58 = arith.subf %sub3A, %sub3A_57 : vector<256x2048xf32>
      %integer_pow3A = arith.mulf %sub3A_58, %sub3A_58 : vector<256x2048xf32>
      %sub3A_59 = vector.broadcast %get3A_36 : vector<256x1xf32> to vector<256x2048xf32>
      %sub3A_60 = vector.broadcast %get3A_51 : vector<1x2048xf32> to vector<256x2048xf32>
      %sub3A_61 = arith.subf %sub3A_59, %sub3A_60 : vector<256x2048xf32>
      %integer_pow3A_62 = arith.mulf %sub3A_61, %sub3A_61 : vector<256x2048xf32>
      %add3A = arith.addf %integer_pow3A, %integer_pow3A_62 : vector<256x2048xf32>
      %sub3A_63 = vector.broadcast %get3A_41 : vector<256x1xf32> to vector<256x2048xf32>
      %sub3A_64 = vector.broadcast %get3A_56 : vector<1x2048xf32> to vector<256x2048xf32>
      %sub3A_65 = arith.subf %sub3A_63, %sub3A_64 : vector<256x2048xf32>
      %integer_pow3A_66 = arith.mulf %sub3A_65, %sub3A_65 : vector<256x2048xf32>
      %add3A_67 = arith.addf %add3A, %integer_pow3A_66 : vector<256x2048xf32>
      %convert_element_type3A_68 = arith.extui %lt3A_8 : i1 to i32
      %cond3A_69 = arith.constant 0 : i32
      %cond3A_70 = arith.cmpi ne, %convert_element_type3A_68, %cond3A_69 : i32
      scf.if %cond3A_70 {
        %le3A = arith.constant 2.500000e-01 : f32
        %le3A_74 = vector.broadcast %le3A : f32 to vector<256x2048xf32>
        %le3A_75 = arith.cmpf ole, %add3A_67, %le3A_74 : vector<256x2048xf32>
        %get3A_76 = arith.constant 0 : index
        %get3A_77 = arith.constant 0 : index
        %get3A_78 = vector.load %arg7[%get3A_76, %get3A_77] : memref<256x1xi32, #tpu.memory_space<vmem>>, vector<256x1xi32>
        %convert_element_type3A_79 = arith.extui %le3A_75 : vector<256x2048xi1> to vector<256x2048xi32>
        %broadcast_in_dim3A = arith.constant 0 : i32
        %broadcast_in_dim3A_80 = vector.broadcast %broadcast_in_dim3A : i32 to vector<256x1xi32>
        %slice3A = vector.extract_strided_slice %convert_element_type3A_79 {offsets = [0, 0], sizes = [256, 2047], strides = [1, 1]} : vector<256x2048xi32> to vector<256x2047xi32>
        %concatenate3A = tpu.concatenate %broadcast_in_dim3A_80, %slice3A in 1 : vector<256x1xi32>, vector<256x2047xi32> -> vector<256x2048xi32>
        %add3A_81 = arith.addi %convert_element_type3A_79, %concatenate3A : vector<256x2048xi32>
        %broadcast_in_dim3A_82 = arith.constant 0 : i32
        %broadcast_in_dim3A_83 = vector.broadcast %broadcast_in_dim3A_82 : i32 to vector<256x2xi32>
        %slice3A_84 = vector.extract_strided_slice %add3A_81 {offsets = [0, 0], sizes = [256, 2046], strides = [1, 1]} : vector<256x2048xi32> to vector<256x2046xi32>
        %concatenate3A_85 = tpu.concatenate %broadcast_in_dim3A_83, %slice3A_84 in 1 : vector<256x2xi32>, vector<256x2046xi32> -> vector<256x2048xi32>
        %add3A_86 = arith.addi %add3A_81, %concatenate3A_85 : vector<256x2048xi32>
        %broadcast_in_dim3A_87 = arith.constant 0 : i32
        %broadcast_in_dim3A_88 = vector.broadcast %broadcast_in_dim3A_87 : i32 to vector<256x4xi32>
        %slice3A_89 = vector.extract_strided_slice %add3A_86 {offsets = [0, 0], sizes = [256, 2044], strides = [1, 1]} : vector<256x2048xi32> to vector<256x2044xi32>
        %concatenate3A_90 = tpu.concatenate %broadcast_in_dim3A_88, %slice3A_89 in 1 : vector<256x4xi32>, vector<256x2044xi32> -> vector<256x2048xi32>
        %add3A_91 = arith.addi %add3A_86, %concatenate3A_90 : vector<256x2048xi32>
        %broadcast_in_dim3A_92 = arith.constant 0 : i32
        %broadcast_in_dim3A_93 = vector.broadcast %broadcast_in_dim3A_92 : i32 to vector<256x8xi32>
        %slice3A_94 = vector.extract_strided_slice %add3A_91 {offsets = [0, 0], sizes = [256, 2040], strides = [1, 1]} : vector<256x2048xi32> to vector<256x2040xi32>
        %concatenate3A_95 = tpu.concatenate %broadcast_in_dim3A_93, %slice3A_94 in 1 : vector<256x8xi32>, vector<256x2040xi32> -> vector<256x2048xi32>
        %add3A_96 = arith.addi %add3A_91, %concatenate3A_95 : vector<256x2048xi32>
        %broadcast_in_dim3A_97 = arith.constant 0 : i32
        %broadcast_in_dim3A_98 = vector.broadcast %broadcast_in_dim3A_97 : i32 to vector<256x16xi32>
        %slice3A_99 = vector.extract_strided_slice %add3A_96 {offsets = [0, 0], sizes = [256, 2032], strides = [1, 1]} : vector<256x2048xi32> to vector<256x2032xi32>
        %concatenate3A_100 = tpu.concatenate %broadcast_in_dim3A_98, %slice3A_99 in 1 : vector<256x16xi32>, vector<256x2032xi32> -> vector<256x2048xi32>
        %add3A_101 = arith.addi %add3A_96, %concatenate3A_100 : vector<256x2048xi32>
        %broadcast_in_dim3A_102 = arith.constant 0 : i32
        %broadcast_in_dim3A_103 = vector.broadcast %broadcast_in_dim3A_102 : i32 to vector<256x32xi32>
        %slice3A_104 = vector.extract_strided_slice %add3A_101 {offsets = [0, 0], sizes = [256, 2016], strides = [1, 1]} : vector<256x2048xi32> to vector<256x2016xi32>
        %concatenate3A_105 = tpu.concatenate %broadcast_in_dim3A_103, %slice3A_104 in 1 : vector<256x32xi32>, vector<256x2016xi32> -> vector<256x2048xi32>
        %add3A_106 = arith.addi %add3A_101, %concatenate3A_105 : vector<256x2048xi32>
        %broadcast_in_dim3A_107 = arith.constant 0 : i32
        %broadcast_in_dim3A_108 = vector.broadcast %broadcast_in_dim3A_107 : i32 to vector<256x64xi32>
        %slice3A_109 = vector.extract_strided_slice %add3A_106 {offsets = [0, 0], sizes = [256, 1984], strides = [1, 1]} : vector<256x2048xi32> to vector<256x1984xi32>
        %concatenate3A_110 = tpu.concatenate %broadcast_in_dim3A_108, %slice3A_109 in 1 : vector<256x64xi32>, vector<256x1984xi32> -> vector<256x2048xi32>
        %add3A_111 = arith.addi %add3A_106, %concatenate3A_110 : vector<256x2048xi32>
        %broadcast_in_dim3A_112 = arith.constant 0 : i32
        %broadcast_in_dim3A_113 = vector.broadcast %broadcast_in_dim3A_112 : i32 to vector<256x128xi32>
        %slice3A_114 = vector.extract_strided_slice %add3A_111 {offsets = [0, 0], sizes = [256, 1920], strides = [1, 1]} : vector<256x2048xi32> to vector<256x1920xi32>
        %concatenate3A_115 = tpu.concatenate %broadcast_in_dim3A_113, %slice3A_114 in 1 : vector<256x128xi32>, vector<256x1920xi32> -> vector<256x2048xi32>
        %add3A_116 = arith.addi %add3A_111, %concatenate3A_115 : vector<256x2048xi32>
        %broadcast_in_dim3A_117 = arith.constant 0 : i32
        %broadcast_in_dim3A_118 = vector.broadcast %broadcast_in_dim3A_117 : i32 to vector<256x256xi32>
        %slice3A_119 = vector.extract_strided_slice %add3A_116 {offsets = [0, 0], sizes = [256, 1792], strides = [1, 1]} : vector<256x2048xi32> to vector<256x1792xi32>
        %concatenate3A_120 = tpu.concatenate %broadcast_in_dim3A_118, %slice3A_119 in 1 : vector<256x256xi32>, vector<256x1792xi32> -> vector<256x2048xi32>
        %add3A_121 = arith.addi %add3A_116, %concatenate3A_120 : vector<256x2048xi32>
        %broadcast_in_dim3A_122 = arith.constant 0 : i32
        %broadcast_in_dim3A_123 = vector.broadcast %broadcast_in_dim3A_122 : i32 to vector<256x512xi32>
        %slice3A_124 = vector.extract_strided_slice %add3A_121 {offsets = [0, 0], sizes = [256, 1536], strides = [1, 1]} : vector<256x2048xi32> to vector<256x1536xi32>
        %concatenate3A_125 = tpu.concatenate %broadcast_in_dim3A_123, %slice3A_124 in 1 : vector<256x512xi32>, vector<256x1536xi32> -> vector<256x2048xi32>
        %add3A_126 = arith.addi %add3A_121, %concatenate3A_125 : vector<256x2048xi32>
        %broadcast_in_dim3A_127 = arith.constant 0 : i32
        %broadcast_in_dim3A_128 = vector.broadcast %broadcast_in_dim3A_127 : i32 to vector<256x1024xi32>
        %slice3A_129 = vector.extract_strided_slice %add3A_126 {offsets = [0, 0], sizes = [256, 1024], strides = [1, 1]} : vector<256x2048xi32> to vector<256x1024xi32>
        %concatenate3A_130 = tpu.concatenate %broadcast_in_dim3A_128, %slice3A_129 in 1 : vector<256x1024xi32>, vector<256x1024xi32> -> vector<256x2048xi32>
        %add3A_131 = arith.addi %add3A_126, %concatenate3A_130 : vector<256x2048xi32>
        %add3A_132 = vector.broadcast %get3A_78 : vector<256x1xi32> to vector<256x2048xi32>
        %add3A_133 = arith.addi %add3A_132, %add3A_131 : vector<256x2048xi32>
        %le3A_134 = arith.constant 0 : i32
        %le3A_135 = vector.broadcast %le3A_134 : i32 to vector<256x2048xi32>
        %le3A_136 = arith.cmpi sle, %add3A_133, %le3A_135 : vector<256x2048xi32>
        %convert_element_type3A_137 = arith.extui %le3A_136 : vector<256x2048xi1> to vector<256x2048xi32>
        %reduce_sum3A = arith.constant dense<0> : vector<256xi32>
        %reduce_sum3A_138 = vector.multi_reduction <add>, %convert_element_type3A_137, %reduce_sum3A [1] : vector<256x2048xi32> to vector<256xi32>
        %broadcast_in_dim3A_139 = vector.shape_cast %reduce_sum3A_138 : vector<256xi32> to vector<256x1xi32>
        %le3A_140 = arith.constant 1 : i32
        %le3A_141 = vector.broadcast %le3A_140 : i32 to vector<256x2048xi32>
        %le3A_142 = arith.cmpi sle, %add3A_133, %le3A_141 : vector<256x2048xi32>
        %convert_element_type3A_143 = arith.extui %le3A_142 : vector<256x2048xi1> to vector<256x2048xi32>
        %reduce_sum3A_144 = arith.constant dense<0> : vector<256xi32>
        %reduce_sum3A_145 = vector.multi_reduction <add>, %convert_element_type3A_143, %reduce_sum3A_144 [1] : vector<256x2048xi32> to vector<256xi32>
        %broadcast_in_dim3A_146 = vector.shape_cast %reduce_sum3A_145 : vector<256xi32> to vector<256x1xi32>
        %le3A_147 = arith.constant 2 : i32
        %le3A_148 = vector.broadcast %le3A_147 : i32 to vector<256x2048xi32>
        %le3A_149 = arith.cmpi sle, %add3A_133, %le3A_148 : vector<256x2048xi32>
        %convert_element_type3A_150 = arith.extui %le3A_149 : vector<256x2048xi1> to vector<256x2048xi32>
        %reduce_sum3A_151 = arith.constant dense<0> : vector<256xi32>
        %reduce_sum3A_152 = vector.multi_reduction <add>, %convert_element_type3A_150, %reduce_sum3A_151 [1] : vector<256x2048xi32> to vector<256xi32>
        %broadcast_in_dim3A_153 = vector.shape_cast %reduce_sum3A_152 : vector<256xi32> to vector<256x1xi32>
        %le3A_154 = arith.constant 3 : i32
        %le3A_155 = vector.broadcast %le3A_154 : i32 to vector<256x2048xi32>
        %le3A_156 = arith.cmpi sle, %add3A_133, %le3A_155 : vector<256x2048xi32>
        %convert_element_type3A_157 = arith.extui %le3A_156 : vector<256x2048xi1> to vector<256x2048xi32>
        %reduce_sum3A_158 = arith.constant dense<0> : vector<256xi32>
        %reduce_sum3A_159 = vector.multi_reduction <add>, %convert_element_type3A_157, %reduce_sum3A_158 [1] : vector<256x2048xi32> to vector<256xi32>
        %broadcast_in_dim3A_160 = vector.shape_cast %reduce_sum3A_159 : vector<256xi32> to vector<256x1xi32>
        %le3A_161 = arith.constant 4 : i32
        %le3A_162 = vector.broadcast %le3A_161 : i32 to vector<256x2048xi32>
        %le3A_163 = arith.cmpi sle, %add3A_133, %le3A_162 : vector<256x2048xi32>
        %convert_element_type3A_164 = arith.extui %le3A_163 : vector<256x2048xi1> to vector<256x2048xi32>
        %reduce_sum3A_165 = arith.constant dense<0> : vector<256xi32>
        %reduce_sum3A_166 = vector.multi_reduction <add>, %convert_element_type3A_164, %reduce_sum3A_165 [1] : vector<256x2048xi32> to vector<256xi32>
        %broadcast_in_dim3A_167 = vector.shape_cast %reduce_sum3A_166 : vector<256xi32> to vector<256x1xi32>
        %le3A_168 = arith.constant 5 : i32
        %le3A_169 = vector.broadcast %le3A_168 : i32 to vector<256x2048xi32>
        %le3A_170 = arith.cmpi sle, %add3A_133, %le3A_169 : vector<256x2048xi32>
        %convert_element_type3A_171 = arith.extui %le3A_170 : vector<256x2048xi1> to vector<256x2048xi32>
        %reduce_sum3A_172 = arith.constant dense<0> : vector<256xi32>
        %reduce_sum3A_173 = vector.multi_reduction <add>, %convert_element_type3A_171, %reduce_sum3A_172 [1] : vector<256x2048xi32> to vector<256xi32>
        %broadcast_in_dim3A_174 = vector.shape_cast %reduce_sum3A_173 : vector<256xi32> to vector<256x1xi32>
        %le3A_175 = arith.constant 6 : i32
        %le3A_176 = vector.broadcast %le3A_175 : i32 to vector<256x2048xi32>
        %le3A_177 = arith.cmpi sle, %add3A_133, %le3A_176 : vector<256x2048xi32>
        %convert_element_type3A_178 = arith.extui %le3A_177 : vector<256x2048xi1> to vector<256x2048xi32>
        %reduce_sum3A_179 = arith.constant dense<0> : vector<256xi32>
        %reduce_sum3A_180 = vector.multi_reduction <add>, %convert_element_type3A_178, %reduce_sum3A_179 [1] : vector<256x2048xi32> to vector<256xi32>
        %broadcast_in_dim3A_181 = vector.shape_cast %reduce_sum3A_180 : vector<256xi32> to vector<256x1xi32>
        %le3A_182 = arith.constant 7 : i32
        %le3A_183 = vector.broadcast %le3A_182 : i32 to vector<256x2048xi32>
        %le3A_184 = arith.cmpi sle, %add3A_133, %le3A_183 : vector<256x2048xi32>
        %convert_element_type3A_185 = arith.extui %le3A_184 : vector<256x2048xi1> to vector<256x2048xi32>
        %reduce_sum3A_186 = arith.constant dense<0> : vector<256xi32>
        %reduce_sum3A_187 = vector.multi_reduction <add>, %convert_element_type3A_185, %reduce_sum3A_186 [1] : vector<256x2048xi32> to vector<256xi32>
        %broadcast_in_dim3A_188 = vector.shape_cast %reduce_sum3A_187 : vector<256xi32> to vector<256x1xi32>
        %le3A_189 = arith.constant 8 : i32
        %le3A_190 = vector.broadcast %le3A_189 : i32 to vector<256x2048xi32>
        %le3A_191 = arith.cmpi sle, %add3A_133, %le3A_190 : vector<256x2048xi32>
        %convert_element_type3A_192 = arith.extui %le3A_191 : vector<256x2048xi1> to vector<256x2048xi32>
        %reduce_sum3A_193 = arith.constant dense<0> : vector<256xi32>
        %reduce_sum3A_194 = vector.multi_reduction <add>, %convert_element_type3A_192, %reduce_sum3A_193 [1] : vector<256x2048xi32> to vector<256xi32>
        %broadcast_in_dim3A_195 = vector.shape_cast %reduce_sum3A_194 : vector<256xi32> to vector<256x1xi32>
        %le3A_196 = arith.constant 9 : i32
        %le3A_197 = vector.broadcast %le3A_196 : i32 to vector<256x2048xi32>
        %le3A_198 = arith.cmpi sle, %add3A_133, %le3A_197 : vector<256x2048xi32>
        %convert_element_type3A_199 = arith.extui %le3A_198 : vector<256x2048xi1> to vector<256x2048xi32>
        %reduce_sum3A_200 = arith.constant dense<0> : vector<256xi32>
        %reduce_sum3A_201 = vector.multi_reduction <add>, %convert_element_type3A_199, %reduce_sum3A_200 [1] : vector<256x2048xi32> to vector<256xi32>
        %broadcast_in_dim3A_202 = vector.shape_cast %reduce_sum3A_201 : vector<256xi32> to vector<256x1xi32>
        %le3A_203 = arith.constant 10 : i32
        %le3A_204 = vector.broadcast %le3A_203 : i32 to vector<256x2048xi32>
        %le3A_205 = arith.cmpi sle, %add3A_133, %le3A_204 : vector<256x2048xi32>
        %convert_element_type3A_206 = arith.extui %le3A_205 : vector<256x2048xi1> to vector<256x2048xi32>
        %reduce_sum3A_207 = arith.constant dense<0> : vector<256xi32>
        %reduce_sum3A_208 = vector.multi_reduction <add>, %convert_element_type3A_206, %reduce_sum3A_207 [1] : vector<256x2048xi32> to vector<256xi32>
        %broadcast_in_dim3A_209 = vector.shape_cast %reduce_sum3A_208 : vector<256xi32> to vector<256x1xi32>
        %le3A_210 = arith.constant 11 : i32
        %le3A_211 = vector.broadcast %le3A_210 : i32 to vector<256x2048xi32>
        %le3A_212 = arith.cmpi sle, %add3A_133, %le3A_211 : vector<256x2048xi32>
        %convert_element_type3A_213 = arith.extui %le3A_212 : vector<256x2048xi1> to vector<256x2048xi32>
        %reduce_sum3A_214 = arith.constant dense<0> : vector<256xi32>
        %reduce_sum3A_215 = vector.multi_reduction <add>, %convert_element_type3A_213, %reduce_sum3A_214 [1] : vector<256x2048xi32> to vector<256xi32>
        %broadcast_in_dim3A_216 = vector.shape_cast %reduce_sum3A_215 : vector<256xi32> to vector<256x1xi32>
        %le3A_217 = arith.constant 12 : i32
        %le3A_218 = vector.broadcast %le3A_217 : i32 to vector<256x2048xi32>
        %le3A_219 = arith.cmpi sle, %add3A_133, %le3A_218 : vector<256x2048xi32>
        %convert_element_type3A_220 = arith.extui %le3A_219 : vector<256x2048xi1> to vector<256x2048xi32>
        %reduce_sum3A_221 = arith.constant dense<0> : vector<256xi32>
        %reduce_sum3A_222 = vector.multi_reduction <add>, %convert_element_type3A_220, %reduce_sum3A_221 [1] : vector<256x2048xi32> to vector<256xi32>
        %broadcast_in_dim3A_223 = vector.shape_cast %reduce_sum3A_222 : vector<256xi32> to vector<256x1xi32>
        %le3A_224 = arith.constant 13 : i32
        %le3A_225 = vector.broadcast %le3A_224 : i32 to vector<256x2048xi32>
        %le3A_226 = arith.cmpi sle, %add3A_133, %le3A_225 : vector<256x2048xi32>
        %convert_element_type3A_227 = arith.extui %le3A_226 : vector<256x2048xi1> to vector<256x2048xi32>
        %reduce_sum3A_228 = arith.constant dense<0> : vector<256xi32>
        %reduce_sum3A_229 = vector.multi_reduction <add>, %convert_element_type3A_227, %reduce_sum3A_228 [1] : vector<256x2048xi32> to vector<256xi32>
        %broadcast_in_dim3A_230 = vector.shape_cast %reduce_sum3A_229 : vector<256xi32> to vector<256x1xi32>
        %le3A_231 = arith.constant 14 : i32
        %le3A_232 = vector.broadcast %le3A_231 : i32 to vector<256x2048xi32>
        %le3A_233 = arith.cmpi sle, %add3A_133, %le3A_232 : vector<256x2048xi32>
        %convert_element_type3A_234 = arith.extui %le3A_233 : vector<256x2048xi1> to vector<256x2048xi32>
        %reduce_sum3A_235 = arith.constant dense<0> : vector<256xi32>
        %reduce_sum3A_236 = vector.multi_reduction <add>, %convert_element_type3A_234, %reduce_sum3A_235 [1] : vector<256x2048xi32> to vector<256xi32>
        %broadcast_in_dim3A_237 = vector.shape_cast %reduce_sum3A_236 : vector<256xi32> to vector<256x1xi32>
        %le3A_238 = arith.constant 15 : i32
        %le3A_239 = vector.broadcast %le3A_238 : i32 to vector<256x2048xi32>
        %le3A_240 = arith.cmpi sle, %add3A_133, %le3A_239 : vector<256x2048xi32>
        %convert_element_type3A_241 = arith.extui %le3A_240 : vector<256x2048xi1> to vector<256x2048xi32>
        %reduce_sum3A_242 = arith.constant dense<0> : vector<256xi32>
        %reduce_sum3A_243 = vector.multi_reduction <add>, %convert_element_type3A_241, %reduce_sum3A_242 [1] : vector<256x2048xi32> to vector<256xi32>
        %broadcast_in_dim3A_244 = vector.shape_cast %reduce_sum3A_243 : vector<256xi32> to vector<256x1xi32>
        %get3A_245 = arith.constant 0 : index
        %get3A_246 = arith.constant 0 : index
        %get3A_247 = arith.constant 0 : index
        %get3A_248 = vector.load %arg5[%get3A_245, %get3A_246, %get3A_247] : memref<1x256x16xi32, #tpu.memory_space<vmem>>, vector<1x256x16xi32>
        %get3A_249 = vector.shape_cast %get3A_248 : vector<1x256x16xi32> to vector<256x16xi32>
        %concatenate3A_250 = tpu.concatenate %broadcast_in_dim3A_139, %broadcast_in_dim3A_146, %broadcast_in_dim3A_153, %broadcast_in_dim3A_160, %broadcast_in_dim3A_167, %broadcast_in_dim3A_174, %broadcast_in_dim3A_181, %broadcast_in_dim3A_188, %broadcast_in_dim3A_195, %broadcast_in_dim3A_202, %broadcast_in_dim3A_209, %broadcast_in_dim3A_216, %broadcast_in_dim3A_223, %broadcast_in_dim3A_230, %broadcast_in_dim3A_237, %broadcast_in_dim3A_244 in 1 : vector<256x1xi32>, vector<256x1xi32>, vector<256x1xi32>, vector<256x1xi32>, vector<256x1xi32>, vector<256x1xi32>, vector<256x1xi32>, vector<256x1xi32>, vector<256x1xi32>, vector<256x1xi32>, vector<256x1xi32>, vector<256x1xi32>, vector<256x1xi32>, vector<256x1xi32>, vector<256x1xi32>, vector<256x1xi32> -> vector<256x16xi32>
        %add3A_251 = arith.addi %get3A_249, %concatenate3A_250 : vector<256x16xi32>
        %swap3A = arith.constant 0 : index
        %swap3A_252 = arith.constant 0 : index
        %swap3A_253 = arith.constant 0 : index
        %swap3A_254 = vector.load %arg5[%swap3A, %swap3A_252, %swap3A_253] : memref<1x256x16xi32, #tpu.memory_space<vmem>>, vector<1x256x16xi32>
        %swap3A_255 = vector.shape_cast %swap3A_254 : vector<1x256x16xi32> to vector<256x16xi32>
        %swap3A_256 = vector.shape_cast %add3A_251 : vector<256x16xi32> to vector<1x256x16xi32>
        tpu.vector_store %arg5[%swap3A, %swap3A_252, %swap3A_253], %swap3A_256 {strides = array<i32>} : memref<1x256x16xi32, #tpu.memory_space<vmem>>, vector<1x256x16xi32>,
        %slice3A_257 = vector.extract_strided_slice %add3A_133 {offsets = [0, 2047], sizes = [256, 1], strides = [1, 1]} : vector<256x2048xi32> to vector<256x1xi32>
        %swap3A_258 = arith.constant 0 : index
        %swap3A_259 = arith.constant 0 : index
        %swap3A_260 = vector.load %arg7[%swap3A_258, %swap3A_259] : memref<256x1xi32, #tpu.memory_space<vmem>>, vector<256x1xi32>
        tpu.vector_store %arg7[%swap3A_258, %swap3A_259], %slice3A_257 {strides = array<i32>} : memref<256x1xi32, #tpu.memory_space<vmem>>, vector<256x1xi32>,
      } else {
      }
      %convert_element_type3A_71 = arith.extui %lt3A_18 : i1 to i32
      %cond3A_72 = arith.constant 0 : i32
      %cond3A_73 = arith.cmpi ne, %convert_element_type3A_71, %cond3A_72 : i32
      scf.if %cond3A_73 {
        %le3A = arith.constant 1.000000e+00 : f32
        %le3A_74 = vector.broadcast %le3A : f32 to vector<256x2048xf32>
        %le3A_75 = arith.cmpf ole, %add3A_67, %le3A_74 : vector<256x2048xf32>
        %get3A_76 = arith.constant 0 : index
        %get3A_77 = arith.constant 0 : index
        %get3A_78 = vector.load %arg8[%get3A_76, %get3A_77] : memref<256x1xi32, #tpu.memory_space<vmem>>, vector<256x1xi32>
        %convert_element_type3A_79 = arith.extui %le3A_75 : vector<256x2048xi1> to vector<256x2048xi32>
        %broadcast_in_dim3A = arith.constant 0 : i32
        %broadcast_in_dim3A_80 = vector.broadcast %broadcast_in_dim3A : i32 to vector<256x1xi32>
        %slice3A = vector.extract_strided_slice %convert_element_type3A_79 {offsets = [0, 0], sizes = [256, 2047], strides = [1, 1]} : vector<256x2048xi32> to vector<256x2047xi32>
        %concatenate3A = tpu.concatenate %broadcast_in_dim3A_80, %slice3A in 1 : vector<256x1xi32>, vector<256x2047xi32> -> vector<256x2048xi32>
        %add3A_81 = arith.addi %convert_element_type3A_79, %concatenate3A : vector<256x2048xi32>
        %broadcast_in_dim3A_82 = arith.constant 0 : i32
        %broadcast_in_dim3A_83 = vector.broadcast %broadcast_in_dim3A_82 : i32 to vector<256x2xi32>
        %slice3A_84 = vector.extract_strided_slice %add3A_81 {offsets = [0, 0], sizes = [256, 2046], strides = [1, 1]} : vector<256x2048xi32> to vector<256x2046xi32>
        %concatenate3A_85 = tpu.concatenate %broadcast_in_dim3A_83, %slice3A_84 in 1 : vector<256x2xi32>, vector<256x2046xi32> -> vector<256x2048xi32>
        %add3A_86 = arith.addi %add3A_81, %concatenate3A_85 : vector<256x2048xi32>
        %broadcast_in_dim3A_87 = arith.constant 0 : i32
        %broadcast_in_dim3A_88 = vector.broadcast %broadcast_in_dim3A_87 : i32 to vector<256x4xi32>
        %slice3A_89 = vector.extract_strided_slice %add3A_86 {offsets = [0, 0], sizes = [256, 2044], strides = [1, 1]} : vector<256x2048xi32> to vector<256x2044xi32>
        %concatenate3A_90 = tpu.concatenate %broadcast_in_dim3A_88, %slice3A_89 in 1 : vector<256x4xi32>, vector<256x2044xi32> -> vector<256x2048xi32>
        %add3A_91 = arith.addi %add3A_86, %concatenate3A_90 : vector<256x2048xi32>
        %broadcast_in_dim3A_92 = arith.constant 0 : i32
        %broadcast_in_dim3A_93 = vector.broadcast %broadcast_in_dim3A_92 : i32 to vector<256x8xi32>
        %slice3A_94 = vector.extract_strided_slice %add3A_91 {offsets = [0, 0], sizes = [256, 2040], strides = [1, 1]} : vector<256x2048xi32> to vector<256x2040xi32>
        %concatenate3A_95 = tpu.concatenate %broadcast_in_dim3A_93, %slice3A_94 in 1 : vector<256x8xi32>, vector<256x2040xi32> -> vector<256x2048xi32>
        %add3A_96 = arith.addi %add3A_91, %concatenate3A_95 : vector<256x2048xi32>
        %broadcast_in_dim3A_97 = arith.constant 0 : i32
        %broadcast_in_dim3A_98 = vector.broadcast %broadcast_in_dim3A_97 : i32 to vector<256x16xi32>
        %slice3A_99 = vector.extract_strided_slice %add3A_96 {offsets = [0, 0], sizes = [256, 2032], strides = [1, 1]} : vector<256x2048xi32> to vector<256x2032xi32>
        %concatenate3A_100 = tpu.concatenate %broadcast_in_dim3A_98, %slice3A_99 in 1 : vector<256x16xi32>, vector<256x2032xi32> -> vector<256x2048xi32>
        %add3A_101 = arith.addi %add3A_96, %concatenate3A_100 : vector<256x2048xi32>
        %broadcast_in_dim3A_102 = arith.constant 0 : i32
        %broadcast_in_dim3A_103 = vector.broadcast %broadcast_in_dim3A_102 : i32 to vector<256x32xi32>
        %slice3A_104 = vector.extract_strided_slice %add3A_101 {offsets = [0, 0], sizes = [256, 2016], strides = [1, 1]} : vector<256x2048xi32> to vector<256x2016xi32>
        %concatenate3A_105 = tpu.concatenate %broadcast_in_dim3A_103, %slice3A_104 in 1 : vector<256x32xi32>, vector<256x2016xi32> -> vector<256x2048xi32>
        %add3A_106 = arith.addi %add3A_101, %concatenate3A_105 : vector<256x2048xi32>
        %broadcast_in_dim3A_107 = arith.constant 0 : i32
        %broadcast_in_dim3A_108 = vector.broadcast %broadcast_in_dim3A_107 : i32 to vector<256x64xi32>
        %slice3A_109 = vector.extract_strided_slice %add3A_106 {offsets = [0, 0], sizes = [256, 1984], strides = [1, 1]} : vector<256x2048xi32> to vector<256x1984xi32>
        %concatenate3A_110 = tpu.concatenate %broadcast_in_dim3A_108, %slice3A_109 in 1 : vector<256x64xi32>, vector<256x1984xi32> -> vector<256x2048xi32>
        %add3A_111 = arith.addi %add3A_106, %concatenate3A_110 : vector<256x2048xi32>
        %broadcast_in_dim3A_112 = arith.constant 0 : i32
        %broadcast_in_dim3A_113 = vector.broadcast %broadcast_in_dim3A_112 : i32 to vector<256x128xi32>
        %slice3A_114 = vector.extract_strided_slice %add3A_111 {offsets = [0, 0], sizes = [256, 1920], strides = [1, 1]} : vector<256x2048xi32> to vector<256x1920xi32>
        %concatenate3A_115 = tpu.concatenate %broadcast_in_dim3A_113, %slice3A_114 in 1 : vector<256x128xi32>, vector<256x1920xi32> -> vector<256x2048xi32>
        %add3A_116 = arith.addi %add3A_111, %concatenate3A_115 : vector<256x2048xi32>
        %broadcast_in_dim3A_117 = arith.constant 0 : i32
        %broadcast_in_dim3A_118 = vector.broadcast %broadcast_in_dim3A_117 : i32 to vector<256x256xi32>
        %slice3A_119 = vector.extract_strided_slice %add3A_116 {offsets = [0, 0], sizes = [256, 1792], strides = [1, 1]} : vector<256x2048xi32> to vector<256x1792xi32>
        %concatenate3A_120 = tpu.concatenate %broadcast_in_dim3A_118, %slice3A_119 in 1 : vector<256x256xi32>, vector<256x1792xi32> -> vector<256x2048xi32>
        %add3A_121 = arith.addi %add3A_116, %concatenate3A_120 : vector<256x2048xi32>
        %broadcast_in_dim3A_122 = arith.constant 0 : i32
        %broadcast_in_dim3A_123 = vector.broadcast %broadcast_in_dim3A_122 : i32 to vector<256x512xi32>
        %slice3A_124 = vector.extract_strided_slice %add3A_121 {offsets = [0, 0], sizes = [256, 1536], strides = [1, 1]} : vector<256x2048xi32> to vector<256x1536xi32>
        %concatenate3A_125 = tpu.concatenate %broadcast_in_dim3A_123, %slice3A_124 in 1 : vector<256x512xi32>, vector<256x1536xi32> -> vector<256x2048xi32>
        %add3A_126 = arith.addi %add3A_121, %concatenate3A_125 : vector<256x2048xi32>
        %broadcast_in_dim3A_127 = arith.constant 0 : i32
        %broadcast_in_dim3A_128 = vector.broadcast %broadcast_in_dim3A_127 : i32 to vector<256x1024xi32>
        %slice3A_129 = vector.extract_strided_slice %add3A_126 {offsets = [0, 0], sizes = [256, 1024], strides = [1, 1]} : vector<256x2048xi32> to vector<256x1024xi32>
        %concatenate3A_130 = tpu.concatenate %broadcast_in_dim3A_128, %slice3A_129 in 1 : vector<256x1024xi32>, vector<256x1024xi32> -> vector<256x2048xi32>
        %add3A_131 = arith.addi %add3A_126, %concatenate3A_130 : vector<256x2048xi32>
        %add3A_132 = vector.broadcast %get3A_78 : vector<256x1xi32> to vector<256x2048xi32>
        %add3A_133 = arith.addi %add3A_132, %add3A_131 : vector<256x2048xi32>
        %le3A_134 = arith.constant 0 : i32
        %le3A_135 = vector.broadcast %le3A_134 : i32 to vector<256x2048xi32>
        %le3A_136 = arith.cmpi sle, %add3A_133, %le3A_135 : vector<256x2048xi32>
        %convert_element_type3A_137 = arith.extui %le3A_136 : vector<256x2048xi1> to vector<256x2048xi32>
        %reduce_sum3A = arith.constant dense<0> : vector<256xi32>
        %reduce_sum3A_138 = vector.multi_reduction <add>, %convert_element_type3A_137, %reduce_sum3A [1] : vector<256x2048xi32> to vector<256xi32>
        %broadcast_in_dim3A_139 = vector.shape_cast %reduce_sum3A_138 : vector<256xi32> to vector<256x1xi32>
        %le3A_140 = arith.constant 1 : i32
        %le3A_141 = vector.broadcast %le3A_140 : i32 to vector<256x2048xi32>
        %le3A_142 = arith.cmpi sle, %add3A_133, %le3A_141 : vector<256x2048xi32>
        %convert_element_type3A_143 = arith.extui %le3A_142 : vector<256x2048xi1> to vector<256x2048xi32>
        %reduce_sum3A_144 = arith.constant dense<0> : vector<256xi32>
        %reduce_sum3A_145 = vector.multi_reduction <add>, %convert_element_type3A_143, %reduce_sum3A_144 [1] : vector<256x2048xi32> to vector<256xi32>
        %broadcast_in_dim3A_146 = vector.shape_cast %reduce_sum3A_145 : vector<256xi32> to vector<256x1xi32>
        %le3A_147 = arith.constant 2 : i32
        %le3A_148 = vector.broadcast %le3A_147 : i32 to vector<256x2048xi32>
        %le3A_149 = arith.cmpi sle, %add3A_133, %le3A_148 : vector<256x2048xi32>
        %convert_element_type3A_150 = arith.extui %le3A_149 : vector<256x2048xi1> to vector<256x2048xi32>
        %reduce_sum3A_151 = arith.constant dense<0> : vector<256xi32>
        %reduce_sum3A_152 = vector.multi_reduction <add>, %convert_element_type3A_150, %reduce_sum3A_151 [1] : vector<256x2048xi32> to vector<256xi32>
        %broadcast_in_dim3A_153 = vector.shape_cast %reduce_sum3A_152 : vector<256xi32> to vector<256x1xi32>
        %le3A_154 = arith.constant 3 : i32
        %le3A_155 = vector.broadcast %le3A_154 : i32 to vector<256x2048xi32>
        %le3A_156 = arith.cmpi sle, %add3A_133, %le3A_155 : vector<256x2048xi32>
        %convert_element_type3A_157 = arith.extui %le3A_156 : vector<256x2048xi1> to vector<256x2048xi32>
        %reduce_sum3A_158 = arith.constant dense<0> : vector<256xi32>
        %reduce_sum3A_159 = vector.multi_reduction <add>, %convert_element_type3A_157, %reduce_sum3A_158 [1] : vector<256x2048xi32> to vector<256xi32>
        %broadcast_in_dim3A_160 = vector.shape_cast %reduce_sum3A_159 : vector<256xi32> to vector<256x1xi32>
        %le3A_161 = arith.constant 4 : i32
        %le3A_162 = vector.broadcast %le3A_161 : i32 to vector<256x2048xi32>
        %le3A_163 = arith.cmpi sle, %add3A_133, %le3A_162 : vector<256x2048xi32>
        %convert_element_type3A_164 = arith.extui %le3A_163 : vector<256x2048xi1> to vector<256x2048xi32>
        %reduce_sum3A_165 = arith.constant dense<0> : vector<256xi32>
        %reduce_sum3A_166 = vector.multi_reduction <add>, %convert_element_type3A_164, %reduce_sum3A_165 [1] : vector<256x2048xi32> to vector<256xi32>
        %broadcast_in_dim3A_167 = vector.shape_cast %reduce_sum3A_166 : vector<256xi32> to vector<256x1xi32>
        %le3A_168 = arith.constant 5 : i32
        %le3A_169 = vector.broadcast %le3A_168 : i32 to vector<256x2048xi32>
        %le3A_170 = arith.cmpi sle, %add3A_133, %le3A_169 : vector<256x2048xi32>
        %convert_element_type3A_171 = arith.extui %le3A_170 : vector<256x2048xi1> to vector<256x2048xi32>
        %reduce_sum3A_172 = arith.constant dense<0> : vector<256xi32>
        %reduce_sum3A_173 = vector.multi_reduction <add>, %convert_element_type3A_171, %reduce_sum3A_172 [1] : vector<256x2048xi32> to vector<256xi32>
        %broadcast_in_dim3A_174 = vector.shape_cast %reduce_sum3A_173 : vector<256xi32> to vector<256x1xi32>
        %le3A_175 = arith.constant 6 : i32
        %le3A_176 = vector.broadcast %le3A_175 : i32 to vector<256x2048xi32>
        %le3A_177 = arith.cmpi sle, %add3A_133, %le3A_176 : vector<256x2048xi32>
        %convert_element_type3A_178 = arith.extui %le3A_177 : vector<256x2048xi1> to vector<256x2048xi32>
        %reduce_sum3A_179 = arith.constant dense<0> : vector<256xi32>
        %reduce_sum3A_180 = vector.multi_reduction <add>, %convert_element_type3A_178, %reduce_sum3A_179 [1] : vector<256x2048xi32> to vector<256xi32>
        %broadcast_in_dim3A_181 = vector.shape_cast %reduce_sum3A_180 : vector<256xi32> to vector<256x1xi32>
        %le3A_182 = arith.constant 7 : i32
        %le3A_183 = vector.broadcast %le3A_182 : i32 to vector<256x2048xi32>
        %le3A_184 = arith.cmpi sle, %add3A_133, %le3A_183 : vector<256x2048xi32>
        %convert_element_type3A_185 = arith.extui %le3A_184 : vector<256x2048xi1> to vector<256x2048xi32>
        %reduce_sum3A_186 = arith.constant dense<0> : vector<256xi32>
        %reduce_sum3A_187 = vector.multi_reduction <add>, %convert_element_type3A_185, %reduce_sum3A_186 [1] : vector<256x2048xi32> to vector<256xi32>
        %broadcast_in_dim3A_188 = vector.shape_cast %reduce_sum3A_187 : vector<256xi32> to vector<256x1xi32>
        %le3A_189 = arith.constant 8 : i32
        %le3A_190 = vector.broadcast %le3A_189 : i32 to vector<256x2048xi32>
        %le3A_191 = arith.cmpi sle, %add3A_133, %le3A_190 : vector<256x2048xi32>
        %convert_element_type3A_192 = arith.extui %le3A_191 : vector<256x2048xi1> to vector<256x2048xi32>
        %reduce_sum3A_193 = arith.constant dense<0> : vector<256xi32>
        %reduce_sum3A_194 = vector.multi_reduction <add>, %convert_element_type3A_192, %reduce_sum3A_193 [1] : vector<256x2048xi32> to vector<256xi32>
        %broadcast_in_dim3A_195 = vector.shape_cast %reduce_sum3A_194 : vector<256xi32> to vector<256x1xi32>
        %le3A_196 = arith.constant 9 : i32
        %le3A_197 = vector.broadcast %le3A_196 : i32 to vector<256x2048xi32>
        %le3A_198 = arith.cmpi sle, %add3A_133, %le3A_197 : vector<256x2048xi32>
        %convert_element_type3A_199 = arith.extui %le3A_198 : vector<256x2048xi1> to vector<256x2048xi32>
        %reduce_sum3A_200 = arith.constant dense<0> : vector<256xi32>
        %reduce_sum3A_201 = vector.multi_reduction <add>, %convert_element_type3A_199, %reduce_sum3A_200 [1] : vector<256x2048xi32> to vector<256xi32>
        %broadcast_in_dim3A_202 = vector.shape_cast %reduce_sum3A_201 : vector<256xi32> to vector<256x1xi32>
        %le3A_203 = arith.constant 10 : i32
        %le3A_204 = vector.broadcast %le3A_203 : i32 to vector<256x2048xi32>
        %le3A_205 = arith.cmpi sle, %add3A_133, %le3A_204 : vector<256x2048xi32>
        %convert_element_type3A_206 = arith.extui %le3A_205 : vector<256x2048xi1> to vector<256x2048xi32>
        %reduce_sum3A_207 = arith.constant dense<0> : vector<256xi32>
        %reduce_sum3A_208 = vector.multi_reduction <add>, %convert_element_type3A_206, %reduce_sum3A_207 [1] : vector<256x2048xi32> to vector<256xi32>
        %broadcast_in_dim3A_209 = vector.shape_cast %reduce_sum3A_208 : vector<256xi32> to vector<256x1xi32>
        %le3A_210 = arith.constant 11 : i32
        %le3A_211 = vector.broadcast %le3A_210 : i32 to vector<256x2048xi32>
        %le3A_212 = arith.cmpi sle, %add3A_133, %le3A_211 : vector<256x2048xi32>
        %convert_element_type3A_213 = arith.extui %le3A_212 : vector<256x2048xi1> to vector<256x2048xi32>
        %reduce_sum3A_214 = arith.constant dense<0> : vector<256xi32>
        %reduce_sum3A_215 = vector.multi_reduction <add>, %convert_element_type3A_213, %reduce_sum3A_214 [1] : vector<256x2048xi32> to vector<256xi32>
        %broadcast_in_dim3A_216 = vector.shape_cast %reduce_sum3A_215 : vector<256xi32> to vector<256x1xi32>
        %le3A_217 = arith.constant 12 : i32
        %le3A_218 = vector.broadcast %le3A_217 : i32 to vector<256x2048xi32>
        %le3A_219 = arith.cmpi sle, %add3A_133, %le3A_218 : vector<256x2048xi32>
        %convert_element_type3A_220 = arith.extui %le3A_219 : vector<256x2048xi1> to vector<256x2048xi32>
        %reduce_sum3A_221 = arith.constant dense<0> : vector<256xi32>
        %reduce_sum3A_222 = vector.multi_reduction <add>, %convert_element_type3A_220, %reduce_sum3A_221 [1] : vector<256x2048xi32> to vector<256xi32>
        %broadcast_in_dim3A_223 = vector.shape_cast %reduce_sum3A_222 : vector<256xi32> to vector<256x1xi32>
        %le3A_224 = arith.constant 13 : i32
        %le3A_225 = vector.broadcast %le3A_224 : i32 to vector<256x2048xi32>
        %le3A_226 = arith.cmpi sle, %add3A_133, %le3A_225 : vector<256x2048xi32>
        %convert_element_type3A_227 = arith.extui %le3A_226 : vector<256x2048xi1> to vector<256x2048xi32>
        %reduce_sum3A_228 = arith.constant dense<0> : vector<256xi32>
        %reduce_sum3A_229 = vector.multi_reduction <add>, %convert_element_type3A_227, %reduce_sum3A_228 [1] : vector<256x2048xi32> to vector<256xi32>
        %broadcast_in_dim3A_230 = vector.shape_cast %reduce_sum3A_229 : vector<256xi32> to vector<256x1xi32>
        %le3A_231 = arith.constant 14 : i32
        %le3A_232 = vector.broadcast %le3A_231 : i32 to vector<256x2048xi32>
        %le3A_233 = arith.cmpi sle, %add3A_133, %le3A_232 : vector<256x2048xi32>
        %convert_element_type3A_234 = arith.extui %le3A_233 : vector<256x2048xi1> to vector<256x2048xi32>
        %reduce_sum3A_235 = arith.constant dense<0> : vector<256xi32>
        %reduce_sum3A_236 = vector.multi_reduction <add>, %convert_element_type3A_234, %reduce_sum3A_235 [1] : vector<256x2048xi32> to vector<256xi32>
        %broadcast_in_dim3A_237 = vector.shape_cast %reduce_sum3A_236 : vector<256xi32> to vector<256x1xi32>
        %le3A_238 = arith.constant 15 : i32
        %le3A_239 = vector.broadcast %le3A_238 : i32 to vector<256x2048xi32>
        %le3A_240 = arith.cmpi sle, %add3A_133, %le3A_239 : vector<256x2048xi32>
        %convert_element_type3A_241 = arith.extui %le3A_240 : vector<256x2048xi1> to vector<256x2048xi32>
        %reduce_sum3A_242 = arith.constant dense<0> : vector<256xi32>
        %reduce_sum3A_243 = vector.multi_reduction <add>, %convert_element_type3A_241, %reduce_sum3A_242 [1] : vector<256x2048xi32> to vector<256xi32>
        %broadcast_in_dim3A_244 = vector.shape_cast %reduce_sum3A_243 : vector<256xi32> to vector<256x1xi32>
        %le3A_245 = arith.constant 16 : i32
        %le3A_246 = vector.broadcast %le3A_245 : i32 to vector<256x2048xi32>
        %le3A_247 = arith.cmpi sle, %add3A_133, %le3A_246 : vector<256x2048xi32>
        %convert_element_type3A_248 = arith.extui %le3A_247 : vector<256x2048xi1> to vector<256x2048xi32>
        %reduce_sum3A_249 = arith.constant dense<0> : vector<256xi32>
        %reduce_sum3A_250 = vector.multi_reduction <add>, %convert_element_type3A_248, %reduce_sum3A_249 [1] : vector<256x2048xi32> to vector<256xi32>
        %broadcast_in_dim3A_251 = vector.shape_cast %reduce_sum3A_250 : vector<256xi32> to vector<256x1xi32>
        %le3A_252 = arith.constant 17 : i32
        %le3A_253 = vector.broadcast %le3A_252 : i32 to vector<256x2048xi32>
        %le3A_254 = arith.cmpi sle, %add3A_133, %le3A_253 : vector<256x2048xi32>
        %convert_element_type3A_255 = arith.extui %le3A_254 : vector<256x2048xi1> to vector<256x2048xi32>
        %reduce_sum3A_256 = arith.constant dense<0> : vector<256xi32>
        %reduce_sum3A_257 = vector.multi_reduction <add>, %convert_element_type3A_255, %reduce_sum3A_256 [1] : vector<256x2048xi32> to vector<256xi32>
        %broadcast_in_dim3A_258 = vector.shape_cast %reduce_sum3A_257 : vector<256xi32> to vector<256x1xi32>
        %le3A_259 = arith.constant 18 : i32
        %le3A_260 = vector.broadcast %le3A_259 : i32 to vector<256x2048xi32>
        %le3A_261 = arith.cmpi sle, %add3A_133, %le3A_260 : vector<256x2048xi32>
        %convert_element_type3A_262 = arith.extui %le3A_261 : vector<256x2048xi1> to vector<256x2048xi32>
        %reduce_sum3A_263 = arith.constant dense<0> : vector<256xi32>
        %reduce_sum3A_264 = vector.multi_reduction <add>, %convert_element_type3A_262, %reduce_sum3A_263 [1] : vector<256x2048xi32> to vector<256xi32>
        %broadcast_in_dim3A_265 = vector.shape_cast %reduce_sum3A_264 : vector<256xi32> to vector<256x1xi32>
        %le3A_266 = arith.constant 19 : i32
        %le3A_267 = vector.broadcast %le3A_266 : i32 to vector<256x2048xi32>
        %le3A_268 = arith.cmpi sle, %add3A_133, %le3A_267 : vector<256x2048xi32>
        %convert_element_type3A_269 = arith.extui %le3A_268 : vector<256x2048xi1> to vector<256x2048xi32>
        %reduce_sum3A_270 = arith.constant dense<0> : vector<256xi32>
        %reduce_sum3A_271 = vector.multi_reduction <add>, %convert_element_type3A_269, %reduce_sum3A_270 [1] : vector<256x2048xi32> to vector<256xi32>
        %broadcast_in_dim3A_272 = vector.shape_cast %reduce_sum3A_271 : vector<256xi32> to vector<256x1xi32>
        %le3A_273 = arith.constant 20 : i32
        %le3A_274 = vector.broadcast %le3A_273 : i32 to vector<256x2048xi32>
        %le3A_275 = arith.cmpi sle, %add3A_133, %le3A_274 : vector<256x2048xi32>
        %convert_element_type3A_276 = arith.extui %le3A_275 : vector<256x2048xi1> to vector<256x2048xi32>
        %reduce_sum3A_277 = arith.constant dense<0> : vector<256xi32>
        %reduce_sum3A_278 = vector.multi_reduction <add>, %convert_element_type3A_276, %reduce_sum3A_277 [1] : vector<256x2048xi32> to vector<256xi32>
        %broadcast_in_dim3A_279 = vector.shape_cast %reduce_sum3A_278 : vector<256xi32> to vector<256x1xi32>
        %le3A_280 = arith.constant 21 : i32
        %le3A_281 = vector.broadcast %le3A_280 : i32 to vector<256x2048xi32>
        %le3A_282 = arith.cmpi sle, %add3A_133, %le3A_281 : vector<256x2048xi32>
        %convert_element_type3A_283 = arith.extui %le3A_282 : vector<256x2048xi1> to vector<256x2048xi32>
        %reduce_sum3A_284 = arith.constant dense<0> : vector<256xi32>
        %reduce_sum3A_285 = vector.multi_reduction <add>, %convert_element_type3A_283, %reduce_sum3A_284 [1] : vector<256x2048xi32> to vector<256xi32>
        %broadcast_in_dim3A_286 = vector.shape_cast %reduce_sum3A_285 : vector<256xi32> to vector<256x1xi32>
        %le3A_287 = arith.constant 22 : i32
        %le3A_288 = vector.broadcast %le3A_287 : i32 to vector<256x2048xi32>
        %le3A_289 = arith.cmpi sle, %add3A_133, %le3A_288 : vector<256x2048xi32>
        %convert_element_type3A_290 = arith.extui %le3A_289 : vector<256x2048xi1> to vector<256x2048xi32>
        %reduce_sum3A_291 = arith.constant dense<0> : vector<256xi32>
        %reduce_sum3A_292 = vector.multi_reduction <add>, %convert_element_type3A_290, %reduce_sum3A_291 [1] : vector<256x2048xi32> to vector<256xi32>
        %broadcast_in_dim3A_293 = vector.shape_cast %reduce_sum3A_292 : vector<256xi32> to vector<256x1xi32>
        %le3A_294 = arith.constant 23 : i32
        %le3A_295 = vector.broadcast %le3A_294 : i32 to vector<256x2048xi32>
        %le3A_296 = arith.cmpi sle, %add3A_133, %le3A_295 : vector<256x2048xi32>
        %convert_element_type3A_297 = arith.extui %le3A_296 : vector<256x2048xi1> to vector<256x2048xi32>
        %reduce_sum3A_298 = arith.constant dense<0> : vector<256xi32>
        %reduce_sum3A_299 = vector.multi_reduction <add>, %convert_element_type3A_297, %reduce_sum3A_298 [1] : vector<256x2048xi32> to vector<256xi32>
        %broadcast_in_dim3A_300 = vector.shape_cast %reduce_sum3A_299 : vector<256xi32> to vector<256x1xi32>
        %le3A_301 = arith.constant 24 : i32
        %le3A_302 = vector.broadcast %le3A_301 : i32 to vector<256x2048xi32>
        %le3A_303 = arith.cmpi sle, %add3A_133, %le3A_302 : vector<256x2048xi32>
        %convert_element_type3A_304 = arith.extui %le3A_303 : vector<256x2048xi1> to vector<256x2048xi32>
        %reduce_sum3A_305 = arith.constant dense<0> : vector<256xi32>
        %reduce_sum3A_306 = vector.multi_reduction <add>, %convert_element_type3A_304, %reduce_sum3A_305 [1] : vector<256x2048xi32> to vector<256xi32>
        %broadcast_in_dim3A_307 = vector.shape_cast %reduce_sum3A_306 : vector<256xi32> to vector<256x1xi32>
        %le3A_308 = arith.constant 25 : i32
        %le3A_309 = vector.broadcast %le3A_308 : i32 to vector<256x2048xi32>
        %le3A_310 = arith.cmpi sle, %add3A_133, %le3A_309 : vector<256x2048xi32>
        %convert_element_type3A_311 = arith.extui %le3A_310 : vector<256x2048xi1> to vector<256x2048xi32>
        %reduce_sum3A_312 = arith.constant dense<0> : vector<256xi32>
        %reduce_sum3A_313 = vector.multi_reduction <add>, %convert_element_type3A_311, %reduce_sum3A_312 [1] : vector<256x2048xi32> to vector<256xi32>
        %broadcast_in_dim3A_314 = vector.shape_cast %reduce_sum3A_313 : vector<256xi32> to vector<256x1xi32>
        %le3A_315 = arith.constant 26 : i32
        %le3A_316 = vector.broadcast %le3A_315 : i32 to vector<256x2048xi32>
        %le3A_317 = arith.cmpi sle, %add3A_133, %le3A_316 : vector<256x2048xi32>
        %convert_element_type3A_318 = arith.extui %le3A_317 : vector<256x2048xi1> to vector<256x2048xi32>
        %reduce_sum3A_319 = arith.constant dense<0> : vector<256xi32>
        %reduce_sum3A_320 = vector.multi_reduction <add>, %convert_element_type3A_318, %reduce_sum3A_319 [1] : vector<256x2048xi32> to vector<256xi32>
        %broadcast_in_dim3A_321 = vector.shape_cast %reduce_sum3A_320 : vector<256xi32> to vector<256x1xi32>
        %le3A_322 = arith.constant 27 : i32
        %le3A_323 = vector.broadcast %le3A_322 : i32 to vector<256x2048xi32>
        %le3A_324 = arith.cmpi sle, %add3A_133, %le3A_323 : vector<256x2048xi32>
        %convert_element_type3A_325 = arith.extui %le3A_324 : vector<256x2048xi1> to vector<256x2048xi32>
        %reduce_sum3A_326 = arith.constant dense<0> : vector<256xi32>
        %reduce_sum3A_327 = vector.multi_reduction <add>, %convert_element_type3A_325, %reduce_sum3A_326 [1] : vector<256x2048xi32> to vector<256xi32>
        %broadcast_in_dim3A_328 = vector.shape_cast %reduce_sum3A_327 : vector<256xi32> to vector<256x1xi32>
        %le3A_329 = arith.constant 28 : i32
        %le3A_330 = vector.broadcast %le3A_329 : i32 to vector<256x2048xi32>
        %le3A_331 = arith.cmpi sle, %add3A_133, %le3A_330 : vector<256x2048xi32>
        %convert_element_type3A_332 = arith.extui %le3A_331 : vector<256x2048xi1> to vector<256x2048xi32>
        %reduce_sum3A_333 = arith.constant dense<0> : vector<256xi32>
        %reduce_sum3A_334 = vector.multi_reduction <add>, %convert_element_type3A_332, %reduce_sum3A_333 [1] : vector<256x2048xi32> to vector<256xi32>
        %broadcast_in_dim3A_335 = vector.shape_cast %reduce_sum3A_334 : vector<256xi32> to vector<256x1xi32>
        %le3A_336 = arith.constant 29 : i32
        %le3A_337 = vector.broadcast %le3A_336 : i32 to vector<256x2048xi32>
        %le3A_338 = arith.cmpi sle, %add3A_133, %le3A_337 : vector<256x2048xi32>
        %convert_element_type3A_339 = arith.extui %le3A_338 : vector<256x2048xi1> to vector<256x2048xi32>
        %reduce_sum3A_340 = arith.constant dense<0> : vector<256xi32>
        %reduce_sum3A_341 = vector.multi_reduction <add>, %convert_element_type3A_339, %reduce_sum3A_340 [1] : vector<256x2048xi32> to vector<256xi32>
        %broadcast_in_dim3A_342 = vector.shape_cast %reduce_sum3A_341 : vector<256xi32> to vector<256x1xi32>
        %le3A_343 = arith.constant 30 : i32
        %le3A_344 = vector.broadcast %le3A_343 : i32 to vector<256x2048xi32>
        %le3A_345 = arith.cmpi sle, %add3A_133, %le3A_344 : vector<256x2048xi32>
        %convert_element_type3A_346 = arith.extui %le3A_345 : vector<256x2048xi1> to vector<256x2048xi32>
        %reduce_sum3A_347 = arith.constant dense<0> : vector<256xi32>
        %reduce_sum3A_348 = vector.multi_reduction <add>, %convert_element_type3A_346, %reduce_sum3A_347 [1] : vector<256x2048xi32> to vector<256xi32>
        %broadcast_in_dim3A_349 = vector.shape_cast %reduce_sum3A_348 : vector<256xi32> to vector<256x1xi32>
        %le3A_350 = arith.constant 31 : i32
        %le3A_351 = vector.broadcast %le3A_350 : i32 to vector<256x2048xi32>
        %le3A_352 = arith.cmpi sle, %add3A_133, %le3A_351 : vector<256x2048xi32>
        %convert_element_type3A_353 = arith.extui %le3A_352 : vector<256x2048xi1> to vector<256x2048xi32>
        %reduce_sum3A_354 = arith.constant dense<0> : vector<256xi32>
        %reduce_sum3A_355 = vector.multi_reduction <add>, %convert_element_type3A_353, %reduce_sum3A_354 [1] : vector<256x2048xi32> to vector<256xi32>
        %broadcast_in_dim3A_356 = vector.shape_cast %reduce_sum3A_355 : vector<256xi32> to vector<256x1xi32>
        %get3A_357 = arith.constant 0 : index
        %get3A_358 = arith.constant 0 : index
        %get3A_359 = arith.constant 0 : index
        %get3A_360 = vector.load %arg6[%get3A_357, %get3A_358, %get3A_359] : memref<1x256x32xi32, #tpu.memory_space<vmem>>, vector<1x256x32xi32>
        %get3A_361 = vector.shape_cast %get3A_360 : vector<1x256x32xi32> to vector<256x32xi32>
        %concatenate3A_362 = tpu.concatenate %broadcast_in_dim3A_139, %broadcast_in_dim3A_146, %broadcast_in_dim3A_153, %broadcast_in_dim3A_160, %broadcast_in_dim3A_167, %broadcast_in_dim3A_174, %broadcast_in_dim3A_181, %broadcast_in_dim3A_188, %broadcast_in_dim3A_195, %broadcast_in_dim3A_202, %broadcast_in_dim3A_209, %broadcast_in_dim3A_216, %broadcast_in_dim3A_223, %broadcast_in_dim3A_230, %broadcast_in_dim3A_237, %broadcast_in_dim3A_244, %broadcast_in_dim3A_251, %broadcast_in_dim3A_258, %broadcast_in_dim3A_265, %broadcast_in_dim3A_272, %broadcast_in_dim3A_279, %broadcast_in_dim3A_286, %broadcast_in_dim3A_293, %broadcast_in_dim3A_300, %broadcast_in_dim3A_307, %broadcast_in_dim3A_314, %broadcast_in_dim3A_321, %broadcast_in_dim3A_328, %broadcast_in_dim3A_335, %broadcast_in_dim3A_342, %broadcast_in_dim3A_349, %broadcast_in_dim3A_356 in 1 : vector<256x1xi32>, vector<256x1xi32>, vector<256x1xi32>, vector<256x1xi32>, vector<256x1xi32>, vector<256x1xi32>, vector<256x1xi32>, vector<256x1xi32>, vector<256x1xi32>, vector<256x1xi32>, vector<256x1xi32>, vector<256x1xi32>, vector<256x1xi32>, vector<256x1xi32>, vector<256x1xi32>, vector<256x1xi32>, vector<256x1xi32>, vector<256x1xi32>, vector<256x1xi32>, vector<256x1xi32>, vector<256x1xi32>, vector<256x1xi32>, vector<256x1xi32>, vector<256x1xi32>, vector<256x1xi32>, vector<256x1xi32>, vector<256x1xi32>, vector<256x1xi32>, vector<256x1xi32>, vector<256x1xi32>, vector<256x1xi32>, vector<256x1xi32> -> vector<256x32xi32>
        %add3A_363 = arith.addi %get3A_361, %concatenate3A_362 : vector<256x32xi32>
        %swap3A = arith.constant 0 : index
        %swap3A_364 = arith.constant 0 : index
        %swap3A_365 = arith.constant 0 : index
        %swap3A_366 = vector.load %arg6[%swap3A, %swap3A_364, %swap3A_365] : memref<1x256x32xi32, #tpu.memory_space<vmem>>, vector<1x256x32xi32>
        %swap3A_367 = vector.shape_cast %swap3A_366 : vector<1x256x32xi32> to vector<256x32xi32>
        %swap3A_368 = vector.shape_cast %add3A_363 : vector<256x32xi32> to vector<1x256x32xi32>
        tpu.vector_store %arg6[%swap3A, %swap3A_364, %swap3A_365], %swap3A_368 {strides = array<i32>} : memref<1x256x32xi32, #tpu.memory_space<vmem>>, vector<1x256x32xi32>,
        %slice3A_369 = vector.extract_strided_slice %add3A_133 {offsets = [0, 2047], sizes = [256, 1], strides = [1, 1]} : vector<256x2048xi32> to vector<256x1xi32>
        %swap3A_370 = arith.constant 0 : index
        %swap3A_371 = arith.constant 0 : index
        %swap3A_372 = vector.load %arg8[%swap3A_370, %swap3A_371] : memref<256x1xi32, #tpu.memory_space<vmem>>, vector<256x1xi32>
        tpu.vector_store %arg8[%swap3A_370, %swap3A_371], %slice3A_369 {strides = array<i32>} : memref<256x1xi32, #tpu.memory_space<vmem>>, vector<256x1xi32>,
      } else {
      }
    } else {
    }
    %eq3A_22 = arith.constant 7 : i32
    %eq3A_23 = arith.cmpi eq, %arg2, %eq3A_22 : i32
    %convert_element_type3A_24 = arith.extui %eq3A_23 : i1 to i32
    %cond3A_25 = arith.constant 0 : i32
    %cond3A_26 = arith.cmpi ne, %convert_element_type3A_24, %cond3A_25 : i32
    scf.if %cond3A_26 {
      %get3A_27 = arith.constant 0 : index
      %get3A_28 = arith.constant 0 : index
      %get3A_29 = arith.constant 0 : index
      %get3A_30 = vector.load %arg5[%get3A_27, %get3A_28, %get3A_29] : memref<1x256x16xi32, #tpu.memory_space<vmem>>, vector<1x256x16xi32>
      %get3A_31 = vector.shape_cast %get3A_30 : vector<1x256x16xi32> to vector<256x16xi32>
      %slice3A = vector.extract_strided_slice %get3A_31 {offsets = [0, 0], sizes = [256, 1], strides = [1, 1]} : vector<256x16xi32> to vector<256x1xi32>
      %eq3A_32 = arith.constant 16384 : i32
      %eq3A_33 = vector.broadcast %eq3A_32 : i32 to vector<256x16xi32>
      %eq3A_34 = arith.cmpi eq, %get3A_31, %eq3A_33 : vector<256x16xi32>
      %broadcast_in_dim3A = vector.shape_cast %slice3A : vector<256x1xi32> to vector<256x1xi32>
      %broadcast_in_dim3A_35 = vector.broadcast %broadcast_in_dim3A : vector<256x1xi32> to vector<256x16xi32>
      %select_n3A = arith.select %eq3A_34, %broadcast_in_dim3A_35, %get3A_31 : vector<256x16xi1>, vector<256x16xi32>
      %swap3A = arith.constant 0 : index
      %swap3A_36 = arith.constant 0 : index
      %swap3A_37 = arith.constant 0 : index
      %swap3A_38 = vector.load %arg5[%swap3A, %swap3A_36, %swap3A_37] : memref<1x256x16xi32, #tpu.memory_space<vmem>>, vector<1x256x16xi32>
      %swap3A_39 = vector.shape_cast %swap3A_38 : vector<1x256x16xi32> to vector<256x16xi32>
      %swap3A_40 = vector.shape_cast %select_n3A : vector<256x16xi32> to vector<1x256x16xi32>
      tpu.vector_store %arg5[%swap3A, %swap3A_36, %swap3A_37], %swap3A_40 {strides = array<i32>} : memref<1x256x16xi32, #tpu.memory_space<vmem>>, vector<1x256x16xi32>,
      %get3A_41 = arith.constant 0 : index
      %get3A_42 = arith.constant 0 : index
      %get3A_43 = arith.constant 0 : index
      %get3A_44 = vector.load %arg6[%get3A_41, %get3A_42, %get3A_43] : memref<1x256x32xi32, #tpu.memory_space<vmem>>, vector<1x256x32xi32>
      %get3A_45 = vector.shape_cast %get3A_44 : vector<1x256x32xi32> to vector<256x32xi32>
      %slice3A_46 = vector.extract_strided_slice %get3A_45 {offsets = [0, 0], sizes = [256, 1], strides = [1, 1]} : vector<256x32xi32> to vector<256x1xi32>
      %eq3A_47 = arith.constant 16384 : i32
      %eq3A_48 = vector.broadcast %eq3A_47 : i32 to vector<256x32xi32>
      %eq3A_49 = arith.cmpi eq, %get3A_45, %eq3A_48 : vector<256x32xi32>
      %broadcast_in_dim3A_50 = vector.shape_cast %slice3A_46 : vector<256x1xi32> to vector<256x1xi32>
      %broadcast_in_dim3A_51 = vector.broadcast %broadcast_in_dim3A_50 : vector<256x1xi32> to vector<256x32xi32>
      %select_n3A_52 = arith.select %eq3A_49, %broadcast_in_dim3A_51, %get3A_45 : vector<256x32xi1>, vector<256x32xi32>
      %swap3A_53 = arith.constant 0 : index
      %swap3A_54 = arith.constant 0 : index
      %swap3A_55 = arith.constant 0 : index
      %swap3A_56 = vector.load %arg6[%swap3A_53, %swap3A_54, %swap3A_55] : memref<1x256x32xi32, #tpu.memory_space<vmem>>, vector<1x256x32xi32>
      %swap3A_57 = vector.shape_cast %swap3A_56 : vector<1x256x32xi32> to vector<256x32xi32>
      %swap3A_58 = vector.shape_cast %select_n3A_52 : vector<256x32xi32> to vector<1x256x32xi32>
      tpu.vector_store %arg6[%swap3A_53, %swap3A_54, %swap3A_55], %swap3A_58 {strides = array<i32>} : memref<1x256x32xi32, #tpu.memory_space<vmem>>, vector<1x256x32xi32>,
    } else {
    }
    return
  }
  func.func @transform_0(%arg0: i32, %arg1: i32, %arg2: i32) -> (i32, i32, i32) {
    %c0_i32 = arith.constant 0 : i32
    %c0_i32_0 = arith.constant 0 : i32
    return %arg0, %c0_i32, %arg2 : i32, i32, i32
  }
  func.func @transform_1(%arg0: i32, %arg1: i32, %arg2: i32) -> (i32, i32, i32) {
    %c0_i32 = arith.constant 0 : i32
    %c0_i32_0 = arith.constant 0 : i32
    return %arg0, %arg1, %c0_i32 : i32, i32, i32
  }
  func.func @transform_2(%arg0: i32, %arg1: i32, %arg2: i32) -> (i32, i32, i32) {
    %c0_i32 = arith.constant 0 : i32
    %c0_i32_0 = arith.constant 0 : i32
    return %arg0, %arg1, %c0_i32 : i32, i32, i32
  }
  func.func @transform_3(%arg0: i32, %arg1: i32, %arg2: i32) -> (i32, i32, i32) {
    %c0_i32 = arith.constant 0 : i32
    %c0_i32_0 = arith.constant 0 : i32
    return %arg0, %arg1, %c0_i32 : i32, i32, i32
  }
}

module attributes {stable_mosaic.version = 14 : i64} {
  func.func @_mm_bias_body(%arg0: i32, %arg1: memref<1024x6xf32, #tpu.memory_space<vmem>>, %arg2: memref<6x128xf32, #tpu.memory_space<vmem>>, %arg3: memref<1x128xf32, #tpu.memory_space<vmem>>, %arg4: memref<1024x128xf32, #tpu.memory_space<vmem>>) attributes {dimension_semantics = [#tpu.dimension_semantics<arbitrary>], iteration_bounds = array<i64: 64>, scalar_prefetch = 0 : i64, scratch_operands = 0 : i64, tpu.core_type = #tpu.core_type<tc>, window_params = [{transform_indices = @transform_0, window_bounds = array<i64: 1024, 6>}, {pipeline_mode = #tpu.pipeline_mode<synchronous>, transform_indices = @transform_1, window_bounds = array<i64: 6, 128>}, {pipeline_mode = #tpu.pipeline_mode<synchronous>, transform_indices = @transform_2, window_bounds = array<i64: 1, 128>}, {transform_indices = @transform_3, window_bounds = array<i64: 1024, 128>}]} {
    %get3A = arith.constant 0 : index
    %get3A_0 = arith.constant 0 : index
    %get3A_1 = vector.load %arg1[%get3A, %get3A_0] : memref<1024x6xf32, #tpu.memory_space<vmem>>, vector<1024x6xf32>
    %get3A_2 = arith.constant 0 : index
    %get3A_3 = arith.constant 0 : index
    %get3A_4 = vector.load %arg2[%get3A_2, %get3A_3] : memref<6x128xf32, #tpu.memory_space<vmem>>, vector<6x128xf32>
    %dot_general3A = arith.constant dense<0.000000e+00> : vector<1024x128xf32>
    %dot_general3A_5 = tpu.matmul %get3A_1, %get3A_4, %dot_general3A {dimension_numbers = #tpu.dot_dimension_numbers<[1], [0], [0], [1], [0, 0, 1, 1], [], []>, transpose_lhs_hint = false} : vector<1024x6xf32>, vector<6x128xf32>, vector<1024x128xf32> -> vector<1024x128xf32>
    %get3A_6 = arith.constant 0 : index
    %get3A_7 = arith.constant 0 : index
    %get3A_8 = vector.load %arg3[%get3A_6, %get3A_7] : memref<1x128xf32, #tpu.memory_space<vmem>>, vector<1x128xf32>
    %add3A = vector.broadcast %get3A_8 : vector<1x128xf32> to vector<1024x128xf32>
    %add3A_9 = arith.addf %dot_general3A_5, %add3A : vector<1024x128xf32>
    %swap3A = arith.constant 0 : index
    %swap3A_10 = arith.constant 0 : index
    %swap3A_11 = vector.load %arg4[%swap3A, %swap3A_10] : memref<1024x128xf32, #tpu.memory_space<vmem>>, vector<1024x128xf32>
    tpu.vector_store %arg4[%swap3A, %swap3A_10], %add3A_9 {strides = array<i32>} : memref<1024x128xf32, #tpu.memory_space<vmem>>, vector<1024x128xf32>,
    return
  }
  func.func @transform_0(%arg0: i32) -> (i32, i32) {
    %c0_i32 = arith.constant 0 : i32
    %c0_i32_0 = arith.constant 0 : i32
    return %arg0, %c0_i32 : i32, i32
  }
  func.func @transform_1(%arg0: i32) -> (i32, i32) {
    %c0_i32 = arith.constant 0 : i32
    %c0_i32_0 = arith.constant 0 : i32
    %c0_i32_1 = arith.constant 0 : i32
    return %c0_i32, %c0_i32_0 : i32, i32
  }
  func.func @transform_2(%arg0: i32) -> (i32, i32) {
    %c0_i32 = arith.constant 0 : i32
    %c0_i32_0 = arith.constant 0 : i32
    %c0_i32_1 = arith.constant 0 : i32
    return %c0_i32, %c0_i32_0 : i32, i32
  }
  func.func @transform_3(%arg0: i32) -> (i32, i32) {
    %c0_i32 = arith.constant 0 : i32
    %c0_i32_0 = arith.constant 0 : i32
    return %arg0, %c0_i32 : i32, i32
  }
}

module attributes {stable_mosaic.version = 14 : i64} {
  func.func @_mm_bias_body(%arg0: i32, %arg1: memref<4096x3xf32, #tpu.memory_space<vmem>>, %arg2: memref<3x64xf32, #tpu.memory_space<vmem>>, %arg3: memref<1x64xf32, #tpu.memory_space<vmem>>, %arg4: memref<4096x64xf32, #tpu.memory_space<vmem>>) attributes {dimension_semantics = [#tpu.dimension_semantics<arbitrary>], iteration_bounds = array<i64: 1>, scalar_prefetch = 0 : i64, scratch_operands = 0 : i64, tpu.core_type = #tpu.core_type<tc>, window_params = [{transform_indices = @transform_0, window_bounds = array<i64: 4096, 3>}, {pipeline_mode = #tpu.pipeline_mode<synchronous>, transform_indices = @transform_1, window_bounds = array<i64: 3, 64>}, {pipeline_mode = #tpu.pipeline_mode<synchronous>, transform_indices = @transform_2, window_bounds = array<i64: 1, 64>}, {transform_indices = @transform_3, window_bounds = array<i64: 4096, 64>}]} {
    %get3A = arith.constant 0 : index
    %get3A_0 = arith.constant 0 : index
    %get3A_1 = vector.load %arg1[%get3A, %get3A_0] : memref<4096x3xf32, #tpu.memory_space<vmem>>, vector<4096x3xf32>
    %get3A_2 = arith.constant 0 : index
    %get3A_3 = arith.constant 0 : index
    %get3A_4 = vector.load %arg2[%get3A_2, %get3A_3] : memref<3x64xf32, #tpu.memory_space<vmem>>, vector<3x64xf32>
    %dot_general3A = arith.constant dense<0.000000e+00> : vector<4096x64xf32>
    %dot_general3A_5 = tpu.matmul %get3A_1, %get3A_4, %dot_general3A {dimension_numbers = #tpu.dot_dimension_numbers<[1], [0], [0], [1], [0, 0, 1, 1], [], []>, transpose_lhs_hint = false} : vector<4096x3xf32>, vector<3x64xf32>, vector<4096x64xf32> -> vector<4096x64xf32>
    %get3A_6 = arith.constant 0 : index
    %get3A_7 = arith.constant 0 : index
    %get3A_8 = vector.load %arg3[%get3A_6, %get3A_7] : memref<1x64xf32, #tpu.memory_space<vmem>>, vector<1x64xf32>
    %add3A = vector.broadcast %get3A_8 : vector<1x64xf32> to vector<4096x64xf32>
    %add3A_9 = arith.addf %dot_general3A_5, %add3A : vector<4096x64xf32>
    %swap3A = arith.constant 0 : index
    %swap3A_10 = arith.constant 0 : index
    %swap3A_11 = vector.load %arg4[%swap3A, %swap3A_10] : memref<4096x64xf32, #tpu.memory_space<vmem>>, vector<4096x64xf32>
    tpu.vector_store %arg4[%swap3A, %swap3A_10], %add3A_9 {strides = array<i32>} : memref<4096x64xf32, #tpu.memory_space<vmem>>, vector<4096x64xf32>,
    return
  }
  func.func @transform_0(%arg0: i32) -> (i32, i32) {
    %c0_i32 = arith.constant 0 : i32
    %c0_i32_0 = arith.constant 0 : i32
    return %arg0, %c0_i32 : i32, i32
  }
  func.func @transform_1(%arg0: i32) -> (i32, i32) {
    %c0_i32 = arith.constant 0 : i32
    %c0_i32_0 = arith.constant 0 : i32
    %c0_i32_1 = arith.constant 0 : i32
    return %c0_i32, %c0_i32_0 : i32, i32
  }
  func.func @transform_2(%arg0: i32) -> (i32, i32) {
    %c0_i32 = arith.constant 0 : i32
    %c0_i32_0 = arith.constant 0 : i32
    %c0_i32_1 = arith.constant 0 : i32
    return %c0_i32, %c0_i32_0 : i32, i32
  }
  func.func @transform_3(%arg0: i32) -> (i32, i32) {
    %c0_i32 = arith.constant 0 : i32
    %c0_i32_0 = arith.constant 0 : i32
    return %arg0, %c0_i32 : i32, i32
  }
}

module attributes {stable_mosaic.version = 14 : i64} {
  func.func @_tail_body(%arg0: i32, %arg1: memref<2048x128xf32, #tpu.memory_space<vmem>>, %arg2: memref<128x64xf32, #tpu.memory_space<vmem>>, %arg3: memref<64x64xf32, #tpu.memory_space<vmem>>, %arg4: memref<1x64xf32, #tpu.memory_space<vmem>>, %arg5: memref<64x128xf32, #tpu.memory_space<vmem>>, %arg6: memref<1x128xf32, #tpu.memory_space<vmem>>, %arg7: memref<128x128xf32, #tpu.memory_space<vmem>>) attributes {dimension_semantics = [#tpu.dimension_semantics<arbitrary>], iteration_bounds = array<i64: 32>, scalar_prefetch = 0 : i64, scratch_operands = 0 : i64, tpu.core_type = #tpu.core_type<tc>, window_params = [{transform_indices = @transform_0, window_bounds = array<i64: 2048, 128>}, {transform_indices = @transform_1, window_bounds = array<i64: 128, 64>}, {pipeline_mode = #tpu.pipeline_mode<synchronous>, transform_indices = @transform_2, window_bounds = array<i64: 64, 64>}, {pipeline_mode = #tpu.pipeline_mode<synchronous>, transform_indices = @transform_3, window_bounds = array<i64: 1, 64>}, {pipeline_mode = #tpu.pipeline_mode<synchronous>, transform_indices = @transform_4, window_bounds = array<i64: 64, 128>}, {pipeline_mode = #tpu.pipeline_mode<synchronous>, transform_indices = @transform_5, window_bounds = array<i64: 1, 128>}, {transform_indices = @transform_6, window_bounds = array<i64: 128, 128>}]} {
    %get3A = arith.constant 0 : index
    %get3A_0 = arith.constant 0 : index
    %get3A_1 = vector.load %arg2[%get3A, %get3A_0] : memref<128x64xf32, #tpu.memory_space<vmem>>, vector<128x64xf32>
    %concatenate3A = tpu.concatenate %get3A_1, %get3A_1, %get3A_1, %get3A_1, %get3A_1, %get3A_1, %get3A_1, %get3A_1, %get3A_1, %get3A_1, %get3A_1, %get3A_1, %get3A_1, %get3A_1, %get3A_1, %get3A_1 in 0 : vector<128x64xf32>, vector<128x64xf32>, vector<128x64xf32>, vector<128x64xf32>, vector<128x64xf32>, vector<128x64xf32>, vector<128x64xf32>, vector<128x64xf32>, vector<128x64xf32>, vector<128x64xf32>, vector<128x64xf32>, vector<128x64xf32>, vector<128x64xf32>, vector<128x64xf32>, vector<128x64xf32>, vector<128x64xf32> -> vector<2048x64xf32>
    %get3A_2 = arith.constant 0 : index
    %get3A_3 = arith.constant 0 : index
    %get3A_4 = vector.load %arg1[%get3A_2, %get3A_3] : memref<2048x128xf32, #tpu.memory_space<vmem>>, vector<2048x64xf32>
    %sub3A = arith.subf %get3A_4, %concatenate3A : vector<2048x64xf32>
    %max3A = arith.constant 0.000000e+00 : f32
    %max3A_5 = vector.broadcast %max3A : f32 to vector<2048x64xf32>
    %max3A_6 = arith.maximumf %sub3A, %max3A_5 : vector<2048x64xf32>
    %get3A_7 = arith.constant 0 : index
    %get3A_8 = arith.constant 0 : index
    %get3A_9 = vector.load %arg3[%get3A_7, %get3A_8] : memref<64x64xf32, #tpu.memory_space<vmem>>, vector<64x64xf32>
    %dot_general3A = arith.constant dense<0.000000e+00> : vector<2048x64xf32>
    %dot_general3A_10 = tpu.matmul %max3A_6, %get3A_9, %dot_general3A {dimension_numbers = #tpu.dot_dimension_numbers<[1], [0], [0], [1], [0, 0, 1, 1], [], []>, transpose_lhs_hint = false} : vector<2048x64xf32>, vector<64x64xf32>, vector<2048x64xf32> -> vector<2048x64xf32>
    %get3A_11 = arith.constant 0 : index
    %get3A_12 = arith.constant 0 : index
    %get3A_13 = vector.load %arg4[%get3A_11, %get3A_12] : memref<1x64xf32, #tpu.memory_space<vmem>>, vector<1x64xf32>
    %add3A = vector.broadcast %get3A_13 : vector<1x64xf32> to vector<2048x64xf32>
    %add3A_14 = arith.addf %dot_general3A_10, %add3A : vector<2048x64xf32>
    %max3A_15 = arith.constant 0.000000e+00 : f32
    %max3A_16 = vector.broadcast %max3A_15 : f32 to vector<2048x64xf32>
    %max3A_17 = arith.maximumf %add3A_14, %max3A_16 : vector<2048x64xf32>
    %get3A_18 = arith.constant 0 : index
    %get3A_19 = arith.constant 0 : index
    %get3A_20 = vector.load %arg5[%get3A_18, %get3A_19] : memref<64x128xf32, #tpu.memory_space<vmem>>, vector<64x128xf32>
    %dot_general3A_21 = arith.constant dense<0.000000e+00> : vector<2048x128xf32>
    %dot_general3A_22 = tpu.matmul %max3A_17, %get3A_20, %dot_general3A_21 {dimension_numbers = #tpu.dot_dimension_numbers<[1], [0], [0], [1], [0, 0, 1, 1], [], []>, transpose_lhs_hint = false} : vector<2048x64xf32>, vector<64x128xf32>, vector<2048x128xf32> -> vector<2048x128xf32>
    %get3A_23 = arith.constant 0 : index
    %get3A_24 = arith.constant 0 : index
    %get3A_25 = vector.load %arg6[%get3A_23, %get3A_24] : memref<1x128xf32, #tpu.memory_space<vmem>>, vector<1x128xf32>
    %add3A_26 = vector.broadcast %get3A_25 : vector<1x128xf32> to vector<2048x128xf32>
    %add3A_27 = arith.addf %dot_general3A_22, %add3A_26 : vector<2048x128xf32>
    %max3A_28 = arith.constant 0.000000e+00 : f32
    %max3A_29 = vector.broadcast %max3A_28 : f32 to vector<2048x128xf32>
    %max3A_30 = arith.maximumf %add3A_27, %max3A_29 : vector<2048x128xf32>
    %slice3A = vector.extract_strided_slice %max3A_30 {offsets = [0, 0], sizes = [128, 128], strides = [1, 1]} : vector<2048x128xf32> to vector<128x128xf32>
    %slice3A_31 = vector.extract_strided_slice %max3A_30 {offsets = [128, 0], sizes = [128, 128], strides = [1, 1]} : vector<2048x128xf32> to vector<128x128xf32>
    %max3A_32 = arith.maximumf %slice3A, %slice3A_31 : vector<128x128xf32>
    %slice3A_33 = vector.extract_strided_slice %max3A_30 {offsets = [256, 0], sizes = [128, 128], strides = [1, 1]} : vector<2048x128xf32> to vector<128x128xf32>
    %max3A_34 = arith.maximumf %max3A_32, %slice3A_33 : vector<128x128xf32>
    %slice3A_35 = vector.extract_strided_slice %max3A_30 {offsets = [384, 0], sizes = [128, 128], strides = [1, 1]} : vector<2048x128xf32> to vector<128x128xf32>
    %max3A_36 = arith.maximumf %max3A_34, %slice3A_35 : vector<128x128xf32>
    %slice3A_37 = vector.extract_strided_slice %max3A_30 {offsets = [512, 0], sizes = [128, 128], strides = [1, 1]} : vector<2048x128xf32> to vector<128x128xf32>
    %max3A_38 = arith.maximumf %max3A_36, %slice3A_37 : vector<128x128xf32>
    %slice3A_39 = vector.extract_strided_slice %max3A_30 {offsets = [640, 0], sizes = [128, 128], strides = [1, 1]} : vector<2048x128xf32> to vector<128x128xf32>
    %max3A_40 = arith.maximumf %max3A_38, %slice3A_39 : vector<128x128xf32>
    %slice3A_41 = vector.extract_strided_slice %max3A_30 {offsets = [768, 0], sizes = [128, 128], strides = [1, 1]} : vector<2048x128xf32> to vector<128x128xf32>
    %max3A_42 = arith.maximumf %max3A_40, %slice3A_41 : vector<128x128xf32>
    %slice3A_43 = vector.extract_strided_slice %max3A_30 {offsets = [896, 0], sizes = [128, 128], strides = [1, 1]} : vector<2048x128xf32> to vector<128x128xf32>
    %max3A_44 = arith.maximumf %max3A_42, %slice3A_43 : vector<128x128xf32>
    %slice3A_45 = vector.extract_strided_slice %max3A_30 {offsets = [1024, 0], sizes = [128, 128], strides = [1, 1]} : vector<2048x128xf32> to vector<128x128xf32>
    %max3A_46 = arith.maximumf %max3A_44, %slice3A_45 : vector<128x128xf32>
    %slice3A_47 = vector.extract_strided_slice %max3A_30 {offsets = [1152, 0], sizes = [128, 128], strides = [1, 1]} : vector<2048x128xf32> to vector<128x128xf32>
    %max3A_48 = arith.maximumf %max3A_46, %slice3A_47 : vector<128x128xf32>
    %slice3A_49 = vector.extract_strided_slice %max3A_30 {offsets = [1280, 0], sizes = [128, 128], strides = [1, 1]} : vector<2048x128xf32> to vector<128x128xf32>
    %max3A_50 = arith.maximumf %max3A_48, %slice3A_49 : vector<128x128xf32>
    %slice3A_51 = vector.extract_strided_slice %max3A_30 {offsets = [1408, 0], sizes = [128, 128], strides = [1, 1]} : vector<2048x128xf32> to vector<128x128xf32>
    %max3A_52 = arith.maximumf %max3A_50, %slice3A_51 : vector<128x128xf32>
    %slice3A_53 = vector.extract_strided_slice %max3A_30 {offsets = [1536, 0], sizes = [128, 128], strides = [1, 1]} : vector<2048x128xf32> to vector<128x128xf32>
    %max3A_54 = arith.maximumf %max3A_52, %slice3A_53 : vector<128x128xf32>
    %slice3A_55 = vector.extract_strided_slice %max3A_30 {offsets = [1664, 0], sizes = [128, 128], strides = [1, 1]} : vector<2048x128xf32> to vector<128x128xf32>
    %max3A_56 = arith.maximumf %max3A_54, %slice3A_55 : vector<128x128xf32>
    %slice3A_57 = vector.extract_strided_slice %max3A_30 {offsets = [1792, 0], sizes = [128, 128], strides = [1, 1]} : vector<2048x128xf32> to vector<128x128xf32>
    %max3A_58 = arith.maximumf %max3A_56, %slice3A_57 : vector<128x128xf32>
    %slice3A_59 = vector.extract_strided_slice %max3A_30 {offsets = [1920, 0], sizes = [128, 128], strides = [1, 1]} : vector<2048x128xf32> to vector<128x128xf32>
    %max3A_60 = arith.maximumf %max3A_58, %slice3A_59 : vector<128x128xf32>
    %swap3A = arith.constant 0 : index
    %swap3A_61 = arith.constant 0 : index
    %swap3A_62 = vector.load %arg7[%swap3A, %swap3A_61] : memref<128x128xf32, #tpu.memory_space<vmem>>, vector<128x128xf32>
    tpu.vector_store %arg7[%swap3A, %swap3A_61], %max3A_60 {strides = array<i32>} : memref<128x128xf32, #tpu.memory_space<vmem>>, vector<128x128xf32>,
    return
  }
  func.func @transform_0(%arg0: i32) -> (i32, i32) {
    %c0_i32 = arith.constant 0 : i32
    %c0_i32_0 = arith.constant 0 : i32
    return %arg0, %c0_i32 : i32, i32
  }
  func.func @transform_1(%arg0: i32) -> (i32, i32) {
    %c0_i32 = arith.constant 0 : i32
    %c0_i32_0 = arith.constant 0 : i32
    return %arg0, %c0_i32 : i32, i32
  }
  func.func @transform_2(%arg0: i32) -> (i32, i32) {
    %c0_i32 = arith.constant 0 : i32
    %c0_i32_0 = arith.constant 0 : i32
    %c0_i32_1 = arith.constant 0 : i32
    return %c0_i32, %c0_i32_0 : i32, i32
  }
  func.func @transform_3(%arg0: i32) -> (i32, i32) {
    %c0_i32 = arith.constant 0 : i32
    %c0_i32_0 = arith.constant 0 : i32
    %c0_i32_1 = arith.constant 0 : i32
    return %c0_i32, %c0_i32_0 : i32, i32
  }
  func.func @transform_4(%arg0: i32) -> (i32, i32) {
    %c0_i32 = arith.constant 0 : i32
    %c0_i32_0 = arith.constant 0 : i32
    %c0_i32_1 = arith.constant 0 : i32
    return %c0_i32, %c0_i32_0 : i32, i32
  }
  func.func @transform_5(%arg0: i32) -> (i32, i32) {
    %c0_i32 = arith.constant 0 : i32
    %c0_i32_0 = arith.constant 0 : i32
    %c0_i32_1 = arith.constant 0 : i32
    return %c0_i32, %c0_i32_0 : i32, i32
  }
  func.func @transform_6(%arg0: i32) -> (i32, i32) {
    %c0_i32 = arith.constant 0 : i32
    %c0_i32_0 = arith.constant 0 : i32
    return %arg0, %c0_i32 : i32, i32
  }
}

module attributes {stable_mosaic.version = 14 : i64} {
  func.func @_tail_body(%arg0: i32, %arg1: memref<4096x128xf32, #tpu.memory_space<vmem>>, %arg2: memref<128x64xf32, #tpu.memory_space<vmem>>, %arg3: memref<64x96xf32, #tpu.memory_space<vmem>>, %arg4: memref<1x96xf32, #tpu.memory_space<vmem>>, %arg5: memref<96x128xf32, #tpu.memory_space<vmem>>, %arg6: memref<1x128xf32, #tpu.memory_space<vmem>>, %arg7: memref<128x128xf32, #tpu.memory_space<vmem>>) attributes {dimension_semantics = [#tpu.dimension_semantics<arbitrary>], iteration_bounds = array<i64: 32>, scalar_prefetch = 0 : i64, scratch_operands = 0 : i64, tpu.core_type = #tpu.core_type<tc>, window_params = [{transform_indices = @transform_0, window_bounds = array<i64: 4096, 128>}, {transform_indices = @transform_1, window_bounds = array<i64: 128, 64>}, {pipeline_mode = #tpu.pipeline_mode<synchronous>, transform_indices = @transform_2, window_bounds = array<i64: 64, 96>}, {pipeline_mode = #tpu.pipeline_mode<synchronous>, transform_indices = @transform_3, window_bounds = array<i64: 1, 96>}, {pipeline_mode = #tpu.pipeline_mode<synchronous>, transform_indices = @transform_4, window_bounds = array<i64: 96, 128>}, {pipeline_mode = #tpu.pipeline_mode<synchronous>, transform_indices = @transform_5, window_bounds = array<i64: 1, 128>}, {transform_indices = @transform_6, window_bounds = array<i64: 128, 128>}]} {
    %get3A = arith.constant 0 : index
    %get3A_0 = arith.constant 0 : index
    %get3A_1 = vector.load %arg2[%get3A, %get3A_0] : memref<128x64xf32, #tpu.memory_space<vmem>>, vector<128x64xf32>
    %concatenate3A = tpu.concatenate %get3A_1, %get3A_1, %get3A_1, %get3A_1, %get3A_1, %get3A_1, %get3A_1, %get3A_1, %get3A_1, %get3A_1, %get3A_1, %get3A_1, %get3A_1, %get3A_1, %get3A_1, %get3A_1, %get3A_1, %get3A_1, %get3A_1, %get3A_1, %get3A_1, %get3A_1, %get3A_1, %get3A_1, %get3A_1, %get3A_1, %get3A_1, %get3A_1, %get3A_1, %get3A_1, %get3A_1, %get3A_1 in 0 : vector<128x64xf32>, vector<128x64xf32>, vector<128x64xf32>, vector<128x64xf32>, vector<128x64xf32>, vector<128x64xf32>, vector<128x64xf32>, vector<128x64xf32>, vector<128x64xf32>, vector<128x64xf32>, vector<128x64xf32>, vector<128x64xf32>, vector<128x64xf32>, vector<128x64xf32>, vector<128x64xf32>, vector<128x64xf32>, vector<128x64xf32>, vector<128x64xf32>, vector<128x64xf32>, vector<128x64xf32>, vector<128x64xf32>, vector<128x64xf32>, vector<128x64xf32>, vector<128x64xf32>, vector<128x64xf32>, vector<128x64xf32>, vector<128x64xf32>, vector<128x64xf32>, vector<128x64xf32>, vector<128x64xf32>, vector<128x64xf32>, vector<128x64xf32> -> vector<4096x64xf32>
    %get3A_2 = arith.constant 0 : index
    %get3A_3 = arith.constant 0 : index
    %get3A_4 = vector.load %arg1[%get3A_2, %get3A_3] : memref<4096x128xf32, #tpu.memory_space<vmem>>, vector<4096x64xf32>
    %sub3A = arith.subf %get3A_4, %concatenate3A : vector<4096x64xf32>
    %max3A = arith.constant 0.000000e+00 : f32
    %max3A_5 = vector.broadcast %max3A : f32 to vector<4096x64xf32>
    %max3A_6 = arith.maximumf %sub3A, %max3A_5 : vector<4096x64xf32>
    %get3A_7 = arith.constant 0 : index
    %get3A_8 = arith.constant 0 : index
    %get3A_9 = vector.load %arg3[%get3A_7, %get3A_8] : memref<64x96xf32, #tpu.memory_space<vmem>>, vector<64x96xf32>
    %dot_general3A = arith.constant dense<0.000000e+00> : vector<4096x96xf32>
    %dot_general3A_10 = tpu.matmul %max3A_6, %get3A_9, %dot_general3A {dimension_numbers = #tpu.dot_dimension_numbers<[1], [0], [0], [1], [0, 0, 1, 1], [], []>, transpose_lhs_hint = false} : vector<4096x64xf32>, vector<64x96xf32>, vector<4096x96xf32> -> vector<4096x96xf32>
    %get3A_11 = arith.constant 0 : index
    %get3A_12 = arith.constant 0 : index
    %get3A_13 = vector.load %arg4[%get3A_11, %get3A_12] : memref<1x96xf32, #tpu.memory_space<vmem>>, vector<1x96xf32>
    %add3A = vector.broadcast %get3A_13 : vector<1x96xf32> to vector<4096x96xf32>
    %add3A_14 = arith.addf %dot_general3A_10, %add3A : vector<4096x96xf32>
    %max3A_15 = arith.constant 0.000000e+00 : f32
    %max3A_16 = vector.broadcast %max3A_15 : f32 to vector<4096x96xf32>
    %max3A_17 = arith.maximumf %add3A_14, %max3A_16 : vector<4096x96xf32>
    %get3A_18 = arith.constant 0 : index
    %get3A_19 = arith.constant 0 : index
    %get3A_20 = vector.load %arg5[%get3A_18, %get3A_19] : memref<96x128xf32, #tpu.memory_space<vmem>>, vector<96x128xf32>
    %dot_general3A_21 = arith.constant dense<0.000000e+00> : vector<4096x128xf32>
    %dot_general3A_22 = tpu.matmul %max3A_17, %get3A_20, %dot_general3A_21 {dimension_numbers = #tpu.dot_dimension_numbers<[1], [0], [0], [1], [0, 0, 1, 1], [], []>, transpose_lhs_hint = false} : vector<4096x96xf32>, vector<96x128xf32>, vector<4096x128xf32> -> vector<4096x128xf32>
    %get3A_23 = arith.constant 0 : index
    %get3A_24 = arith.constant 0 : index
    %get3A_25 = vector.load %arg6[%get3A_23, %get3A_24] : memref<1x128xf32, #tpu.memory_space<vmem>>, vector<1x128xf32>
    %add3A_26 = vector.broadcast %get3A_25 : vector<1x128xf32> to vector<4096x128xf32>
    %add3A_27 = arith.addf %dot_general3A_22, %add3A_26 : vector<4096x128xf32>
    %max3A_28 = arith.constant 0.000000e+00 : f32
    %max3A_29 = vector.broadcast %max3A_28 : f32 to vector<4096x128xf32>
    %max3A_30 = arith.maximumf %add3A_27, %max3A_29 : vector<4096x128xf32>
    %slice3A = vector.extract_strided_slice %max3A_30 {offsets = [0, 0], sizes = [128, 128], strides = [1, 1]} : vector<4096x128xf32> to vector<128x128xf32>
    %slice3A_31 = vector.extract_strided_slice %max3A_30 {offsets = [128, 0], sizes = [128, 128], strides = [1, 1]} : vector<4096x128xf32> to vector<128x128xf32>
    %max3A_32 = arith.maximumf %slice3A, %slice3A_31 : vector<128x128xf32>
    %slice3A_33 = vector.extract_strided_slice %max3A_30 {offsets = [256, 0], sizes = [128, 128], strides = [1, 1]} : vector<4096x128xf32> to vector<128x128xf32>
    %max3A_34 = arith.maximumf %max3A_32, %slice3A_33 : vector<128x128xf32>
    %slice3A_35 = vector.extract_strided_slice %max3A_30 {offsets = [384, 0], sizes = [128, 128], strides = [1, 1]} : vector<4096x128xf32> to vector<128x128xf32>
    %max3A_36 = arith.maximumf %max3A_34, %slice3A_35 : vector<128x128xf32>
    %slice3A_37 = vector.extract_strided_slice %max3A_30 {offsets = [512, 0], sizes = [128, 128], strides = [1, 1]} : vector<4096x128xf32> to vector<128x128xf32>
    %max3A_38 = arith.maximumf %max3A_36, %slice3A_37 : vector<128x128xf32>
    %slice3A_39 = vector.extract_strided_slice %max3A_30 {offsets = [640, 0], sizes = [128, 128], strides = [1, 1]} : vector<4096x128xf32> to vector<128x128xf32>
    %max3A_40 = arith.maximumf %max3A_38, %slice3A_39 : vector<128x128xf32>
    %slice3A_41 = vector.extract_strided_slice %max3A_30 {offsets = [768, 0], sizes = [128, 128], strides = [1, 1]} : vector<4096x128xf32> to vector<128x128xf32>
    %max3A_42 = arith.maximumf %max3A_40, %slice3A_41 : vector<128x128xf32>
    %slice3A_43 = vector.extract_strided_slice %max3A_30 {offsets = [896, 0], sizes = [128, 128], strides = [1, 1]} : vector<4096x128xf32> to vector<128x128xf32>
    %max3A_44 = arith.maximumf %max3A_42, %slice3A_43 : vector<128x128xf32>
    %slice3A_45 = vector.extract_strided_slice %max3A_30 {offsets = [1024, 0], sizes = [128, 128], strides = [1, 1]} : vector<4096x128xf32> to vector<128x128xf32>
    %max3A_46 = arith.maximumf %max3A_44, %slice3A_45 : vector<128x128xf32>
    %slice3A_47 = vector.extract_strided_slice %max3A_30 {offsets = [1152, 0], sizes = [128, 128], strides = [1, 1]} : vector<4096x128xf32> to vector<128x128xf32>
    %max3A_48 = arith.maximumf %max3A_46, %slice3A_47 : vector<128x128xf32>
    %slice3A_49 = vector.extract_strided_slice %max3A_30 {offsets = [1280, 0], sizes = [128, 128], strides = [1, 1]} : vector<4096x128xf32> to vector<128x128xf32>
    %max3A_50 = arith.maximumf %max3A_48, %slice3A_49 : vector<128x128xf32>
    %slice3A_51 = vector.extract_strided_slice %max3A_30 {offsets = [1408, 0], sizes = [128, 128], strides = [1, 1]} : vector<4096x128xf32> to vector<128x128xf32>
    %max3A_52 = arith.maximumf %max3A_50, %slice3A_51 : vector<128x128xf32>
    %slice3A_53 = vector.extract_strided_slice %max3A_30 {offsets = [1536, 0], sizes = [128, 128], strides = [1, 1]} : vector<4096x128xf32> to vector<128x128xf32>
    %max3A_54 = arith.maximumf %max3A_52, %slice3A_53 : vector<128x128xf32>
    %slice3A_55 = vector.extract_strided_slice %max3A_30 {offsets = [1664, 0], sizes = [128, 128], strides = [1, 1]} : vector<4096x128xf32> to vector<128x128xf32>
    %max3A_56 = arith.maximumf %max3A_54, %slice3A_55 : vector<128x128xf32>
    %slice3A_57 = vector.extract_strided_slice %max3A_30 {offsets = [1792, 0], sizes = [128, 128], strides = [1, 1]} : vector<4096x128xf32> to vector<128x128xf32>
    %max3A_58 = arith.maximumf %max3A_56, %slice3A_57 : vector<128x128xf32>
    %slice3A_59 = vector.extract_strided_slice %max3A_30 {offsets = [1920, 0], sizes = [128, 128], strides = [1, 1]} : vector<4096x128xf32> to vector<128x128xf32>
    %max3A_60 = arith.maximumf %max3A_58, %slice3A_59 : vector<128x128xf32>
    %slice3A_61 = vector.extract_strided_slice %max3A_30 {offsets = [2048, 0], sizes = [128, 128], strides = [1, 1]} : vector<4096x128xf32> to vector<128x128xf32>
    %max3A_62 = arith.maximumf %max3A_60, %slice3A_61 : vector<128x128xf32>
    %slice3A_63 = vector.extract_strided_slice %max3A_30 {offsets = [2176, 0], sizes = [128, 128], strides = [1, 1]} : vector<4096x128xf32> to vector<128x128xf32>
    %max3A_64 = arith.maximumf %max3A_62, %slice3A_63 : vector<128x128xf32>
    %slice3A_65 = vector.extract_strided_slice %max3A_30 {offsets = [2304, 0], sizes = [128, 128], strides = [1, 1]} : vector<4096x128xf32> to vector<128x128xf32>
    %max3A_66 = arith.maximumf %max3A_64, %slice3A_65 : vector<128x128xf32>
    %slice3A_67 = vector.extract_strided_slice %max3A_30 {offsets = [2432, 0], sizes = [128, 128], strides = [1, 1]} : vector<4096x128xf32> to vector<128x128xf32>
    %max3A_68 = arith.maximumf %max3A_66, %slice3A_67 : vector<128x128xf32>
    %slice3A_69 = vector.extract_strided_slice %max3A_30 {offsets = [2560, 0], sizes = [128, 128], strides = [1, 1]} : vector<4096x128xf32> to vector<128x128xf32>
    %max3A_70 = arith.maximumf %max3A_68, %slice3A_69 : vector<128x128xf32>
    %slice3A_71 = vector.extract_strided_slice %max3A_30 {offsets = [2688, 0], sizes = [128, 128], strides = [1, 1]} : vector<4096x128xf32> to vector<128x128xf32>
    %max3A_72 = arith.maximumf %max3A_70, %slice3A_71 : vector<128x128xf32>
    %slice3A_73 = vector.extract_strided_slice %max3A_30 {offsets = [2816, 0], sizes = [128, 128], strides = [1, 1]} : vector<4096x128xf32> to vector<128x128xf32>
    %max3A_74 = arith.maximumf %max3A_72, %slice3A_73 : vector<128x128xf32>
    %slice3A_75 = vector.extract_strided_slice %max3A_30 {offsets = [2944, 0], sizes = [128, 128], strides = [1, 1]} : vector<4096x128xf32> to vector<128x128xf32>
    %max3A_76 = arith.maximumf %max3A_74, %slice3A_75 : vector<128x128xf32>
    %slice3A_77 = vector.extract_strided_slice %max3A_30 {offsets = [3072, 0], sizes = [128, 128], strides = [1, 1]} : vector<4096x128xf32> to vector<128x128xf32>
    %max3A_78 = arith.maximumf %max3A_76, %slice3A_77 : vector<128x128xf32>
    %slice3A_79 = vector.extract_strided_slice %max3A_30 {offsets = [3200, 0], sizes = [128, 128], strides = [1, 1]} : vector<4096x128xf32> to vector<128x128xf32>
    %max3A_80 = arith.maximumf %max3A_78, %slice3A_79 : vector<128x128xf32>
    %slice3A_81 = vector.extract_strided_slice %max3A_30 {offsets = [3328, 0], sizes = [128, 128], strides = [1, 1]} : vector<4096x128xf32> to vector<128x128xf32>
    %max3A_82 = arith.maximumf %max3A_80, %slice3A_81 : vector<128x128xf32>
    %slice3A_83 = vector.extract_strided_slice %max3A_30 {offsets = [3456, 0], sizes = [128, 128], strides = [1, 1]} : vector<4096x128xf32> to vector<128x128xf32>
    %max3A_84 = arith.maximumf %max3A_82, %slice3A_83 : vector<128x128xf32>
    %slice3A_85 = vector.extract_strided_slice %max3A_30 {offsets = [3584, 0], sizes = [128, 128], strides = [1, 1]} : vector<4096x128xf32> to vector<128x128xf32>
    %max3A_86 = arith.maximumf %max3A_84, %slice3A_85 : vector<128x128xf32>
    %slice3A_87 = vector.extract_strided_slice %max3A_30 {offsets = [3712, 0], sizes = [128, 128], strides = [1, 1]} : vector<4096x128xf32> to vector<128x128xf32>
    %max3A_88 = arith.maximumf %max3A_86, %slice3A_87 : vector<128x128xf32>
    %slice3A_89 = vector.extract_strided_slice %max3A_30 {offsets = [3840, 0], sizes = [128, 128], strides = [1, 1]} : vector<4096x128xf32> to vector<128x128xf32>
    %max3A_90 = arith.maximumf %max3A_88, %slice3A_89 : vector<128x128xf32>
    %slice3A_91 = vector.extract_strided_slice %max3A_30 {offsets = [3968, 0], sizes = [128, 128], strides = [1, 1]} : vector<4096x128xf32> to vector<128x128xf32>
    %max3A_92 = arith.maximumf %max3A_90, %slice3A_91 : vector<128x128xf32>
    %swap3A = arith.constant 0 : index
    %swap3A_93 = arith.constant 0 : index
    %swap3A_94 = vector.load %arg7[%swap3A, %swap3A_93] : memref<128x128xf32, #tpu.memory_space<vmem>>, vector<128x128xf32>
    tpu.vector_store %arg7[%swap3A, %swap3A_93], %max3A_92 {strides = array<i32>} : memref<128x128xf32, #tpu.memory_space<vmem>>, vector<128x128xf32>,
    return
  }
  func.func @transform_0(%arg0: i32) -> (i32, i32) {
    %c0_i32 = arith.constant 0 : i32
    %c0_i32_0 = arith.constant 0 : i32
    return %arg0, %c0_i32 : i32, i32
  }
  func.func @transform_1(%arg0: i32) -> (i32, i32) {
    %c0_i32 = arith.constant 0 : i32
    %c0_i32_0 = arith.constant 0 : i32
    return %arg0, %c0_i32 : i32, i32
  }
  func.func @transform_2(%arg0: i32) -> (i32, i32) {
    %c0_i32 = arith.constant 0 : i32
    %c0_i32_0 = arith.constant 0 : i32
    %c0_i32_1 = arith.constant 0 : i32
    return %c0_i32, %c0_i32_0 : i32, i32
  }
  func.func @transform_3(%arg0: i32) -> (i32, i32) {
    %c0_i32 = arith.constant 0 : i32
    %c0_i32_0 = arith.constant 0 : i32
    %c0_i32_1 = arith.constant 0 : i32
    return %c0_i32, %c0_i32_0 : i32, i32
  }
  func.func @transform_4(%arg0: i32) -> (i32, i32) {
    %c0_i32 = arith.constant 0 : i32
    %c0_i32_0 = arith.constant 0 : i32
    %c0_i32_1 = arith.constant 0 : i32
    return %c0_i32, %c0_i32_0 : i32, i32
  }
  func.func @transform_5(%arg0: i32) -> (i32, i32) {
    %c0_i32 = arith.constant 0 : i32
    %c0_i32_0 = arith.constant 0 : i32
    %c0_i32_1 = arith.constant 0 : i32
    return %c0_i32, %c0_i32_0 : i32, i32
  }
  func.func @transform_6(%arg0: i32) -> (i32, i32) {
    %c0_i32 = arith.constant 0 : i32
    %c0_i32_0 = arith.constant 0 : i32
    return %arg0, %c0_i32 : i32, i32
  }
}

</mosaic_0001>

<sc_bundles>
// kernel: kernel.12.cloned.1.call-start
scs
__scs_entry_jumppad:
0x0: {  	(pc) =	sbr.rel $0x88, $3  }
0x1: {  	(tag) =	ssettag $0x0;
	lr =	simm.s32 $0x1  }
0x2: {  	[smem:$0x3F94] =	sst lr;
	_ =	strace $0xD0000000  }
0x3: {  	_ = 	snop  }
0x4: {  	_ = 	snop  }
0x5: {  	_ = 	snop  }
0x6: {  	_ = 	snop  }
0x7: {  	_ = 	snop  }
__scs_overlays_trampoline_lowered:
0x8: {  	[smem:$0x3FA3] =	sst s0  }
0x9: {  	[smem:$0x3FA4] =	sst s1  }
0xa: {  	[smem:$0x3FA5] =	sst s2  }
0xb: {  	[smem:$0x3FA6] =	sst s3  }
0xc: {  	[smem:$0x3FA7] =	sst s4  }
0xd: {  	[smem:$0x3FA8] =	sst s5  }
0xe: {  	[smem:$0x3FA9] =	sst s6  }
0xf: {  	[smem:$0x3FAA] =	sst s7  }
0x10: {  	[smem:$0x3FAB] =	sst s8  }
0x11: {  	[smem:$0x3FAC] =	sst s9;
	s0 =	simm.s32 @!p0 $0x0  }
0x12: {  	s1 =	sld [smem:$0x3F92];
	s0 =	simm.s32 @p0 $0x1  }
0x13: {  	[smem:$0x3FAD] =	sst s0;
	s0 =	simm.s32 @!p1 $0x0  }
0x14: {  	s2 =	sld [smem:$0x3F91];
	s0 =	simm.s32 @p1 $0x1  }
0x15: {  	[smem:$0x3FAE] =	sst s0;
	s0 =	simm.s32 @!p2 $0x0  }
0x16: {  	s3 =	sld [smem:$0x3FDB];
	s0 =	simm.s32 @p2 $0x1  }
0x17: {  	s4 =	simm.s32 $0x1BF5;
	[smem:$0x3FB0] =	sst s0  }
0x18: {  	s0 =	sld [smem:$0x3F93];
	_ =	swait.ge [sflag:s4], $0x0  }
0x19: {  	s7 =	sld [smem:$0x3F94]  }
0x1a: {  	s8 =	sadd.s32 $0xFFFFE003, lr  }
0x1b: {  	s9 =	sadd.s32 $0xFFFFFEF7, lr;
	s5 =	simm.s32 $0xFFFFFFFF;
	p2 =	slt.u32 s8, $0xFFFFF086  }
0x1c: {  	p1 =	slt.u32 s9, $0xF7A;
	s5 =	simm.s32 @!p2 $0x0  }
0x1d: {  	s5 =	simm.s32 @p1 $0x1;
	p0 =	seq.s32 s7, s2  }
0x1e: {  	s7 =	smul.u32 @!p0 $0xF7A, s2;
	p2 =	seq.s32 @!p0 s5, $0x0  }
0x1f: {  	s9 =	smul.u32 $0xF7A, s1;
	s8 =	simm.s32 @!p0 $0x1BF5;
	p2 =	por !p2, p0  }
0x20: {  	[sflag:s8] =	ssyncset.s32 @!p0 $0xFFFFF086;
	s6 =	sadd.s32 @!p0 s3, s7;
	s7 =	simm.s32 @!p0 $0x108  }
0x21: {  	s3 =	sadd.s32 s3, s9;
	s6 =	sadd.s32 @!p0 $0x88, s6;
	s7 =	simm.s32 @p2 $0x1082  }
0x22: {  	[simem:s7], [sflag:s8] =	dma.local @!p0 [hbm:s6], $0xF7A  }
0x23: {  	s9 =	sor.u32 $0xD0000000, s2;
	s6 =	simm.s32 $0x108;
	_ =	swait.ge @!p0 [sflag:s8], $0x0  }
0x24: {  	s3 =	sadd.s32 $0x88, s3;
	s6 =	simm.s32 @!p1 $0x1082;
	[sflag:s4] =	ssyncset.s32 $0xFFFFF086  }
0x25: {  	[simem:s6], [sflag:s4] =	dma.local [hbm:s3], $0xF7A  }
0x26: {  	[smem:$0x3F94] =	sst s1;
	(tag) =	ssettag s2;
	_ =	strace s9  }
0x27: {  	s1 =	sld [smem:$0x3FA4]  }
0x28: {  	s2 =	sld [smem:$0x3FA5]  }
0x29: {  	s4 =	sld [smem:$0x3FA7]  }
0x2a: {  	p0 =	seq.s32 s5, $0x0;
	s5 =	sld [smem:$0x3FA8]  }
0x2b: {  	s6 =	sld [smem:$0x3FA9]  }
0x2c: {  	s7 =	sld [smem:$0x3FAA]  }
0x2d: {  	s3 =	simm.s32 $0x108;
	s8 =	sld [smem:$0x3FAB]  }
0x2e: {  	s3 =	simm.s32 @!p0 $0x1082;
	s9 =	sld [smem:$0x3FAC]  }
0x2f: {  	lr =	sadd.s32 s0, s3;
	s0 =	sld [smem:$0x3FA3]  }
0x30: {  	s3 =	sld [smem:$0x3FA6]  }
0x31: {  	[smem:$0x3FAF] =	sst s10  }
0x32: {  	s10 =	sld [smem:$0x3FAD];
	_ =	sdelay $0x3  }
0x33: {  	p0 =	seq.s32 s10, $0x1;
	s10 =	sld [smem:$0x3FAF];
	_ =	sdelay $0x3  }
0x34: {  	[smem:$0x3FAF] =	sst s10  }
0x35: {  	s10 =	sld [smem:$0x3FAE];
	_ =	sdelay $0x3  }
0x36: {  	p1 =	seq.s32 s10, $0x1;
	s10 =	sld [smem:$0x3FAF];
	_ =	sdelay $0x3  }
0x37: {  	[smem:$0x3FAF] =	sst s10  }
0x38: {  	s10 =	sld [smem:$0x3FB0]  }
0x39: {  	_ = 	snop;
	(pc) =	sbr.ind lr, $3  }
0x3a: {  	_ = 	snop  }
0x3b: {  	_ = 	snop  }
0x3c: {  	p2 =	seq.s32 s10, $0x1;
	s10 =	sld [smem:$0x3FAF]  }
0x3d: {  	_ =	shalt  }
0x3e: {  	_ =	shalt  }
0x3f: {  	_ =	shalt  }
0x40: {  	_ =	shalt  }
0x41: {  	_ =	shalt  }
0x42: {  	_ =	shalt  }
0x43: {  	_ =	shalt  }
0x44: {  	_ =	shalt  }
0x45: {  	_ =	shalt  }
0x46: {  	_ =	shalt  }
0x47: {  	_ =	shalt  }
0x48: {  	_ =	shalt  }
0x49: {  	_ =	shalt  }
0x4a: {  	_ =	shalt  }
0x4b: {  	_ =	shalt  }
0x4c: {  	_ =	shalt  }
0x4d: {  	_ =	shalt  }
0x4e: {  	_ =	shalt  }
0x4f: {  	_ =	shalt  }
0x50: {  	_ =	shalt  }
0x51: {  	_ =	shalt  }
0x52: {  	_ =	shalt  }
0x53: {  	_ =	shalt  }
0x54: {  	_ =	shalt  }
0x55: {  	_ =	shalt  }
0x56: {  	_ =	shalt  }
0x57: {  	_ =	shalt  }
0x58: {  	_ =	shalt  }
0x59: {  	_ =	shalt  }
0x5a: {  	_ =	shalt  }
0x5b: {  	_ =	shalt  }
0x5c: {  	_ =	shalt  }
0x5d: {  	_ =	shalt  }
0x5e: {  	_ =	shalt  }
0x5f: {  	_ =	shalt  }
0x60: {  	_ =	shalt  }
0x61: {  	_ =	shalt  }
0x62: {  	_ =	shalt  }
0x63: {  	_ =	shalt  }
0x64: {  	_ =	shalt  }
0x65: {  	_ =	shalt  }
0x66: {  	_ =	shalt  }
0x67: {  	_ =	shalt  }
0x68: {  	_ =	shalt  }
0x69: {  	_ =	shalt  }
0x6a: {  	_ =	shalt  }
0x6b: {  	_ =	shalt  }
0x6c: {  	_ =	shalt  }
0x6d: {  	_ =	shalt  }
0x6e: {  	_ =	shalt  }
0x6f: {  	_ =	shalt  }
0x70: {  	_ =	shalt  }
0x71: {  	_ =	shalt  }
0x72: {  	_ =	shalt  }
0x73: {  	_ =	shalt  }
0x74: {  	_ =	shalt  }
0x75: {  	_ =	shalt  }
0x76: {  	_ =	shalt  }
0x77: {  	_ =	shalt  }
0x78: {  	_ =	shalt  }
0x79: {  	_ =	shalt  }
0x7a: {  	_ =	shalt  }
0x7b: {  	_ =	shalt  }
0x7c: {  	_ =	shalt  }
0x7d: {  	_ =	shalt  }
0x7e: {  	_ =	shalt  }
0x7f: {  	_ =	shalt  }
0x80: {  	_ =	shalt  }
0x81: {  	_ =	shalt  }
0x82: {  	_ =	shalt  }
0x83: {  	_ =	shalt  }
0x84: {  	_ =	shalt  }
0x85: {  	_ =	shalt  }
0x86: {  	_ =	shalt  }
0x87: {  	_ =	shalt  }
.Lfunc_end0:
.L_simem_size_0:
called_computation_lowered:
.L_overlay_start_0:
0x88: {  	s2 =	sld [smem:$0x3FD9]  }
0x89: {  	s3 =	sld [smem:$0x3FFE];
	_ =	sdelay $0x1  }
0x8a: {  	s1 =	srdreg.scid  }
0x8b: {  	s0 =	sand.u32 $0x1, s1  }
0x8c: {  	s16 =	sshll.u32 s0, $0xA;
	s2 =	sadd.s32 s3, s2  }
0x8d: {  	s2 =	sadd.s32 s2, s16  }
0x8e: {  	[smem:$0x3FBB] =	sst s2  }
0x8f: {  	_ = 	snop  }
0x90: {  	(tm) =	ssettm $0x1  }
0x91: {  	s17 =	sld [smem:$0x3FFB];
	_ =	sdelay $0x3  }
0x92: {  	_ =	strace s17  }
0x93: {  	s2 =	sld [smem:$0x3FFC];
	_ =	sdelay $0x3  }
0x94: {  	_ =	strace s2  }
0x95: {  	s2 =	sld [smem:$0x3FFD];
	_ =	sdelay $0x3  }
0x96: {  	_ =	strace s2  }
0x97: {  	_ =	strace $0x8FFFFFFF  }
0x98: {  	s18 =	sld [smem:$0x3FDB];
	_ =	sdelay $0x1  }
0x99: {  	s19 =	simm.s32 $_scs_section_size  }
0x9a: {  	s4 =	simm.s32 $_size__tile_overlayer_lowered;
	s5 =	simm.s32 $_tile_overlayer_lowered  }
0x9b: {  	s22 =	simm.s32 $0x1BFF;
	s21 =	sshll.u32 s5, $0x1;
	s2 =	sadd.s32 s19, s18  }
0x9c: {  	s6 =	simm.s32 $0x0;
	s20 =	sshll.u32 s4, $0x1;
	s4 =	sadd.s32 s21, s2  }
0x9d: {  	[timem:s6], [sflag:s22] =	dma.local [hbm:s4], s20  }
0x9e: {  	_ =	swait.ge [sflag:s22], s20  }
0x9f: {  	s3 =	ssub.s32 $0x0, s20;
	[sflag:s22] =	ssyncset.done $0x0  }
0xa0: {  	[sflag:s22] =	ssyncadd.s32 s3;
	_ =	sdelay $0x1  }
0xa1: {  	s23 =	simm.s32 $0x1B8B  }
0xa2: {  	_ =	swait.ge [sflag:s23], $0x1  }
0xa3: {  	[sflag:s23] =	ssyncset.done $0x0  }
0xa4: {  	s25 =	simm.s32 $0x1B8E;
	s24 =	sld [smem:$0x3FFE];
	[sflag:s23] =	ssyncadd.s32 $0xFFFFFFFF  }
0xa5: {  	s26 =	simm.s32 $execute0_lowered;
	[smem:$0x3FD2] =	sst s25  }
0xa6: {  	s4 =	sshll.u32 s26, $0x1;
	_ =	strace $0x80000046;
	[dreg:$0x1] =	wrdreg $0xFFFFFFFF  }
0xa7: {  	s28 =	simm.s32 $_size_execute0_lowered;
	s2 =	sadd.s32 s2, s4;
	[dreg:$0x0] =	wrdreg $0x0  }
0xa8: {  	s4 =	sshll.u32 s28, $0x1;
	[dreg:$0x2] =	wrdreg s2  }
0xa9: {  	[dreg:$0x3] =	wrdreg s4  }
0xaa: {  	[dreg:$0x4] =	wrdreg $0xC0  }
0xab: {  	_ =	task [dreg:s6], $0x5FFFF  }
0xac: {  	[dreg:$0x1] =	wrdreg $0xFFFFFFFF  }
0xad: {  	[dreg:$0x0] =	wrdreg $0x60  }
0xae: {  	[dreg:$0x2] =	wrdreg s24  }
0xaf: {  	[dreg:$0x3] =	wrdreg $0x9  }
0xb0: {  	_ =	task.clear_ibuf [dreg:s6], $0x4FFFF;
	_ =	strace $0x90000046  }
0xb1: {  	s29 =	simm.s32 $0x9;
	_ =	strace $0x8000004F  }
0xb2: {  	_ =	swait.ge [sflag:s29], $0x1  }
0xb3: {  	[sflag:s29] =	ssyncadd.s32 $0xFFFFFFFF  }
0xb4: {  	_ =	strace $0x9000004F  }
0xb5: {  	_ =	sfence  }
0xb6: {  	s30 =	sld [smem:$0x0];
	_ =	sdelay $0x2  }
0xb7: {  	s31 =	sshll.u32 s1, $0xD;
	s1 =	sshrl.u32 s1, $0x2  }
0xb8: {  	s3 =	sand.u32 $0x4000, s31;
	s1 =	sadd.s32 s1, s30  }
0xb9: {  	s0 =	sor.u32 s3, s0;
	s1 =	sshll.u32 s1, $0x11  }
0xba: {  	s0 =	sor.u32 s1, s0  }
0xbb: {  	s0 =	sadd.s32 $0x8F2B, s0  }
0xbc: {  	[sflag:s0] =	ssyncadd.remote.s32 $0x1  }
0xbd: {  	_ =	sfence.sel $0xFFFF  }
0xbe: {  	[dreg:$0x0] =	wrdreg $0xFFFFFFFF;
	(pc) =	sbr.abs _section_cstart, $3  }
0xbf: {  	[dreg:$0x1] =	wrdreg $0xFFFFFFFF  }
0xc0: {  	_ =	task.clear_ibuf [dreg:s6], $0x2FFFF;
	_ =	strace $0x9FFFFFFF  }
0xc1: {  	(tm) =	ssettm $0x7FFFFFFF  }
tec
execute0_lowered:
.L_overlay_start_1:
0x0: {  	(tag) =	ssettag $0x1  }
0x1: {  	s4 =	rddreg [dreg:$0x0]  }
0x2: {  	s0 =	rddreg [dreg:$0x1];
	s1 =	simm.s32 $0x0;
	s5 =	srdreg.scid  }
0x3: {  	s8 =	simm.s32 $0x80;
	s9 =	simm.s32 $0x4;
	[smem:$0x7FF] =	sst s1  }
0x4: {  	s10 =	simm.s32 $0x0;
	s2 =	sadd.s32 $0x105C00, s4;
	s3 =	sadd.s32 $0x103C00, s4  }
0x5: {  	s4 =	sadd.s32 $0x205C00, s4;
	_ =	strace $0x80000047;
	[dreg:$0x2] =	wrdreg s2  }
0x6: {  	s5 =	sand.u32 $0x1, s5;
	s2 =	stileid.u32;
	[dreg:$0x4] =	wrdreg s4  }
0x7: {  	s6 =	ssub.s32 $0x2, s5;
	s5 =	sshll.u32 s5, $0x4;
	[dreg:$0x3] =	wrdreg s8  }
0x8: {  	s8 =	simm.s32 $0x5;
	s7 =	sshrl.u32 s6, $0x1;
	s5 =	sor.u32 s2, s5  }
0x9: {  	s6 =	ssub.s32 s6, s7;
	s31 =	sshll.u32 s5, $0x8;
	s4 =	sshll.u32 s5, $0x4  }
0xa: {  	s7 =	simm.s32 $0x1;
	s5 =	sadd.s32 s3, s31;
	s6 =	smax.u32 s6, $0x1  }
.LBB2_1:
0xb: {  	_ =	strace $0x80000048;
	s11 =	simm.s32 $0x1;
	p0 =	por $0x0, $0x0  }
0xc: {  	[tilespmem:s1], [sflag:$0x1] =	stream.linear.gather [hbm4b:s5+s1], $0x80, $0x200038;
	[tilespmem:$0x8100] =	vst v63  }
0xd: {  	s11 =	simm.s32 @p0 $0x0  }
0xe: {  	p4 =	por $0x1, $0x1;
	s20 =	sand.u32 $0x1, s1;
	p1 =	sne.s32 s11, $0x0  }
0xf: {  	p2 =	por $0x1, $0x1;
	s18 =	simm.s32 $0xE;
	p0 =	por !p4, !p1  }
0x10: {  	s16 =	simm.s32 $0x0;
	p5 =	por $0x0, $0x0;
	p0 =	por !p0, !p0  }
0x11: {  	s23 =	sadd.s32 $0x0, s4;
	s30 =	sadd.s32 $0x1, s20;
	s12 =	sadd.s32 @p0 s4, s11  }
0x12: {  	_ =	strace $0x90000048;
	s13 =	sand.u32 @p0 $0x1, s7;
	s12 =	sshll.u32 @p0 s12, $0x4  }
0x13: {  	_ =	strace @p0 $0x80000049;
	s15 =	simm.s32 @p0 $0x0;
	s12 =	sand.u32 @p0 $0x1FFFFFF0, s12  }
0x14: {  	s14 =	sshll.u32 @p0 s13, $0x7;
	s13 =	sadd.s32 @p0 $0x1, s13;
	s12 =	sadd.s32 @p0 s3, s12  }
0x15: {  	[tilespmem:s14], [sflag:s13] =	stream.linear.gather @p0 [hbm4b:s12+s15], $0x80, $0x200038;
	[tilespmem:$0x8100] =	vst v63  }
0x16: {  	p3 =	por p2, p2;
	s21 =	sshll.u32 s20, $0xE;
	_ =	strace @p0 $0x90000049  }
0x17: {  	s16 =	sand.u32 $0x80, s16;
	p2 =	por p5, p5;
	_ =	strace $0x8000004A  }
0x18: {  	s17 =	sadd.s32 $0x1, s11;
	s22 =	sor.u32 $0x100, s21;
	_ =	swait.ge [sflag:s30], $0x80  }
0x19: {  	s21 =	simm.s32 $0x1;
	p6 =	por p1, p1;
	[sflag:s30] =	ssyncset.done $0x0  }
0x1a: {  	p1 =	por p3, p3;
	p4 =	por $0x1, $0x1;
	[sflag:s30] =	ssyncadd.s32 $0xFFFFFF80  }
0x1b: {  	s12 =	simm.s32 $0xF;
	s15 =	sand.u32 @!p3 $0x1, s1;
	_ =	strace $0x9000004A  }
0x1c: {  	s13 =	simm.s32 $0x1;
	p3 =	seq.s32 s17, $0x10;
	_ =	strace $0x8000004B  }
0x1d: {  	s13 =	simm.s32 @!p0 $0x0;
	s17 =	simm.s32 @p3 $0x0;
	s19 =	rddreg [dreg:$0x3]  }
0x1e: {  	p0 =	por $0x0, $0x0;
	s14 =	sadd.s32 $0x1, s13;
	s31 =	rddreg [dreg:$0x2]  }
0x1f: {  	[tilespmem:s22], [sflag:$0x5] =	stream.indirect.gather [hbm4b:s31+s19], $0x80, s16, s19, $0x2000b8;
	[tilespmem:$0x8100] =	vst v63  }
0x20: {  	p3 =	sne.s32 s11, s17;
	s21 =	simm.s32 @!p0 $0x0;
	_ =	swait.ge [sflag:s8], $0x4000  }
0x21: {  	p5 =	por !p4, !p3;
	p4 =	por $0x0, $0x0;
	[sflag:s8] =	ssyncset.done $0x0  }
0x22: {  	s13 =	simm.s32 $0x0;
	p6 =	por p4, p6;
	[sflag:s8] =	ssyncadd.s32 $0xFFFFC000  }
0x23: {  	s16 =	simm.s32 $0x0;
	s19 =	simm.s32 $0x0;
	_ =	strace $0x9000004B  }
.LBB2_2:
0x24: {  	_ =	strace @p6 $0x8000004C;
	s13 =	sadd.s32 s21, s13;
	s21 =	smov.u32 s12  }
0x25: {  	s12 =	smov.u32 s18;
	s18 =	sadd.s32 $0xFFFFFFFF, s18;
	p0 =	por p3, p3  }
0x26: {  	s28 =	sshll.u32 @p6 s23, $0xB;
	s20 =	sadd.s32 @p6 $0x3, s20;
	s24 =	simm.s32 @!p0 $0x0  }
0x27: {  	s25 =	rddreg [dreg:$0x4];
	s28 =	sand.u32 @p6 $0x1FFFF800, s28;
	s24 =	simm.s32 @p0 $0x1  }
0x28: {  	s25 =	sadd.s32 @p6 s25, s28;
	s28 =	simm.s32 @p6 $0x0;
	p0 =	sne.s32 s18, $0x0  }
0x29: {  	[hbm4b:s25+s28] =	stream.linear.scatter @p6 [tilespmem:s22], [sflag:s20], $0x4000, $0x200038;
	[tilespmem:$0x8100] =	vst v63  }
0x2a: {  	s20 =	sadd.s32 @!p1 $0x3, s15;
	s15 =	simm.s32 @!p0 $0x0  }
0x2b: {  	s26 =	simm.s32 $0x1;
	[smem:$0x7FC] =	sst s24;
	s15 =	simm.s32 @p0 $0x1  }
0x2c: {  	s26 =	simm.s32 @!p6 $0x0;
	_ =	strace @p6 $0x9000004C;
	[smem:$0x7FD] =	sst s15  }
0x2d: {  	p5 =	por !p5, !p5;
	s19 =	sadd.s32 s26, s19;
	_ =	strace @!p1 $0x8000004D  }
0x2e: {  	s24 =	sand.u32 @!p2 $0x1, s13;
	s22 =	sand.u32 @p5 $0x1, s14;
	_ =	swait.ge @!p1 [sflag:s20], $0x4000  }
0x2f: {  	s15 =	smov.u32 s24;
	s24 =	sadd.s32 @p5 s4, s17;
	[sflag:s20] =	ssyncset.done @!p1 $0x0  }
0x30: {  	s25 =	sshll.u32 @p5 s22, $0x7;
	s24 =	sshll.u32 @p5 s24, $0x4;
	[sflag:s20] =	ssyncadd.s32 @!p1 $0xFFFFC000  }
0x31: {  	s20 =	sadd.s32 @p5 $0x1, s22;
	s22 =	sand.u32 @p5 $0x1FFFFFF0, s24;
	_ =	strace @!p1 $0x9000004D  }
0x32: {  	s24 =	simm.s32 @p5 $0x0;
	s22 =	sadd.s32 @p5 s3, s22;
	_ =	strace @p5 $0x80000049  }
0x33: {  	[tilespmem:s25], [sflag:s20] =	stream.linear.gather @p5 [hbm4b:s22+s24], $0x80, $0x200038;
	[tilespmem:$0x8100] =	vst v63  }
0x34: {  	s16 =	sadd.s32 s26, s16;
	s26 =	sand.u32 $0x1, s19;
	_ =	strace @p5 $0x90000049  }
0x35: {  	s24 =	sadd.s32 $0x1, s26;
	_ =	strace $0x8000004A  }
0x36: {  	_ =	swait.ge [sflag:s24], $0x80  }
0x37: {  	[sflag:s24] =	ssyncset.done $0x0  }
0x38: {  	s20 =	simm.s32 $0x1;
	[sflag:s24] =	ssyncadd.s32 $0xFFFFFF80  }
0x39: {  	s20 =	simm.s32 @!p5 $0x0;
	_ =	strace $0x9000004A  }
0x3a: {  	s14 =	sadd.s32 s20, s14;
	s20 =	sand.u32 $0x1, s16;
	_ =	strace $0x8000004B  }
0x3b: {  	s29 =	sshll.u32 s19, $0x7;
	s25 =	sshll.u32 s20, $0xE;
	s26 =	rddreg [dreg:$0x3]  }
0x3c: {  	s29 =	sand.u32 $0x80, s29;
	s22 =	sor.u32 $0x100, s25;
	s30 =	rddreg [dreg:$0x2]  }
0x3d: {  	[tilespmem:s22], [sflag:$0x5] =	stream.indirect.gather [hbm4b:s30+s26], $0x80, s29, s26, $0x2000b8;
	[tilespmem:$0x8100] =	vst v63  }
0x3e: {  	_ =	swait.ge [sflag:s8], $0x4000  }
0x3f: {  	s31 =	sadd.s32 $0x1, s17;
	[sflag:s8] =	ssyncset.done $0x0  }
0x40: {  	s23 =	sadd.s32 s4, s11;
	s11 =	smov.u32 s17;
	[sflag:s8] =	ssyncadd.s32 $0xFFFFC000  }
0x41: {  	p3 =	seq.s32 s31, $0x10;
	s17 =	smov.u32 s31;
	_ =	strace $0x9000004B  }
0x42: {  	s17 =	simm.s32 @p3 $0x0;
	s31 =	sld [smem:$0x7FD]  }
0x43: {  	p6 =	sne.s32 s12, $0x1;
	p0 =	sne.s32 s21, $0x10;
	p3 =	sne.s32 s11, s17  }
0x44: {  	p5 =	por !p6, !p3;
	p6 =	seq.s32 s21, $0x1;
	s21 =	simm.s32 $0x1  }
0x45: {  	s21 =	simm.s32 @!p0 $0x0;
	p0 =	seq.s32 s31, $0x1  }
.Ltmp0:
0x46: {  	s30 =	sld [smem:$0x7FC];
	(pc) =	sbr.rel @p0 .LBB2_2-.Ltmp0, $4  }
0x47: {  	_ = 	snop  }
0x48: {  	p4 =	seq.s32 s12, $0x10  }
0x49: {  	p1 =	por p2, p2;
	p2 =	por p4, p4;
	p4 =	seq.s32 s30, $0x1  }
0x4a: {  	p6 =	por p6, p4  }
0x4b: {  	_ =	strace @p6 $0x8000004C;
	s23 =	sshll.u32 @p6 s23, $0xB  }
0x4c: {  	s18 =	rddreg [dreg:$0x4];
	s23 =	sand.u32 @p6 $0x1FFFF800, s23  }
0x4d: {  	s20 =	sadd.s32 @p6 $0x3, s20;
	s18 =	sadd.s32 @p6 s18, s23;
	s23 =	simm.s32 @p6 $0x0  }
0x4e: {  	[hbm4b:s18+s23] =	stream.linear.scatter @p6 [tilespmem:s22], [sflag:s20], $0x4000, $0x200038;
	[tilespmem:$0x8100] =	vst v63  }
0x4f: {  	p0 =	por !p5, !p5;
	_ =	strace @p6 $0x9000004C  }
0x50: {  	s15 =	sadd.s32 @!p1 $0x3, s15;
	s17 =	sadd.s32 @p0 s4, s17;
	_ =	strace @!p1 $0x8000004D  }
0x51: {  	s14 =	sand.u32 @p0 $0x1, s14;
	s17 =	sshll.u32 @p0 s17, $0x4;
	_ =	swait.ge @!p1 [sflag:s15], $0x4000  }
0x52: {  	s18 =	simm.s32 $0x1;
	s20 =	sshll.u32 @p0 s14, $0x7;
	[sflag:s15] =	ssyncset.done @!p1 $0x0  }
0x53: {  	s14 =	sadd.s32 @p0 $0x1, s14;
	s18 =	simm.s32 @!p6 $0x0;
	[sflag:s15] =	ssyncadd.s32 @!p1 $0xFFFFC000  }
0x54: {  	s19 =	sadd.s32 s18, s19;
	s15 =	sand.u32 @p0 $0x1FFFFFF0, s17;
	_ =	strace @!p1 $0x9000004D  }
0x55: {  	s17 =	simm.s32 @p0 $0x0;
	s15 =	sadd.s32 @p0 s3, s15;
	_ =	strace @p0 $0x80000049  }
0x56: {  	[tilespmem:s20], [sflag:s14] =	stream.linear.gather @p0 [hbm4b:s15+s17], $0x80, $0x200038;
	[tilespmem:$0x8100] =	vst v63  }
0x57: {  	s25 =	sand.u32 $0x1, s19;
	_ =	strace @p0 $0x90000049  }
0x58: {  	s14 =	sadd.s32 $0x1, s25;
	_ =	strace $0x8000004A  }
0x59: {  	_ =	swait.ge [sflag:s14], $0x80  }
0x5a: {  	[sflag:s14] =	ssyncset.done $0x0  }
0x5b: {  	[sflag:s14] =	ssyncadd.s32 $0xFFFFFF80  }
0x5c: {  	s26 =	sadd.s32 s18, s16;
	_ =	strace $0x9000004A  }
0x5d: {  	s14 =	sand.u32 $0x1, s26;
	_ =	strace $0x8000004B  }
0x5e: {  	s30 =	sshll.u32 s19, $0x7;
	s31 =	sshll.u32 s14, $0xE;
	s28 =	rddreg [dreg:$0x3]  }
0x5f: {  	s17 =	sand.u32 $0x80, s30;
	s18 =	sor.u32 $0x100, s31;
	s29 =	rddreg [dreg:$0x2]  }
0x60: {  	[tilespmem:s18], [sflag:$0x5] =	stream.indirect.gather [hbm4b:s29+s28], $0x80, s17, s28, $0x2000b8;
	[tilespmem:$0x8100] =	vst v63  }
0x61: {  	_ =	swait.ge [sflag:s8], $0x4000  }
0x62: {  	[sflag:s8] =	ssyncset.done $0x0  }
0x63: {  	p5 =	por p3, p3;
	p6 =	seq.s32 s12, $0x1;
	[sflag:s8] =	ssyncadd.s32 $0xFFFFC000  }
0x64: {  	s11 =	sadd.s32 s4, s11;
	p0 =	por p6, p5;
	_ =	strace $0x9000004B  }
0x65: {  	s11 =	sshll.u32 @p0 s11, $0xB;
	_ =	strace @p0 $0x8000004C  }
0x66: {  	s13 =	sadd.s32 s21, s13;
	s11 =	sand.u32 @p0 $0x1FFFF800, s11;
	s12 =	rddreg [dreg:$0x4]  }
0x67: {  	s14 =	sadd.s32 @p0 $0x3, s14;
	s11 =	sadd.s32 @p0 s12, s11;
	s12 =	simm.s32 @p0 $0x0  }
0x68: {  	[hbm4b:s11+s12] =	stream.linear.scatter @p0 [tilespmem:s18], [sflag:s14], $0x4000, $0x200038;
	[tilespmem:$0x8100] =	vst v63  }
0x69: {  	p1 =	por p2, p2;
	s11 =	sand.u32 @!p2 $0x1, s13;
	_ =	strace @p0 $0x9000004C  }
0x6a: {  	s11 =	sadd.s32 @!p1 $0x3, s11;
	_ =	strace @!p1 $0x8000004D  }
0x6b: {  	_ =	swait.ge @!p1 [sflag:s11], $0x4000  }
0x6c: {  	[sflag:s11] =	ssyncset.done @!p1 $0x0  }
0x6d: {  	s10 =	sadd.s32 $0x1, s10;
	[sflag:s11] =	ssyncadd.s32 @!p1 $0xFFFFC000  }
0x6e: {  	p0 =	sne.s32 s10, s6;
	_ =	strace @!p1 $0x9000004D  }
.Ltmp1:
0x6f: {  	_ =	strace $0x8000004E;
	(pc) =	sbr.rel @p0 .LBB2_1-.Ltmp1, $4  }
0x70: {  	_ =	swait.ge [sflag:s9], $0x4000  }
0x71: {  	[sflag:s9] =	ssyncset.done $0x0  }
0x72: {  	[sflag:s9] =	ssyncadd.s32 $0xFFFFC000  }
0x73: {  	_ =	strace $0x9000004E  }
0x74: {  	_ =	sfence.sel $0x180000  }
0x75: {  	[bflag:$0x0] =	sbarrier.arrive $0xFFFF  }
0x76: {  	p0 =	sne.s32 s2, $0x0;
	_ =	strace $0x90000047  }
0x77: {  	s0 =	sadd.s32 @!p0 $0x100000, s0;
	[bflag:$0x2] =	sbarrier.arrive $0xFFFF  }
0x78: {  	[sflag:s0] =	ssyncadd.tile.s32 @!p0 $0x1;
	_ =	shalt  }
.Lfunc_end2:
_tile_overlayer_lowered:
.L_overlay_start_2:
0x79: {  	(tag) =	ssettag $0x2  }
0x7a: {  	s0 =	rddreg [dreg:$0x0];
	s2 =	stileid.u32  }
0x7b: {  	s1 =	rddreg [dreg:$0x1];
	p0 =	sne.s32 s2, $0x0  }
0x7c: {  	s3 =	rddreg [dreg:$0x2];
	[bflag:$0x3] =	sbarrier.arrive $0xFFFF;
	s2 =	simm.s32 @!p0 $0x1C01  }
0x7d: {  	[timem:s3], [sflag:s2] =	dma.local @!p0 [hbm:s0], s1  }
0x7e: {  	s0 =	simm.s32 @!p0 $0x1  }
0x7f: {  	_ =	swait.ge @!p0 [sflag:s0], s1  }
0x80: {  	s1 =	ssub.s32 @!p0 $0x0, s1;
	[sflag:s0] =	ssyncset.done @!p0 $0x0  }
0x81: {  	[sflag:s0] =	ssyncadd.s32 @!p0 s1  }
0x82: {  	[bflag:$0x3] =	sbarrier.arrive $0xFFFF  }
0x83: {  	_ =	shalt  }

// kernel: kernel.15.cloned.1.call-start
scs
__scs_entry_jumppad:
0x0: {  	(pc) =	sbr.rel $0x88, $3  }
0x1: {  	(tag) =	ssettag $0x0;
	lr =	simm.s32 $0x1  }
0x2: {  	[smem:$0x3F94] =	sst lr;
	_ =	strace $0xD0000000  }
0x3: {  	_ = 	snop  }
0x4: {  	_ = 	snop  }
0x5: {  	_ = 	snop  }
0x6: {  	_ = 	snop  }
0x7: {  	_ = 	snop  }
__scs_overlays_trampoline_lowered:
0x8: {  	[smem:$0x3FA3] =	sst s0  }
0x9: {  	[smem:$0x3FA4] =	sst s1  }
0xa: {  	[smem:$0x3FA5] =	sst s2  }
0xb: {  	[smem:$0x3FA6] =	sst s3  }
0xc: {  	[smem:$0x3FA7] =	sst s4  }
0xd: {  	[smem:$0x3FA8] =	sst s5  }
0xe: {  	[smem:$0x3FA9] =	sst s6  }
0xf: {  	[smem:$0x3FAA] =	sst s7  }
0x10: {  	[smem:$0x3FAB] =	sst s8  }
0x11: {  	[smem:$0x3FAC] =	sst s9;
	s0 =	simm.s32 @!p0 $0x0  }
0x12: {  	s1 =	sld [smem:$0x3F92];
	s0 =	simm.s32 @p0 $0x1  }
0x13: {  	[smem:$0x3FAD] =	sst s0;
	s0 =	simm.s32 @!p1 $0x0  }
0x14: {  	s2 =	sld [smem:$0x3F91];
	s0 =	simm.s32 @p1 $0x1  }
0x15: {  	[smem:$0x3FAE] =	sst s0;
	s0 =	simm.s32 @!p2 $0x0  }
0x16: {  	s3 =	sld [smem:$0x3FDB];
	s0 =	simm.s32 @p2 $0x1  }
0x17: {  	s4 =	simm.s32 $0x1BF5;
	[smem:$0x3FB0] =	sst s0  }
0x18: {  	s0 =	sld [smem:$0x3F93];
	_ =	swait.ge [sflag:s4], $0x0  }
0x19: {  	s7 =	sld [smem:$0x3F94]  }
0x1a: {  	s8 =	sadd.s32 $0xFFFFE003, lr  }
0x1b: {  	s9 =	sadd.s32 $0xFFFFFEF7, lr;
	s5 =	simm.s32 $0xFFFFFFFF;
	p2 =	slt.u32 s8, $0xFFFFF086  }
0x1c: {  	p1 =	slt.u32 s9, $0xF7A;
	s5 =	simm.s32 @!p2 $0x0  }
0x1d: {  	s5 =	simm.s32 @p1 $0x1;
	p0 =	seq.s32 s7, s2  }
0x1e: {  	s7 =	smul.u32 @!p0 $0xF7A, s2;
	p2 =	seq.s32 @!p0 s5, $0x0  }
0x1f: {  	s9 =	smul.u32 $0xF7A, s1;
	s8 =	simm.s32 @!p0 $0x1BF5;
	p2 =	por !p2, p0  }
0x20: {  	[sflag:s8] =	ssyncset.s32 @!p0 $0xFFFFF086;
	s6 =	sadd.s32 @!p0 s3, s7;
	s7 =	simm.s32 @!p0 $0x108  }
0x21: {  	s3 =	sadd.s32 s3, s9;
	s6 =	sadd.s32 @!p0 $0x88, s6;
	s7 =	simm.s32 @p2 $0x1082  }
0x22: {  	[simem:s7], [sflag:s8] =	dma.local @!p0 [hbm:s6], $0xF7A  }
0x23: {  	s9 =	sor.u32 $0xD0000000, s2;
	s6 =	simm.s32 $0x108;
	_ =	swait.ge @!p0 [sflag:s8], $0x0  }
0x24: {  	s3 =	sadd.s32 $0x88, s3;
	s6 =	simm.s32 @!p1 $0x1082;
	[sflag:s4] =	ssyncset.s32 $0xFFFFF086  }
0x25: {  	[simem:s6], [sflag:s4] =	dma.local [hbm:s3], $0xF7A  }
0x26: {  	[smem:$0x3F94] =	sst s1;
	(tag) =	ssettag s2;
	_ =	strace s9  }
0x27: {  	s1 =	sld [smem:$0x3FA4]  }
0x28: {  	s2 =	sld [smem:$0x3FA5]  }
0x29: {  	s4 =	sld [smem:$0x3FA7]  }
0x2a: {  	p0 =	seq.s32 s5, $0x0;
	s5 =	sld [smem:$0x3FA8]  }
0x2b: {  	s6 =	sld [smem:$0x3FA9]  }
0x2c: {  	s7 =	sld [smem:$0x3FAA]  }
0x2d: {  	s3 =	simm.s32 $0x108;
	s8 =	sld [smem:$0x3FAB]  }
0x2e: {  	s3 =	simm.s32 @!p0 $0x1082;
	s9 =	sld [smem:$0x3FAC]  }
0x2f: {  	lr =	sadd.s32 s0, s3;
	s0 =	sld [smem:$0x3FA3]  }
0x30: {  	s3 =	sld [smem:$0x3FA6]  }
0x31: {  	[smem:$0x3FAF] =	sst s10  }
0x32: {  	s10 =	sld [smem:$0x3FAD];
	_ =	sdelay $0x3  }
0x33: {  	p0 =	seq.s32 s10, $0x1;
	s10 =	sld [smem:$0x3FAF];
	_ =	sdelay $0x3  }
0x34: {  	[smem:$0x3FAF] =	sst s10  }
0x35: {  	s10 =	sld [smem:$0x3FAE];
	_ =	sdelay $0x3  }
0x36: {  	p1 =	seq.s32 s10, $0x1;
	s10 =	sld [smem:$0x3FAF];
	_ =	sdelay $0x3  }
0x37: {  	[smem:$0x3FAF] =	sst s10  }
0x38: {  	s10 =	sld [smem:$0x3FB0]  }
0x39: {  	_ = 	snop;
	(pc) =	sbr.ind lr, $3  }
0x3a: {  	_ = 	snop  }
0x3b: {  	_ = 	snop  }
0x3c: {  	p2 =	seq.s32 s10, $0x1;
	s10 =	sld [smem:$0x3FAF]  }
0x3d: {  	_ =	shalt  }
0x3e: {  	_ =	shalt  }
0x3f: {  	_ =	shalt  }
0x40: {  	_ =	shalt  }
0x41: {  	_ =	shalt  }
0x42: {  	_ =	shalt  }
0x43: {  	_ =	shalt  }
0x44: {  	_ =	shalt  }
0x45: {  	_ =	shalt  }
0x46: {  	_ =	shalt  }
0x47: {  	_ =	shalt  }
0x48: {  	_ =	shalt  }
0x49: {  	_ =	shalt  }
0x4a: {  	_ =	shalt  }
0x4b: {  	_ =	shalt  }
0x4c: {  	_ =	shalt  }
0x4d: {  	_ =	shalt  }
0x4e: {  	_ =	shalt  }
0x4f: {  	_ =	shalt  }
0x50: {  	_ =	shalt  }
0x51: {  	_ =	shalt  }
0x52: {  	_ =	shalt  }
0x53: {  	_ =	shalt  }
0x54: {  	_ =	shalt  }
0x55: {  	_ =	shalt  }
0x56: {  	_ =	shalt  }
0x57: {  	_ =	shalt  }
0x58: {  	_ =	shalt  }
0x59: {  	_ =	shalt  }
0x5a: {  	_ =	shalt  }
0x5b: {  	_ =	shalt  }
0x5c: {  	_ =	shalt  }
0x5d: {  	_ =	shalt  }
0x5e: {  	_ =	shalt  }
0x5f: {  	_ =	shalt  }
0x60: {  	_ =	shalt  }
0x61: {  	_ =	shalt  }
0x62: {  	_ =	shalt  }
0x63: {  	_ =	shalt  }
0x64: {  	_ =	shalt  }
0x65: {  	_ =	shalt  }
0x66: {  	_ =	shalt  }
0x67: {  	_ =	shalt  }
0x68: {  	_ =	shalt  }
0x69: {  	_ =	shalt  }
0x6a: {  	_ =	shalt  }
0x6b: {  	_ =	shalt  }
0x6c: {  	_ =	shalt  }
0x6d: {  	_ =	shalt  }
0x6e: {  	_ =	shalt  }
0x6f: {  	_ =	shalt  }
0x70: {  	_ =	shalt  }
0x71: {  	_ =	shalt  }
0x72: {  	_ =	shalt  }
0x73: {  	_ =	shalt  }
0x74: {  	_ =	shalt  }
0x75: {  	_ =	shalt  }
0x76: {  	_ =	shalt  }
0x77: {  	_ =	shalt  }
0x78: {  	_ =	shalt  }
0x79: {  	_ =	shalt  }
0x7a: {  	_ =	shalt  }
0x7b: {  	_ =	shalt  }
0x7c: {  	_ =	shalt  }
0x7d: {  	_ =	shalt  }
0x7e: {  	_ =	shalt  }
0x7f: {  	_ =	shalt  }
0x80: {  	_ =	shalt  }
0x81: {  	_ =	shalt  }
0x82: {  	_ =	shalt  }
0x83: {  	_ =	shalt  }
0x84: {  	_ =	shalt  }
0x85: {  	_ =	shalt  }
0x86: {  	_ =	shalt  }
0x87: {  	_ =	shalt  }
.Lfunc_end0:
.L_simem_size_0:
called_computation.1_lowered:
.L_overlay_start_0:
0x88: {  	s2 =	sld [smem:$0x3FD9]  }
0x89: {  	s3 =	sld [smem:$0x3FFE];
	_ =	sdelay $0x1  }
0x8a: {  	s1 =	srdreg.scid  }
0x8b: {  	s0 =	sand.u32 $0x1, s1  }
0x8c: {  	s17 =	sshll.u32 s0, $0xA;
	s2 =	sadd.s32 s3, s2  }
0x8d: {  	s2 =	sadd.s32 s2, s17  }
0x8e: {  	[smem:$0x3FBB] =	sst s2  }
0x8f: {  	_ = 	snop  }
0x90: {  	s18 =	sld [smem:$0x3FD0];
	(tm) =	ssettm $0x1  }
0x91: {  	s19 =	sld [smem:$0x3FFB];
	_ =	sdelay $0x3  }
0x92: {  	_ =	strace s19  }
0x93: {  	s2 =	sld [smem:$0x3FFC];
	_ =	sdelay $0x3  }
0x94: {  	_ =	strace s2  }
0x95: {  	s2 =	sld [smem:$0x3FFD];
	_ =	sdelay $0x3  }
0x96: {  	_ =	strace s2  }
0x97: {  	_ =	strace $0x8FFFFFFF  }
0x98: {  	s20 =	sld [smem:$0x3FDB];
	_ =	sdelay $0x1  }
0x99: {  	s4 =	simm.s32 $_scs_section_size  }
0x9a: {  	s5 =	simm.s32 $_size__tile_overlayer_lowered;
	s6 =	simm.s32 $_tile_overlayer_lowered  }
0x9b: {  	s7 =	simm.s32 $0x1BFF;
	s21 =	sshll.u32 s6, $0x1;
	s4 =	sadd.s32 s4, s20  }
0x9c: {  	s22 =	simm.s32 $0x0;
	s5 =	sshll.u32 s5, $0x1;
	s6 =	sadd.s32 s21, s4  }
0x9d: {  	[timem:s22], [sflag:s7] =	dma.local [hbm:s6], s5  }
0x9e: {  	_ =	swait.ge [sflag:s7], s5  }
0x9f: {  	s5 =	ssub.s32 $0x0, s5;
	[sflag:s7] =	ssyncset.done $0x0  }
0xa0: {  	[sflag:s7] =	ssyncadd.s32 s5;
	_ =	sdelay $0x1  }
0xa1: {  	s23 =	simm.s32 $0x1B8B  }
0xa2: {  	_ =	swait.ge [sflag:s23], $0x1  }
0xa3: {  	[sflag:s23] =	ssyncset.done $0x0  }
0xa4: {  	[sflag:s23] =	ssyncadd.s32 $0xFFFFFFFF  }
0xa5: {  	s5 =	sld [smem:$0x0]  }
0xa6: {  	s6 =	sand.u32 $0xFFFFFFFE, s1  }
0xa7: {  	p0 =	sne.s32 s1, s6  }
0xa8: {  	s6 =	sshll.u32 @p0 s6, $0xE  }
0xa9: {  	s6 =	sadd.s32 @p0 $0x11B8D, s6;
	s7 =	sshll.u32 @p0 s5, $0x11  }
0xaa: {  	s6 =	sor.u32 @p0 s7, s6  }
0xab: {  	[sflag:s6] =	ssyncadd.remote.s32 @p0 $0x1;
	_ =	sdelay $0x1  }
0xac: {  	s6 =	simm.s32 @p0 $0x1B8D  }
0xad: {  	_ =	swait.eq @p0 [sflag:s6], $0x1  }
0xae: {  	[sflag:s6] =	ssyncadd.s32 @p0 $0xFFFFFFFF  }
0xaf: {  	s7 =	sshll.u32 @!p0 s1, $0xE  }
0xb0: {  	s7 =	sor.u32 @!p0 $0x4000, s7;
	s6 =	simm.s32 @!p0 $0x1B8D  }
0xb1: {  	s5 =	sshll.u32 @!p0 s5, $0x11;
	s7 =	sadd.s32 @!p0 $0x11B8D, s7;
	_ =	swait.eq @!p0 [sflag:s6], $0x1  }
0xb2: {  	s5 =	sor.u32 @!p0 s5, s7;
	[sflag:s6] =	ssyncadd.s32 @!p0 $0xFFFFFFFF  }
0xb3: {  	s25 =	simm.s32 $0x1B8E;
	s24 =	sld [smem:$0x3FFE];
	[sflag:s5] =	ssyncadd.remote.s32 @!p0 $0x1  }
0xb4: {  	s26 =	simm.s32 $execute0_lowered;
	[smem:$0x3FD2] =	sst s25  }
0xb5: {  	s6 =	sshll.u32 s26, $0x1;
	_ =	strace $0x80000050;
	[dreg:$0x1] =	wrdreg $0xFFFFFFFF  }
0xb6: {  	s28 =	simm.s32 $_size_execute0_lowered;
	s4 =	sadd.s32 s4, s6;
	[dreg:$0x0] =	wrdreg $0x0  }
0xb7: {  	s6 =	sshll.u32 s28, $0x1;
	[dreg:$0x2] =	wrdreg s4  }
0xb8: {  	[dreg:$0x3] =	wrdreg s6  }
0xb9: {  	[dreg:$0x4] =	wrdreg $0xC0  }
0xba: {  	_ =	task [dreg:s22], $0x5FFFF  }
0xbb: {  	[dreg:$0x1] =	wrdreg $0xFFFFFFFF  }
0xbc: {  	[dreg:$0x0] =	wrdreg $0x60  }
0xbd: {  	[dreg:$0x2] =	wrdreg s24  }
0xbe: {  	[dreg:$0x3] =	wrdreg s18  }
0xbf: {  	[dreg:$0x4] =	wrdreg $0xA  }
0xc0: {  	_ =	task.clear_ibuf [dreg:s22], $0x5FFFF;
	_ =	strace $0x90000050  }
0xc1: {  	s29 =	simm.s32 $0xA;
	_ =	strace $0x80000059  }
0xc2: {  	_ =	swait.ge [sflag:s29], $0x1  }
0xc3: {  	[sflag:s29] =	ssyncadd.s32 $0xFFFFFFFF  }
0xc4: {  	_ =	strace $0x90000059  }
0xc5: {  	_ =	sfence  }
0xc6: {  	s30 =	sld [smem:$0x0];
	_ =	sdelay $0x2  }
0xc7: {  	s31 =	sshll.u32 s1, $0xD;
	s1 =	sshrl.u32 s1, $0x2  }
0xc8: {  	s4 =	sand.u32 $0x4000, s31;
	s1 =	sadd.s32 s1, s30  }
0xc9: {  	s0 =	sor.u32 s4, s0;
	s1 =	sshll.u32 s1, $0x11  }
0xca: {  	s0 =	sor.u32 s1, s0  }
0xcb: {  	s0 =	sadd.s32 $0x8F2B, s0  }
0xcc: {  	[sflag:s0] =	ssyncadd.remote.s32 $0x1  }
0xcd: {  	_ =	sfence.sel $0xFFFF  }
0xce: {  	[dreg:$0x0] =	wrdreg $0xFFFFFFFF;
	(pc) =	sbr.abs _section_cstart, $3  }
0xcf: {  	[dreg:$0x1] =	wrdreg $0xFFFFFFFF  }
0xd0: {  	_ =	task.clear_ibuf [dreg:s22], $0x2FFFF;
	_ =	strace $0x9FFFFFFF  }
0xd1: {  	(tm) =	ssettm $0x7FFFFFFF  }
tec
execute0_lowered:
.L_overlay_start_1:
0x0: {  	(tag) =	ssettag $0x1  }
0x1: {  	s4 =	rddreg [dreg:$0x0]  }
0x2: {  	s1 =	rddreg [dreg:$0x1]  }
0x3: {  	s0 =	rddreg [dreg:$0x2];
	s2 =	simm.s32 $0x0  }
0x4: {  	s5 =	srdreg.scid;
	s8 =	simm.s32 $0x80;
	s9 =	simm.s32 $0x4  }
0x5: {  	s10 =	simm.s32 $0x0;
	[smem:$0x7FF] =	sst s2;
	s3 =	sadd.s32 $0x305C00, s4  }
0x6: {  	s4 =	sadd.s32 $0x405C00, s4;
	_ =	strace $0x80000051;
	[dreg:$0x3] =	wrdreg s3  }
0x7: {  	s5 =	sand.u32 $0x1, s5;
	s3 =	stileid.u32;
	[dreg:$0x5] =	wrdreg s4  }
0x8: {  	s6 =	ssub.s32 $0x2, s5;
	s5 =	sshll.u32 s5, $0x4;
	[dreg:$0x4] =	wrdreg s8  }
0x9: {  	s8 =	simm.s32 $0x5;
	s7 =	sshrl.u32 s6, $0x1;
	s5 =	sor.u32 s3, s5  }
0xa: {  	s6 =	ssub.s32 s6, s7;
	s31 =	sshll.u32 s5, $0x9;
	s4 =	sshll.u32 s5, $0x5  }
0xb: {  	s7 =	simm.s32 $0x1;
	s5 =	sadd.s32 s1, s31;
	s6 =	smax.u32 s6, $0x1  }
.LBB2_1:
0xc: {  	_ =	strace $0x80000052;
	s11 =	simm.s32 $0x1;
	p0 =	por $0x0, $0x0  }
0xd: {  	[tilespmem:s2], [sflag:$0x1] =	stream.linear.gather [hbm4b:s5+s2], $0x80, $0x200038;
	[tilespmem:$0x8100] =	vst v63  }
0xe: {  	s11 =	simm.s32 @p0 $0x0  }
0xf: {  	p4 =	por $0x1, $0x1;
	s20 =	sand.u32 $0x1, s2;
	p1 =	sne.s32 s11, $0x0  }
0x10: {  	p2 =	por $0x1, $0x1;
	s18 =	simm.s32 $0x1E;
	p0 =	por !p4, !p1  }
0x11: {  	s16 =	simm.s32 $0x0;
	p5 =	por $0x0, $0x0;
	p0 =	por !p0, !p0  }
0x12: {  	s23 =	sadd.s32 $0x0, s4;
	s30 =	sadd.s32 $0x1, s20;
	s12 =	sadd.s32 @p0 s4, s11  }
0x13: {  	_ =	strace $0x90000052;
	s13 =	sand.u32 @p0 $0x1, s7;
	s12 =	sshll.u32 @p0 s12, $0x4  }
0x14: {  	_ =	strace @p0 $0x80000053;
	s15 =	simm.s32 @p0 $0x0;
	s12 =	sand.u32 @p0 $0x1FFFFFF0, s12  }
0x15: {  	s14 =	sshll.u32 @p0 s13, $0x7;
	s13 =	sadd.s32 @p0 $0x1, s13;
	s12 =	sadd.s32 @p0 s1, s12  }
0x16: {  	[tilespmem:s14], [sflag:s13] =	stream.linear.gather @p0 [hbm4b:s12+s15], $0x80, $0x200038;
	[tilespmem:$0x8100] =	vst v63  }
0x17: {  	p3 =	por p2, p2;
	s21 =	sshll.u32 s20, $0xE;
	_ =	strace @p0 $0x90000053  }
0x18: {  	s16 =	sand.u32 $0x80, s16;
	p2 =	por p5, p5;
	_ =	strace $0x80000054  }
0x19: {  	s17 =	sadd.s32 $0x1, s11;
	s22 =	sor.u32 $0x100, s21;
	_ =	swait.ge [sflag:s30], $0x80  }
0x1a: {  	s21 =	simm.s32 $0x1;
	p6 =	por p1, p1;
	[sflag:s30] =	ssyncset.done $0x0  }
0x1b: {  	p1 =	por p3, p3;
	p4 =	por $0x1, $0x1;
	[sflag:s30] =	ssyncadd.s32 $0xFFFFFF80  }
0x1c: {  	s12 =	simm.s32 $0x1F;
	s15 =	sand.u32 @!p3 $0x1, s2;
	_ =	strace $0x90000054  }
0x1d: {  	s13 =	simm.s32 $0x1;
	p3 =	seq.s32 s17, $0x20;
	_ =	strace $0x80000055  }
0x1e: {  	s13 =	simm.s32 @!p0 $0x0;
	s17 =	simm.s32 @p3 $0x0;
	s19 =	rddreg [dreg:$0x4]  }
0x1f: {  	p0 =	por $0x0, $0x0;
	s14 =	sadd.s32 $0x1, s13;
	s31 =	rddreg [dreg:$0x3]  }
0x20: {  	[tilespmem:s22], [sflag:$0x5] =	stream.indirect.gather [hbm4b:s31+s19], $0x80, s16, s19, $0x2000b8;
	[tilespmem:$0x8100] =	vst v63  }
0x21: {  	p3 =	sne.s32 s11, s17;
	s21 =	simm.s32 @!p0 $0x0;
	_ =	swait.ge [sflag:s8], $0x4000  }
0x22: {  	p5 =	por !p4, !p3;
	p4 =	por $0x0, $0x0;
	[sflag:s8] =	ssyncset.done $0x0  }
0x23: {  	s13 =	simm.s32 $0x0;
	p6 =	por p4, p6;
	[sflag:s8] =	ssyncadd.s32 $0xFFFFC000  }
0x24: {  	s16 =	simm.s32 $0x0;
	s19 =	simm.s32 $0x0;
	_ =	strace $0x90000055  }
.LBB2_2:
0x25: {  	_ =	strace @p6 $0x80000056;
	s13 =	sadd.s32 s21, s13;
	s21 =	smov.u32 s12  }
0x26: {  	s12 =	smov.u32 s18;
	s18 =	sadd.s32 $0xFFFFFFFF, s18;
	p0 =	por p3, p3  }
0x27: {  	s28 =	sshll.u32 @p6 s23, $0xB;
	s20 =	sadd.s32 @p6 $0x3, s20;
	s24 =	simm.s32 @!p0 $0x0  }
0x28: {  	s25 =	rddreg [dreg:$0x5];
	s28 =	sand.u32 @p6 $0x1FFFF800, s28;
	s24 =	simm.s32 @p0 $0x1  }
0x29: {  	s25 =	sadd.s32 @p6 s25, s28;
	s28 =	simm.s32 @p6 $0x0;
	p0 =	sne.s32 s18, $0x0  }
0x2a: {  	[hbm4b:s25+s28] =	stream.linear.scatter @p6 [tilespmem:s22], [sflag:s20], $0x4000, $0x200038;
	[tilespmem:$0x8100] =	vst v63  }
0x2b: {  	s20 =	sadd.s32 @!p1 $0x3, s15;
	s15 =	simm.s32 @!p0 $0x0  }
0x2c: {  	s26 =	simm.s32 $0x1;
	[smem:$0x7FC] =	sst s24;
	s15 =	simm.s32 @p0 $0x1  }
0x2d: {  	s26 =	simm.s32 @!p6 $0x0;
	_ =	strace @p6 $0x90000056;
	[smem:$0x7FD] =	sst s15  }
0x2e: {  	p5 =	por !p5, !p5;
	s19 =	sadd.s32 s26, s19;
	_ =	strace @!p1 $0x80000057  }
0x2f: {  	s24 =	sand.u32 @!p2 $0x1, s13;
	s22 =	sand.u32 @p5 $0x1, s14;
	_ =	swait.ge @!p1 [sflag:s20], $0x4000  }
0x30: {  	s15 =	smov.u32 s24;
	s24 =	sadd.s32 @p5 s4, s17;
	[sflag:s20] =	ssyncset.done @!p1 $0x0  }
0x31: {  	s25 =	sshll.u32 @p5 s22, $0x7;
	s24 =	sshll.u32 @p5 s24, $0x4;
	[sflag:s20] =	ssyncadd.s32 @!p1 $0xFFFFC000  }
0x32: {  	s20 =	sadd.s32 @p5 $0x1, s22;
	s22 =	sand.u32 @p5 $0x1FFFFFF0, s24;
	_ =	strace @!p1 $0x90000057  }
0x33: {  	s24 =	simm.s32 @p5 $0x0;
	s22 =	sadd.s32 @p5 s1, s22;
	_ =	strace @p5 $0x80000053  }
0x34: {  	[tilespmem:s25], [sflag:s20] =	stream.linear.gather @p5 [hbm4b:s22+s24], $0x80, $0x200038;
	[tilespmem:$0x8100] =	vst v63  }
0x35: {  	s16 =	sadd.s32 s26, s16;
	s26 =	sand.u32 $0x1, s19;
	_ =	strace @p5 $0x90000053  }
0x36: {  	s24 =	sadd.s32 $0x1, s26;
	_ =	strace $0x80000054  }
0x37: {  	_ =	swait.ge [sflag:s24], $0x80  }
0x38: {  	[sflag:s24] =	ssyncset.done $0x0  }
0x39: {  	s20 =	simm.s32 $0x1;
	[sflag:s24] =	ssyncadd.s32 $0xFFFFFF80  }
0x3a: {  	s20 =	simm.s32 @!p5 $0x0;
	_ =	strace $0x90000054  }
0x3b: {  	s14 =	sadd.s32 s20, s14;
	s20 =	sand.u32 $0x1, s16;
	_ =	strace $0x80000055  }
0x3c: {  	s29 =	sshll.u32 s19, $0x7;
	s25 =	sshll.u32 s20, $0xE;
	s26 =	rddreg [dreg:$0x4]  }
0x3d: {  	s29 =	sand.u32 $0x80, s29;
	s22 =	sor.u32 $0x100, s25;
	s30 =	rddreg [dreg:$0x3]  }
0x3e: {  	[tilespmem:s22], [sflag:$0x5] =	stream.indirect.gather [hbm4b:s30+s26], $0x80, s29, s26, $0x2000b8;
	[tilespmem:$0x8100] =	vst v63  }
0x3f: {  	_ =	swait.ge [sflag:s8], $0x4000  }
0x40: {  	s31 =	sadd.s32 $0x1, s17;
	[sflag:s8] =	ssyncset.done $0x0  }
0x41: {  	s23 =	sadd.s32 s4, s11;
	s11 =	smov.u32 s17;
	[sflag:s8] =	ssyncadd.s32 $0xFFFFC000  }
0x42: {  	p3 =	seq.s32 s31, $0x20;
	s17 =	smov.u32 s31;
	_ =	strace $0x90000055  }
0x43: {  	s17 =	simm.s32 @p3 $0x0;
	s31 =	sld [smem:$0x7FD]  }
0x44: {  	p6 =	sne.s32 s12, $0x1;
	p0 =	sne.s32 s21, $0x20;
	p3 =	sne.s32 s11, s17  }
0x45: {  	p5 =	por !p6, !p3;
	p6 =	seq.s32 s21, $0x1;
	s21 =	simm.s32 $0x1  }
0x46: {  	s21 =	simm.s32 @!p0 $0x0;
	p0 =	seq.s32 s31, $0x1  }
.Ltmp0:
0x47: {  	s30 =	sld [smem:$0x7FC];
	(pc) =	sbr.rel @p0 .LBB2_2-.Ltmp0, $4  }
0x48: {  	_ = 	snop  }
0x49: {  	p4 =	seq.s32 s12, $0x20  }
0x4a: {  	p1 =	por p2, p2;
	p2 =	por p4, p4;
	p4 =	seq.s32 s30, $0x1  }
0x4b: {  	p6 =	por p6, p4  }
0x4c: {  	_ =	strace @p6 $0x80000056;
	s23 =	sshll.u32 @p6 s23, $0xB  }
0x4d: {  	s18 =	rddreg [dreg:$0x5];
	s23 =	sand.u32 @p6 $0x1FFFF800, s23  }
0x4e: {  	s20 =	sadd.s32 @p6 $0x3, s20;
	s18 =	sadd.s32 @p6 s18, s23;
	s23 =	simm.s32 @p6 $0x0  }
0x4f: {  	[hbm4b:s18+s23] =	stream.linear.scatter @p6 [tilespmem:s22], [sflag:s20], $0x4000, $0x200038;
	[tilespmem:$0x8100] =	vst v63  }
0x50: {  	p0 =	por !p5, !p5;
	_ =	strace @p6 $0x90000056  }
0x51: {  	s15 =	sadd.s32 @!p1 $0x3, s15;
	s17 =	sadd.s32 @p0 s4, s17;
	_ =	strace @!p1 $0x80000057  }
0x52: {  	s14 =	sand.u32 @p0 $0x1, s14;
	s17 =	sshll.u32 @p0 s17, $0x4;
	_ =	swait.ge @!p1 [sflag:s15], $0x4000  }
0x53: {  	s18 =	simm.s32 $0x1;
	s20 =	sshll.u32 @p0 s14, $0x7;
	[sflag:s15] =	ssyncset.done @!p1 $0x0  }
0x54: {  	s14 =	sadd.s32 @p0 $0x1, s14;
	s18 =	simm.s32 @!p6 $0x0;
	[sflag:s15] =	ssyncadd.s32 @!p1 $0xFFFFC000  }
0x55: {  	s19 =	sadd.s32 s18, s19;
	s15 =	sand.u32 @p0 $0x1FFFFFF0, s17;
	_ =	strace @!p1 $0x90000057  }
0x56: {  	s17 =	simm.s32 @p0 $0x0;
	s15 =	sadd.s32 @p0 s1, s15;
	_ =	strace @p0 $0x80000053  }
0x57: {  	[tilespmem:s20], [sflag:s14] =	stream.linear.gather @p0 [hbm4b:s15+s17], $0x80, $0x200038;
	[tilespmem:$0x8100] =	vst v63  }
0x58: {  	s25 =	sand.u32 $0x1, s19;
	_ =	strace @p0 $0x90000053  }
0x59: {  	s14 =	sadd.s32 $0x1, s25;
	_ =	strace $0x80000054  }
0x5a: {  	_ =	swait.ge [sflag:s14], $0x80  }
0x5b: {  	[sflag:s14] =	ssyncset.done $0x0  }
0x5c: {  	[sflag:s14] =	ssyncadd.s32 $0xFFFFFF80  }
0x5d: {  	s26 =	sadd.s32 s18, s16;
	_ =	strace $0x90000054  }
0x5e: {  	s14 =	sand.u32 $0x1, s26;
	_ =	strace $0x80000055  }
0x5f: {  	s30 =	sshll.u32 s19, $0x7;
	s31 =	sshll.u32 s14, $0xE;
	s28 =	rddreg [dreg:$0x4]  }
0x60: {  	s17 =	sand.u32 $0x80, s30;
	s18 =	sor.u32 $0x100, s31;
	s29 =	rddreg [dreg:$0x3]  }
0x61: {  	[tilespmem:s18], [sflag:$0x5] =	stream.indirect.gather [hbm4b:s29+s28], $0x80, s17, s28, $0x2000b8;
	[tilespmem:$0x8100] =	vst v63  }
0x62: {  	_ =	swait.ge [sflag:s8], $0x4000  }
0x63: {  	[sflag:s8] =	ssyncset.done $0x0  }
0x64: {  	p5 =	por p3, p3;
	p6 =	seq.s32 s12, $0x1;
	[sflag:s8] =	ssyncadd.s32 $0xFFFFC000  }
0x65: {  	s11 =	sadd.s32 s4, s11;
	p0 =	por p6, p5;
	_ =	strace $0x90000055  }
0x66: {  	s11 =	sshll.u32 @p0 s11, $0xB;
	_ =	strace @p0 $0x80000056  }
0x67: {  	s13 =	sadd.s32 s21, s13;
	s11 =	sand.u32 @p0 $0x1FFFF800, s11;
	s12 =	rddreg [dreg:$0x5]  }
0x68: {  	s14 =	sadd.s32 @p0 $0x3, s14;
	s11 =	sadd.s32 @p0 s12, s11;
	s12 =	simm.s32 @p0 $0x0  }
0x69: {  	[hbm4b:s11+s12] =	stream.linear.scatter @p0 [tilespmem:s18], [sflag:s14], $0x4000, $0x200038;
	[tilespmem:$0x8100] =	vst v63  }
0x6a: {  	p1 =	por p2, p2;
	s11 =	sand.u32 @!p2 $0x1, s13;
	_ =	strace @p0 $0x90000056  }
0x6b: {  	s11 =	sadd.s32 @!p1 $0x3, s11;
	_ =	strace @!p1 $0x80000057  }
0x6c: {  	_ =	swait.ge @!p1 [sflag:s11], $0x4000  }
0x6d: {  	[sflag:s11] =	ssyncset.done @!p1 $0x0  }
0x6e: {  	s10 =	sadd.s32 $0x1, s10;
	[sflag:s11] =	ssyncadd.s32 @!p1 $0xFFFFC000  }
0x6f: {  	p0 =	sne.s32 s10, s6;
	_ =	strace @!p1 $0x90000057  }
.Ltmp1:
0x70: {  	_ =	strace $0x80000058;
	(pc) =	sbr.rel @p0 .LBB2_1-.Ltmp1, $4  }
0x71: {  	_ =	swait.ge [sflag:s9], $0x4000  }
0x72: {  	[sflag:s9] =	ssyncset.done $0x0  }
0x73: {  	[sflag:s9] =	ssyncadd.s32 $0xFFFFC000  }
0x74: {  	_ =	strace $0x90000058  }
0x75: {  	_ =	sfence.sel $0x180000  }
0x76: {  	[bflag:$0x0] =	sbarrier.arrive $0xFFFF  }
0x77: {  	p0 =	sne.s32 s3, $0x0;
	_ =	strace $0x90000051  }
0x78: {  	s0 =	sadd.s32 @!p0 $0x100000, s0;
	[bflag:$0x2] =	sbarrier.arrive $0xFFFF  }
0x79: {  	[sflag:s0] =	ssyncadd.tile.s32 @!p0 $0x1;
	_ =	shalt  }
.Lfunc_end2:
_tile_overlayer_lowered:
.L_overlay_start_2:
0x7a: {  	(tag) =	ssettag $0x2  }
0x7b: {  	s0 =	rddreg [dreg:$0x0];
	s2 =	stileid.u32  }
0x7c: {  	s1 =	rddreg [dreg:$0x1];
	p0 =	sne.s32 s2, $0x0  }
0x7d: {  	s3 =	rddreg [dreg:$0x2];
	[bflag:$0x3] =	sbarrier.arrive $0xFFFF;
	s2 =	simm.s32 @!p0 $0x1C01  }
0x7e: {  	[timem:s3], [sflag:s2] =	dma.local @!p0 [hbm:s0], s1  }
0x7f: {  	s0 =	simm.s32 @!p0 $0x1  }
0x80: {  	_ =	swait.ge @!p0 [sflag:s0], s1  }
0x81: {  	s1 =	ssub.s32 @!p0 $0x0, s1;
	[sflag:s0] =	ssyncset.done @!p0 $0x0  }
0x82: {  	[sflag:s0] =	ssyncadd.s32 @!p0 s1  }
0x83: {  	[bflag:$0x3] =	sbarrier.arrive $0xFFFF  }
0x84: {  	_ =	shalt  }

</sc_bundles>
